<compile_context>
chip_gen: v7x
topology: tpu7x:2x2x1
jax: 0.10.2.dev20260603
libtpu: 0.0.44.dev20260713+nightly
codegen_flags: <defaults>
</compile_context>

<pallas_src>
import functools

import jax
import jax.numpy as jnp
from jax import lax
from jax.experimental import pallas as pl
from jax.experimental.pallas import tpu as pltpu
from jax.experimental.pallas import tpu_sc as plsc

B, N, H, W = 8, 2000, 512, 512
NP = 2048
RB = 256
NRB = NP // RB
K = 5
NKP = B * NP
GRP = 16
NC, NS = 2, 16
NW = NC * NS
GPI = NKP // GRP
GPW = GPI // NW
KPW = GPW * GRP


def _smooth_l1(x, y, beta):
    d = jnp.abs(x - y)
    return jnp.where(d < beta, 0.5 * d * d / beta, d - 0.5 * beta)



def _sc_gather(imgs, klx, kly, krx, kry):
    mesh = plsc.VectorSubcoreMesh(core_axis_name="c", subcore_axis_name="s")

    BG = 4
    GB = 64 * GRP

    @functools.partial(
        pl.kernel,
        out_type=[jax.ShapeDtypeStruct((GPI * GB,), jnp.float32),
                  jax.ShapeDtypeStruct((GPI * GB,), jnp.float32)],
        mesh=mesh,
        scratch_types=[
            pltpu.VMEM((KPW,), jnp.float32),
            pltpu.VMEM((KPW,), jnp.float32),
            pltpu.VMEM((BG * GB,), jnp.int32),
            pltpu.VMEM((BG * GB,), jnp.float32),
            pltpu.SemaphoreType.DMA,
        ],
    )
    def body(imgs_hbm, klx_h, kly_h, krx_h, kry_h, outl, outr,
             kxv, kyv, idxv, gv, sem):
        wid = lax.axis_index("s") * NC + lax.axis_index("c")
        lane = lax.iota(jnp.int32, GRP)

        def do_image(kx_h, ky_h, out, side):
            base_kp = wid * KPW
            pltpu.sync_copy(kx_h.at[pl.ds(base_kp, KPW)], kxv)
            pltpu.sync_copy(ky_h.at[pl.ds(base_kp, KPW)], kyv)

            def group(t, carry):
                off = t * GRP
                sbase = (t % BG) * GB
                kx = kxv[pl.ds(off, GRP)]
                ky = kyv[pl.ds(off, GRP)]
                kp = base_kp + off + lane
                bimg = (kp >> 11) + (side * B)
                base = bimg << 18
                xi = kx.astype(jnp.int32)
                yt = ky.astype(jnp.int32)
                yi = yt - jnp.where(ky < yt.astype(jnp.float32), 1, 0)
                for i in range(8):
                    yr = jnp.minimum(jnp.maximum(yi + (i - 3), 0), H - 1)
                    rowb = base + (yr << 9)
                    for j in range(8):
                        xc = jnp.minimum(jnp.maximum(xi + (j - 3), 0), W - 1)
                        idxv[pl.ds(sbase + (i * 8 + j) * GRP, GRP)] = rowb + xc

                @pl.when(t % BG == BG - 1)
                def _():
                    pltpu.async_copy(imgs_hbm.at[idxv], gv, sem).wait()
                    pltpu.sync_copy(
                        gv, out.at[pl.ds((base_kp + off) * 64 - (BG - 1) * GB,
                                         BG * GB)])

                return carry

            lax.fori_loop(0, GPW, group, 0)

        do_image(klx_h, kly_h, outl, 0)
        do_image(krx_h, kry_h, outr, 1)

    return body(imgs, klx, kly, krx, kry)



def _pinn_features(kx, ky, krx, sc, q):
    d = kx - krx

    def bf(v):
        return v.astype(jnp.bfloat16).astype(jnp.float32)

    kxb, kyb, db = bf(kx), bf(ky), bf(d)
    proj = []
    for j in range(4):
        proj.append(((kxb * bf(q[j][0]) + kyb * bf(q[j][1]))
                     + db * bf(q[j][2])) + bf(q[j][3]))
    wc = jnp.maximum(proj[3], 1e-6)
    x3 = proj[0] / wc
    y3 = proj[1] / wc
    z3 = proj[2] / wc
    mask = ((z3 > 100.0) & (z3 < 30000.0) & (sc > 0.1)).astype(jnp.float32)
    return x3 / 1000.0, z3 / 1000.0, y3 / 1000.0, mask


def _cdist_body(q_ref, kxc, kyc, krxc, scc, kxr, kyr, krxr, scr, out_ref):
    rb = pl.program_id(1)
    q = [[q_ref[0, j, k] for k in range(4)] for j in range(4)]

    xs_c, zs_c, hgt_c, mask_c = _pinn_features(
        kxc[...].reshape(1, NP), kyc[...].reshape(1, NP),
        krxc[...].reshape(1, NP), scc[...].reshape(1, NP), q)
    xs_r, zs_r, hgt_r, mask_r = _pinn_features(
        kxr[...], kyr[...], krxr[...], scr[...], q)

    big = jnp.float32(1e20)
    sent = jnp.float32(1e10)
    xs_cm = jnp.where(mask_c > 0.5, xs_c, sent)
    zs_cm = jnp.where(mask_c > 0.5, zs_c, sent)
    dsq = (xs_r - xs_cm) ** 2 + (zs_r - zs_cm) ** 2
    dmat = jnp.maximum(dsq, 1e-24)

    ii = lax.broadcasted_iota(jnp.int32, (RB, NP), 1).astype(jnp.float32)
    sqs, hs = [], []
    for r in range(K + 1):
        m = jnp.min(dmat, axis=1, keepdims=True)
        cand = jnp.where(dmat == m, ii, jnp.float32(NP))
        jmin = jnp.min(cand, axis=1, keepdims=True)
        sel = cand == jmin
        h = jnp.sum(jnp.where(sel, hgt_c, 0.0), axis=1, keepdims=True)
        sqs.append(m)
        hs.append(h)
        if r < K:
            dmat = jnp.where(sel, big, dmat)

    local_mean = (hs[1] + hs[2] + hs[3] + hs[4] + hs[5]) * jnp.float32(0.2)
    sl1 = _smooth_l1(hgt_r, local_mean, jnp.float32(0.01))
    pen = jnp.zeros_like(hgt_r)
    for r in range(1, K + 1):
        ndist = jnp.maximum(jnp.sqrt(sqs[r]), 0.001)
        pen = pen + jnp.maximum(jnp.abs(hs[r] - hgt_r) / ndist - 0.4, 0.0)

    s_sm = jnp.sum(sl1 * mask_r)
    s_pen = jnp.sum(pen * mask_r)
    s_h = jnp.sum(hgt_r * mask_r)
    s_cnt = jnp.sum(mask_r)

    lane = lax.broadcasted_iota(jnp.int32, (1, 128), 1)
    vec = (jnp.where(lane == 0, s_sm, 0.0) + jnp.where(lane == 1, s_pen, 0.0)
           + jnp.where(lane == 2, s_h, 0.0) + jnp.where(lane == 3, s_cnt, 0.0))

    @pl.when(rb == 0)
    def _():
        out_ref[...] = jnp.zeros_like(out_ref)

    out_ref[...] += vec.reshape(1, 1, 128)


def _cdist_call(q, kx, ky, krx, sc, interpret=False):
    col = pl.BlockSpec((1, 1, NP), lambda b, rb: (b, 0, 0))
    row = pl.BlockSpec((RB, 1), lambda b, rb: (b * NRB + rb, 0))
    args = []
    for arr in (kx, ky, krx, sc):
        args.append(arr.reshape(B, 1, NP))
    for arr in (kx, ky, krx, sc):
        args.append(arr.reshape(B * NP, 1))
    out = pl.pallas_call(
        _cdist_body,
        grid=(B, NRB),
        in_specs=[
            pl.BlockSpec((1, 4, 4), lambda b, rb: (b, 0, 0),
                         memory_space=pltpu.SMEM),
            col, col, col, col, row, row, row, row,
        ],
        out_specs=pl.BlockSpec((1, 1, 128), lambda b, rb: (b, 0, 0)),
        out_shape=jax.ShapeDtypeStruct((B, 1, 128), jnp.float32),
        compiler_params=pltpu.CompilerParams(
            dimension_semantics=("arbitrary", "arbitrary")),
        interpret=interpret,
    )(q, *args)
    return out.reshape(B, 128)



def _photo_body(sl_ref, sr_ref, kxl, kyl, kxr, kyr, sc_ref, out_ref):
    b = pl.program_id(0)
    sc = sc_ref[...]

    def patches(s_ref, kx, ky):
        wx = kx - jnp.floor(kx)
        wy = ky - jnp.floor(ky)
        v = s_ref[0:56, :] * (1.0 - wy) + s_ref[8:64, :] * wy
        v3 = v.reshape(7, 8, v.shape[-1])
        p = v3[:, :7, :] * (1.0 - wx) + v3[:, 1:, :] * wx
        val = v[27:28, :] * (1.0 - wx) + v[28:29, :] * wx
        return p, val

    pl_p, val_l = patches(sl_ref, kxl[...], kyl[...])
    pr_p, val_r = patches(sr_ref, kxr[...], kyr[...])

    t = jnp.sum(jnp.abs(pl_p - pr_p), axis=1)
    adsum = jnp.sum(t, axis=0, keepdims=True)
    diff = adsum * jnp.float32(1.0 / 49.0)

    isb = (val_l > 0.02).astype(jnp.float32)
    wts = sc * isb
    num1 = jnp.sum(diff * wts)
    den = jnp.sum(wts)
    num2 = jnp.sum(_smooth_l1(val_l, val_r, jnp.float32(1.0)) * wts)

    ydiff = jnp.abs(kyl[...] - kyr[...])
    e_num = jnp.sum(ydiff * sc)
    e_den = jnp.sum(sc)
    e_sum = jnp.sum(ydiff)
    nfin = jnp.sum((sc > 0.1).astype(jnp.float32))

    lane = lax.broadcasted_iota(jnp.int32, (1, 128), 1)
    vec = (jnp.where(lane == 0, num1, 0.0) + jnp.where(lane == 1, den, 0.0)
           + jnp.where(lane == 2, num2, 0.0) + jnp.where(lane == 3, e_num, 0.0)
           + jnp.where(lane == 4, e_den, 0.0) + jnp.where(lane == 5, e_sum, 0.0)
           + jnp.where(lane == 6, nfin, 0.0))

    @pl.when(b == 0)
    def _():
        out_ref[...] = jnp.zeros_like(out_ref)

    out_ref[...] += vec


def _photo_call(sl, sr, kxl, kyl, kxr, kyr, sc, interpret=False):
    simg = pl.BlockSpec((64, NP), lambda b: (0, b))
    vec = pl.BlockSpec((1, NP), lambda b: (0, b))
    return pl.pallas_call(
        _photo_body,
        grid=(B,),
        in_specs=[simg, simg, vec, vec, vec, vec, vec],
        out_specs=pl.BlockSpec((1, 128), lambda b: (0, 0)),
        out_shape=jax.ShapeDtypeStruct((1, 128), jnp.float32),
        compiler_params=pltpu.CompilerParams(
            dimension_semantics=("arbitrary",)),
        interpret=interpret,
    )(sl, sr, kxl, kyl, kxr, kyr, sc)



def kernel(lg, rg, kpl, kpr, scores, Q):
    f32 = jnp.float32
    pad = ((0, 0), (0, NP - N))
    klx = jnp.pad(kpl[..., 0], pad, constant_values=100.0)
    kly = jnp.pad(kpl[..., 1], pad, constant_values=100.0)
    krx = jnp.pad(kpr[..., 0], pad, constant_values=100.0)
    kry = jnp.pad(kpr[..., 1], pad, constant_values=100.0)
    sc = jnp.pad(scores, pad, constant_values=0.0)

    imgs = jnp.concatenate([lg.reshape(-1), rg.reshape(-1)])

    pinn = _cdist_call(Q, klx, kly, krx, sc)

    sl_g, sr_g = _sc_gather(imgs, klx.reshape(-1), kly.reshape(-1),
                            krx.reshape(-1), kry.reshape(-1))
    sl = sl_g.reshape(GPI, 64, GRP).transpose(1, 0, 2).reshape(64, NKP)
    sr = sr_g.reshape(GPI, 64, GRP).transpose(1, 0, 2).reshape(64, NKP)

    photo = _photo_call(sl, sr,
                        klx.reshape(1, -1), kly.reshape(1, -1),
                        krx.reshape(1, -1), kry.reshape(1, -1),
                        sc.reshape(1, -1))

    a = photo[0]
    num1, den_w, num2 = a[0], a[1], a[2]
    e_num, e_den, e_sum, nfin = a[3], a[4], a[5], a[6]
    l_epi = jnp.where(e_den > 1e-4, e_num / jnp.maximum(e_den, 1e-12),
                      e_sum / f32(B * N))
    l_masked = jnp.where(den_w < 1e-4, 0.0, num1 / jnp.maximum(den_w, 1e-12))
    l_int = jnp.where(den_w < 1e-4, 0.0, num2 / jnp.maximum(den_w, 1e-12))
    l_photo = l_masked + l_int

    s_sm, s_pen, s_h, cnt = pinn[:, 0], pinn[:, 1], pinn[:, 2], pinn[:, 3]
    msum = jnp.maximum(cnt, 1.0)
    ok = (cnt >= 10.0).astype(f32)
    ls = jnp.sum(ok * s_sm / msum)
    lsl = jnp.sum(ok * s_pen / (msum * K))
    lz = jnp.sum(ok * jnp.abs(s_h / msum))
    vb = jnp.sum(ok)
    vbs = jnp.maximum(vb, 1.0)
    gate = (vb > 0.0).astype(f32)
    l_sm = gate * ls / vbs
    l_sl = gate * lsl / vbs
    l_zm = gate * lz / vbs

    g = (nfin >= 10.0).astype(f32)
    return (l_photo, l_epi, g * l_sm, g * l_sl, g * l_zm)

# --- scband reference (transcript-rebuilt; emitter-appended) ---
"""Pipeline reference for scband-pinnphysics-loss-4277787427055 (READ-ONLY COPY).

The authoritative reference and input builder live on the scoring server;
editing this copy changes nothing except your own understanding.
"""

import jax, jax.numpy as jnp
import numpy as np

PATCH_SIZE = 7
BRIGHT_THRESHOLD = 0.02
B, N, H, W = 8, 2000, 512, 512


def smooth_l1(x, y, beta):
    d = jnp.abs(x - y)
    return jnp.where(d < beta, 0.5 * d * d / beta, d - 0.5 * beta)


def grid_sample_border(image, grid):
    # image [B,C,H,W], grid [B,Hg,Wg,2] normalized, align_corners=True, padding_mode='border'
    Bc, C, Hh, Ww = image.shape
    gx = jnp.clip((grid[..., 0] + 1.0) * 0.5 * (Ww - 1), 0.0, Ww - 1.0)
    gy = jnp.clip((grid[..., 1] + 1.0) * 0.5 * (Hh - 1), 0.0, Hh - 1.0)
    x0 = jnp.floor(gx)
    y0 = jnp.floor(gy)
    x1 = jnp.minimum(x0 + 1.0, Ww - 1.0)
    y1 = jnp.minimum(y0 + 1.0, Hh - 1.0)
    wx = gx - x0
    wy = gy - y0
    x0i = x0.astype(jnp.int32); x1i = x1.astype(jnp.int32)
    y0i = y0.astype(jnp.int32); y1i = y1.astype(jnp.int32)

    def one(img, xa, xb, ya, yb, u, v):
        v00 = img[:, ya, xa]
        v01 = img[:, ya, xb]
        v10 = img[:, yb, xa]
        v11 = img[:, yb, xb]
        u_ = u[None]; v_ = v[None]
        return v00 * (1 - u_) * (1 - v_) + v01 * u_ * (1 - v_) + v10 * (1 - u_) * v_ + v11 * u_ * v_

    return jax.vmap(one)(image, x0i, x1i, y0i, y1i, wx, wy)


def sample_patches(image, keypoints, patch_size):
    Bk, Nk, _ = keypoints.shape
    half = patch_size // 2
    lin = jnp.linspace(-half, half, patch_size)
    xv, yv = jnp.meshgrid(lin, lin, indexing='ij')
    grid_rel = jnp.stack([yv, xv], axis=-1).reshape(1, 1, -1, 2)
    kp_expand = keypoints[:, :, None, :] + grid_rel
    _, c, h, w = image.shape
    w = max(w, 2); h = max(h, 2)
    kx = 2.0 * kp_expand[..., 0] / (w - 1) - 1.0
    ky = 2.0 * kp_expand[..., 1] / (h - 1) - 1.0
    kp_norm = jnp.stack([kx, ky], axis=-1).reshape(Bk, -1, 1, 2)
    patches = grid_sample_border(image, kp_norm)
    return patches.reshape(Bk, c, Nk, patch_size, patch_size)


def compute_pinn(points_3d, scores):
    # fixed-shape mask-weighted translation of the torch boolean-select version;
    # inputs are constructed so every point is valid, making this exactly equivalent
    K = 5
    ls = 0.0; lsl = 0.0; lz = 0.0; vb = 0.0
    for b in range(points_3d.shape[0]):
        p = points_3d[b]
        sc = scores[b]
        mask = ((p[:, 2] > 100.0) & (p[:, 2] < 30000.0) & (sc > 0.1)).astype(jnp.float32)
        cnt = jnp.sum(mask)
        pm = p / 1000.0
        xy = jnp.stack([pm[:, 0], pm[:, 2]], axis=-1)
        hgt = pm[:, 1]
        diff = xy[:, None, :] - xy[None, :, :]
        sq = jnp.sum(diff * diff, axis=-1)
        dist = jnp.sqrt(jnp.clip(sq, 1e-24, None))
        dist_m = jnp.where(mask[None, :] > 0.5, dist, 1e10)
        negv, idx = jax.lax.top_k(-dist_m, K + 1)
        dists = -negv
        nidx = idx[:, 1:]
        ndist = jnp.maximum(dists[:, 1:], 0.001)
        nh = hgt[nidx]
        local_mean = jnp.mean(nh, axis=1)
        msum = jnp.maximum(cnt, 1.0)
        l_sm = jnp.sum(smooth_l1(hgt, local_mean, 0.01) * mask) / msum
        dh = jnp.abs(nh - hgt[:, None])
        pen = jax.nn.relu(dh / ndist - 0.4)
        l_sl = jnp.sum(pen * mask[:, None]) / (msum * K)
        l_zm = jnp.abs(jnp.sum(hgt * mask) / msum)
        ok = (cnt >= 10.0).astype(jnp.float32)
        ls = ls + ok * l_sm
        lsl = lsl + ok * l_sl
        lz = lz + ok * l_zm
        vb = vb + ok
    vbs = jnp.maximum(vb, 1.0)
    gate = (vb > 0.0).astype(jnp.float32)
    return gate * ls / vbs, gate * lsl / vbs, gate * lz / vbs


def _forward(lg, rg, kpl, kpr, scores, Q):
    y_diff = jnp.abs(kpl[..., 1] - kpr[..., 1])
    ws = jnp.sum(scores)
    l_epi = jnp.where(ws > 1e-4, jnp.sum(y_diff * scores) / jnp.maximum(ws, 1e-12), jnp.mean(y_diff))
    pl = sample_patches(lg, kpl, PATCH_SIZE)
    pr = sample_patches(rg, kpr, PATCH_SIZE)
    c = PATCH_SIZE // 2
    center_val = pl[:, :, :, c, c]
    is_bright = (center_val > BRIGHT_THRESHOLD).astype(jnp.float32)[:, 0, :]
    diff = jnp.mean(jnp.abs(pl - pr), axis=(1, 3, 4))
    wts = scores * is_bright
    wsum = jnp.sum(wts)
    l_masked = jnp.where(wsum < 1e-4, 0.0, jnp.sum(diff * wts) / jnp.maximum(wsum, 1e-12))
    val_l = pl[:, 0, :, c, c]
    val_r = pr[:, 0, :, c, c]
    isb2 = (val_l > BRIGHT_THRESHOLD).astype(jnp.float32)
    w2 = scores * isb2
    w2s = jnp.sum(w2)
    l_int = jnp.where(w2s < 1e-4, 0.0, jnp.sum(smooth_l1(val_l, val_r, 1.0) * w2) / jnp.maximum(w2s, 1e-12))
    l_photo = l_masked + l_int
    dispv = kpl[..., 0] - kpr[..., 0]
    ones = jnp.ones(kpl.shape[:2] + (1,), dtype=kpl.dtype)
    p4 = jnp.concatenate([kpl, dispv[..., None], ones], axis=-1)
    proj = jnp.einsum('bnk,bjk->bnj', p4, Q)
    Wc = jnp.maximum(proj[..., 3], 1e-6)
    p3d = jnp.stack([proj[..., 0] / Wc, proj[..., 1] / Wc, proj[..., 2] / Wc], axis=-1)
    nfin = jnp.sum((scores > 0.1).astype(jnp.float32))
    l_sm, l_sl, l_zm = compute_pinn(p3d, scores)
    g = (nfin >= 10.0).astype(jnp.float32)
    return (l_photo, l_epi, g * l_sm, g * l_sl, g * l_zm)


def setup_inputs(seed: int = 0) -> dict:
    key = jax.random.key(seed)
    k = jax.random.split(key, 8)
    lg = jax.random.uniform(k[0], (B, 1, H, W), dtype=jnp.float32)
    rg = jax.random.uniform(k[1], (B, 1, H, W), dtype=jnp.float32)
    kplx = jax.random.uniform(k[2], (B, N), dtype=jnp.float32) * 300.0 + 210.0
    kply = jax.random.uniform(k[3], (B, N), dtype=jnp.float32) * (H - 1)
    disp = jax.random.uniform(k[4], (B, N), dtype=jnp.float32) * 190.0 + 10.0
    kpry = kply + jax.random.normal(k[5], (B, N), dtype=jnp.float32)
    kpl = jnp.stack([kplx, kply], axis=-1)
    kpr = jnp.stack([kplx - disp, kpry], axis=-1)
    scores = 0.15 + 0.84 * jax.random.uniform(k[6], (B, N), dtype=jnp.float32)
    f, cx, cy, Tx = 2000.0, 256.0, 256.0, 120.0
    Q1 = jnp.array([[1.0, 0.0, 0.0, -cx], [0.0, 1.0, 0.0, -cy], [0.0, 0.0, 0.0, f], [0.0, 0.0, 1.0 / Tx, 0.0]], dtype=jnp.float32)
    Q = jnp.broadcast_to(Q1, (B, 4, 4)).astype(jnp.float32)
    return {"lg": lg, "rg": rg, "kpl": kpl, "kpr": kpr, "scores": scores, "Q": Q}


def reference(lg, rg, kpl, kpr, scores, Q):
    return _forward(lg, rg, kpl, kpr, scores, Q)

if __name__ == "__main__":
    import jax
    _d = setup_inputs()
    print(jax.jit(kernel)(*tuple(_d.values())))

</pallas_src>

<mosaic_0001>
#map = affine_map<(d0, d1) -> (0)>
module attributes {stable_mosaic.version = 14 : i64} {
  func.func @body(%arg0: i32, %arg1: i32, %arg2: memref<4194304xf32, #tpu.memory_space<hbm>>, %arg3: memref<16384xf32, #tpu.memory_space<hbm>>, %arg4: memref<16384xf32, #tpu.memory_space<hbm>>, %arg5: memref<16384xf32, #tpu.memory_space<hbm>>, %arg6: memref<16384xf32, #tpu.memory_space<hbm>>, %arg7: memref<1048576xf32, #tpu.memory_space<hbm>>, %arg8: memref<1048576xf32, #tpu.memory_space<hbm>>, %arg9: memref<512xf32, #tpu.memory_space<vmem>>, %arg10: memref<512xf32, #tpu.memory_space<vmem>>, %arg11: memref<4096xi32, #tpu.memory_space<vmem>>, %arg12: memref<4096xf32, #tpu.memory_space<vmem>>, %arg13: memref<!tpu.dma_semaphore, #tpu.memory_space<semaphore_mem>>) attributes {dimension_semantics = [#tpu.dimension_semantics<core_parallel>, #tpu.dimension_semantics<subcore_parallel>], iteration_bounds = array<i64: 2, 16>, scalar_prefetch = 0 : i64, scratch_operands = 5 : i64, tpu.core_type = #tpu.core_type<sc_vector_subcore>, window_params = [{transform_indices = #map}, {transform_indices = #map}, {transform_indices = #map}, {transform_indices = #map}, {transform_indices = #map}, {transform_indices = #map}, {transform_indices = #map}]} {
    %mul3A = arith.constant 2 : i32
    %mul3A_0 = arith.muli %arg1, %mul3A : i32
    %add3A = arith.addi %mul3A_0, %arg0 : i32
    %iota3A = tpu.iota {dimensions = array<i32: 0>} : vector<16xi32>
    %mul3A_1 = arith.constant 512 : i32
    %mul3A_2 = arith.muli %add3A, %mul3A_1 : i32
    "tpu.region"() ({
      %run_scoped3A = tpu.sem_alloc : memref<!tpu.dma_semaphore, #tpu.memory_space<semaphore_mem>>
      %dma_start3A = tpu.memref_slice %arg3[%mul3A_2] : memref<16384xf32, #tpu.memory_space<hbm>> -> memref<512xf32, #tpu.memory_space<hbm>>
      %dma_start3A_16 = tpu.memref_slice %arg3[%mul3A_2] : memref<16384xf32, #tpu.memory_space<hbm>> -> memref<512xf32, #tpu.memory_space<hbm>>
      tpu.enqueue_dma source(%dma_start3A_16 : memref<512xf32, #tpu.memory_space<hbm>>) target(%arg9 : memref<512xf32, #tpu.memory_space<vmem>>) target_semaphore(%run_scoped3A : memref<!tpu.dma_semaphore, #tpu.memory_space<semaphore_mem>>)
      %dma_wait3A = tpu.memref_slice %arg3[%mul3A_2] : memref<16384xf32, #tpu.memory_space<hbm>> -> memref<512xf32, #tpu.memory_space<hbm>>
      %dma_wait3A_17 = tpu.memref_slice %arg3[%mul3A_2] : memref<16384xf32, #tpu.memory_space<hbm>> -> memref<512xf32, #tpu.memory_space<hbm>>
      tpu.wait_dma2 semaphore(%run_scoped3A : memref<!tpu.dma_semaphore, #tpu.memory_space<semaphore_mem>>) src(%dma_wait3A_17 : memref<512xf32, #tpu.memory_space<hbm>>) dst(%arg9 : memref<512xf32, #tpu.memory_space<vmem>>)
      tpu.yield
    }) : () -> ()
    "tpu.region"() ({
      %run_scoped3A = tpu.sem_alloc : memref<!tpu.dma_semaphore, #tpu.memory_space<semaphore_mem>>
      %dma_start3A = tpu.memref_slice %arg4[%mul3A_2] : memref<16384xf32, #tpu.memory_space<hbm>> -> memref<512xf32, #tpu.memory_space<hbm>>
      %dma_start3A_16 = tpu.memref_slice %arg4[%mul3A_2] : memref<16384xf32, #tpu.memory_space<hbm>> -> memref<512xf32, #tpu.memory_space<hbm>>
      tpu.enqueue_dma source(%dma_start3A_16 : memref<512xf32, #tpu.memory_space<hbm>>) target(%arg10 : memref<512xf32, #tpu.memory_space<vmem>>) target_semaphore(%run_scoped3A : memref<!tpu.dma_semaphore, #tpu.memory_space<semaphore_mem>>)
      %dma_wait3A = tpu.memref_slice %arg4[%mul3A_2] : memref<16384xf32, #tpu.memory_space<hbm>> -> memref<512xf32, #tpu.memory_space<hbm>>
      %dma_wait3A_17 = tpu.memref_slice %arg4[%mul3A_2] : memref<16384xf32, #tpu.memory_space<hbm>> -> memref<512xf32, #tpu.memory_space<hbm>>
      tpu.wait_dma2 semaphore(%run_scoped3A : memref<!tpu.dma_semaphore, #tpu.memory_space<semaphore_mem>>) src(%dma_wait3A_17 : memref<512xf32, #tpu.memory_space<hbm>>) dst(%arg10 : memref<512xf32, #tpu.memory_space<vmem>>)
      tpu.yield
    }) : () -> ()
    %scan3A = arith.constant 0 : i32
    %scan3A_3 = arith.constant 0 : i32
    %scan3A_4 = arith.constant 32 : i32
    %scan3A_5 = arith.addi %scan3A_3, %scan3A_4 : i32
    %scan3A_6 = arith.constant 1 : i32
    scf.for %scan3A_16 = %scan3A_3 to %scan3A_5 step %scan3A_6  : i32 {
      %mul3A_17 = arith.constant 16 : i32
      %mul3A_18 = arith.muli %scan3A_16, %mul3A_17 : i32
      %jit3A = arith.constant 4 : i32
      %eq3A = arith.constant 0 : i32
      %eq3A_19 = arith.cmpi eq, %jit3A, %eq3A : i32
      %jit3A_20 = arith.constant 1 : i32
      %select_n3A = arith.select %eq3A_19, %jit3A_20, %jit3A : i32
      %rem3A = arith.remsi %scan3A_16, %select_n3A : i32
      %ne3A = arith.constant 0 : i32
      %ne3A_21 = arith.cmpi ne, %rem3A, %ne3A : i32
      %lt3A = arith.constant 0 : i32
      %lt3A_22 = arith.cmpi slt, %rem3A, %lt3A : i32
      %lt3A_23 = arith.constant 0 : i32
      %lt3A_24 = arith.cmpi slt, %select_n3A, %lt3A_23 : i32
      %ne3A_25 = arith.xori %lt3A_22, %lt3A_24 : i1
      %and3A = arith.andi %ne3A_25, %ne3A_21 : i1
      %add3A_26 = arith.addi %rem3A, %select_n3A : i32
      %select_n3A_27 = arith.select %and3A, %add3A_26, %rem3A : i32
      %mul3A_28 = arith.constant 1024 : i32
      %mul3A_29 = arith.muli %select_n3A_27, %mul3A_28 : i32
      %get3A = arith.index_cast %mul3A_18 : i32 to index
      %get3A_30 = tpu.vector_load %arg9[%get3A] {strides = array<i32>} : memref<512xf32, #tpu.memory_space<vmem>>, vector<16xf32>,
      %get3A_31 = vector.shape_cast %get3A_30 : vector<16xf32> to vector<16xf32>
      %get3A_32 = arith.index_cast %mul3A_18 : i32 to index
      %get3A_33 = tpu.vector_load %arg10[%get3A_32] {strides = array<i32>} : memref<512xf32, #tpu.memory_space<vmem>>, vector<16xf32>,
      %get3A_34 = vector.shape_cast %get3A_33 : vector<16xf32> to vector<16xf32>
      %add3A_35 = arith.addi %mul3A_2, %mul3A_18 : i32
      %add3A_36 = vector.broadcast %add3A_35 : i32 to vector<16xi32>
      %add3A_37 = arith.addi %add3A_36, %iota3A : vector<16xi32>
      %shift_right_arithmetic3A = arith.constant 11 : i32
      %shift_right_arithmetic3A_38 = vector.broadcast %shift_right_arithmetic3A : i32 to vector<16xi32>
      %shift_right_arithmetic3A_39 = arith.shrsi %add3A_37, %shift_right_arithmetic3A_38 : vector<16xi32>
      %add3A_40 = arith.constant 0 : i32
      %add3A_41 = vector.broadcast %add3A_40 : i32 to vector<16xi32>
      %add3A_42 = arith.addi %shift_right_arithmetic3A_39, %add3A_41 : vector<16xi32>
      %shift_left3A = arith.constant 18 : i32
      %shift_left3A_43 = vector.broadcast %shift_left3A : i32 to vector<16xi32>
      %shift_left3A_44 = arith.shli %add3A_42, %shift_left3A_43 : vector<16xi32>
      %convert_element_type3A = arith.fptosi %get3A_31 : vector<16xf32> to vector<16xi32>
      %convert_element_type3A_45 = arith.fptosi %get3A_34 : vector<16xf32> to vector<16xi32>
      %convert_element_type3A_46 = arith.sitofp %convert_element_type3A_45 : vector<16xi32> to vector<16xf32>
      %lt3A_47 = arith.cmpf olt, %get3A_34, %convert_element_type3A_46 : vector<16xf32>
      %jit3A_48 = arith.constant 1 : i32
      %jit3A_49 = arith.constant 0 : i32
      %broadcast_in_dim3A = vector.broadcast %jit3A_48 : i32 to vector<16xi32>
      %broadcast_in_dim3A_50 = vector.broadcast %jit3A_49 : i32 to vector<16xi32>
      %select_n3A_51 = arith.select %lt3A_47, %broadcast_in_dim3A, %broadcast_in_dim3A_50 : vector<16xi1>, vector<16xi32>
      %sub3A = arith.subi %convert_element_type3A_45, %select_n3A_51 : vector<16xi32>
      %add3A_52 = arith.constant -3 : i32
      %add3A_53 = vector.broadcast %add3A_52 : i32 to vector<16xi32>
      %add3A_54 = arith.addi %sub3A, %add3A_53 : vector<16xi32>
      %max3A = arith.constant 0 : i32
      %max3A_55 = vector.broadcast %max3A : i32 to vector<16xi32>
      %max3A_56 = arith.maxsi %add3A_54, %max3A_55 : vector<16xi32>
      %min3A = arith.constant 511 : i32
      %min3A_57 = vector.broadcast %min3A : i32 to vector<16xi32>
      %min3A_58 = arith.minsi %max3A_56, %min3A_57 : vector<16xi32>
      %shift_left3A_59 = arith.constant 9 : i32
      %shift_left3A_60 = vector.broadcast %shift_left3A_59 : i32 to vector<16xi32>
      %shift_left3A_61 = arith.shli %min3A_58, %shift_left3A_60 : vector<16xi32>
      %add3A_62 = arith.addi %shift_left3A_44, %shift_left3A_61 : vector<16xi32>
      %add3A_63 = arith.constant -3 : i32
      %add3A_64 = vector.broadcast %add3A_63 : i32 to vector<16xi32>
      %add3A_65 = arith.addi %convert_element_type3A, %add3A_64 : vector<16xi32>
      %max3A_66 = arith.constant 0 : i32
      %max3A_67 = vector.broadcast %max3A_66 : i32 to vector<16xi32>
      %max3A_68 = arith.maxsi %add3A_65, %max3A_67 : vector<16xi32>
      %min3A_69 = arith.constant 511 : i32
      %min3A_70 = vector.broadcast %min3A_69 : i32 to vector<16xi32>
      %min3A_71 = arith.minsi %max3A_68, %min3A_70 : vector<16xi32>
      %add3A_72 = arith.addi %add3A_62, %min3A_71 : vector<16xi32>
      %add3A_73 = arith.constant 0 : i32
      %add3A_74 = arith.addi %mul3A_29, %add3A_73 : i32
      %swap3A = arith.index_cast %add3A_74 : i32 to index
      %swap3A_75 = tpu.vector_load %arg11[%swap3A] {strides = array<i32>} : memref<4096xi32, #tpu.memory_space<vmem>>, vector<16xi32>,
      %swap3A_76 = vector.shape_cast %swap3A_75 : vector<16xi32> to vector<16xi32>
      %swap3A_77 = vector.shape_cast %add3A_72 : vector<16xi32> to vector<16xi32>
      tpu.vector_store %arg11[%swap3A], %swap3A_77 {strides = array<i32>} : memref<4096xi32, #tpu.memory_space<vmem>>, vector<16xi32>,
      %add3A_78 = arith.constant -2 : i32
      %add3A_79 = vector.broadcast %add3A_78 : i32 to vector<16xi32>
      %add3A_80 = arith.addi %convert_element_type3A, %add3A_79 : vector<16xi32>
      %max3A_81 = arith.constant 0 : i32
      %max3A_82 = vector.broadcast %max3A_81 : i32 to vector<16xi32>
      %max3A_83 = arith.maxsi %add3A_80, %max3A_82 : vector<16xi32>
      %min3A_84 = arith.constant 511 : i32
      %min3A_85 = vector.broadcast %min3A_84 : i32 to vector<16xi32>
      %min3A_86 = arith.minsi %max3A_83, %min3A_85 : vector<16xi32>
      %add3A_87 = arith.addi %add3A_62, %min3A_86 : vector<16xi32>
      %add3A_88 = arith.constant 16 : i32
      %add3A_89 = arith.addi %mul3A_29, %add3A_88 : i32
      %swap3A_90 = arith.index_cast %add3A_89 : i32 to index
      %swap3A_91 = tpu.vector_load %arg11[%swap3A_90] {strides = array<i32>} : memref<4096xi32, #tpu.memory_space<vmem>>, vector<16xi32>,
      %swap3A_92 = vector.shape_cast %swap3A_91 : vector<16xi32> to vector<16xi32>
      %swap3A_93 = vector.shape_cast %add3A_87 : vector<16xi32> to vector<16xi32>
      tpu.vector_store %arg11[%swap3A_90], %swap3A_93 {strides = array<i32>} : memref<4096xi32, #tpu.memory_space<vmem>>, vector<16xi32>,
      %add3A_94 = arith.constant -1 : i32
      %add3A_95 = vector.broadcast %add3A_94 : i32 to vector<16xi32>
      %add3A_96 = arith.addi %convert_element_type3A, %add3A_95 : vector<16xi32>
      %max3A_97 = arith.constant 0 : i32
      %max3A_98 = vector.broadcast %max3A_97 : i32 to vector<16xi32>
      %max3A_99 = arith.maxsi %add3A_96, %max3A_98 : vector<16xi32>
      %min3A_100 = arith.constant 511 : i32
      %min3A_101 = vector.broadcast %min3A_100 : i32 to vector<16xi32>
      %min3A_102 = arith.minsi %max3A_99, %min3A_101 : vector<16xi32>
      %add3A_103 = arith.addi %add3A_62, %min3A_102 : vector<16xi32>
      %add3A_104 = arith.constant 32 : i32
      %add3A_105 = arith.addi %mul3A_29, %add3A_104 : i32
      %swap3A_106 = arith.index_cast %add3A_105 : i32 to index
      %swap3A_107 = tpu.vector_load %arg11[%swap3A_106] {strides = array<i32>} : memref<4096xi32, #tpu.memory_space<vmem>>, vector<16xi32>,
      %swap3A_108 = vector.shape_cast %swap3A_107 : vector<16xi32> to vector<16xi32>
      %swap3A_109 = vector.shape_cast %add3A_103 : vector<16xi32> to vector<16xi32>
      tpu.vector_store %arg11[%swap3A_106], %swap3A_109 {strides = array<i32>} : memref<4096xi32, #tpu.memory_space<vmem>>, vector<16xi32>,
      %add3A_110 = arith.constant 0 : i32
      %add3A_111 = vector.broadcast %add3A_110 : i32 to vector<16xi32>
      %add3A_112 = arith.addi %convert_element_type3A, %add3A_111 : vector<16xi32>
      %max3A_113 = arith.constant 0 : i32
      %max3A_114 = vector.broadcast %max3A_113 : i32 to vector<16xi32>
      %max3A_115 = arith.maxsi %add3A_112, %max3A_114 : vector<16xi32>
      %min3A_116 = arith.constant 511 : i32
      %min3A_117 = vector.broadcast %min3A_116 : i32 to vector<16xi32>
      %min3A_118 = arith.minsi %max3A_115, %min3A_117 : vector<16xi32>
      %add3A_119 = arith.addi %add3A_62, %min3A_118 : vector<16xi32>
      %add3A_120 = arith.constant 48 : i32
      %add3A_121 = arith.addi %mul3A_29, %add3A_120 : i32
      %swap3A_122 = arith.index_cast %add3A_121 : i32 to index
      %swap3A_123 = tpu.vector_load %arg11[%swap3A_122] {strides = array<i32>} : memref<4096xi32, #tpu.memory_space<vmem>>, vector<16xi32>,
      %swap3A_124 = vector.shape_cast %swap3A_123 : vector<16xi32> to vector<16xi32>
      %swap3A_125 = vector.shape_cast %add3A_119 : vector<16xi32> to vector<16xi32>
      tpu.vector_store %arg11[%swap3A_122], %swap3A_125 {strides = array<i32>} : memref<4096xi32, #tpu.memory_space<vmem>>, vector<16xi32>,
      %add3A_126 = arith.constant 1 : i32
      %add3A_127 = vector.broadcast %add3A_126 : i32 to vector<16xi32>
      %add3A_128 = arith.addi %convert_element_type3A, %add3A_127 : vector<16xi32>
      %max3A_129 = arith.constant 0 : i32
      %max3A_130 = vector.broadcast %max3A_129 : i32 to vector<16xi32>
      %max3A_131 = arith.maxsi %add3A_128, %max3A_130 : vector<16xi32>
      %min3A_132 = arith.constant 511 : i32
      %min3A_133 = vector.broadcast %min3A_132 : i32 to vector<16xi32>
      %min3A_134 = arith.minsi %max3A_131, %min3A_133 : vector<16xi32>
      %add3A_135 = arith.addi %add3A_62, %min3A_134 : vector<16xi32>
      %add3A_136 = arith.constant 64 : i32
      %add3A_137 = arith.addi %mul3A_29, %add3A_136 : i32
      %swap3A_138 = arith.index_cast %add3A_137 : i32 to index
      %swap3A_139 = tpu.vector_load %arg11[%swap3A_138] {strides = array<i32>} : memref<4096xi32, #tpu.memory_space<vmem>>, vector<16xi32>,
      %swap3A_140 = vector.shape_cast %swap3A_139 : vector<16xi32> to vector<16xi32>
      %swap3A_141 = vector.shape_cast %add3A_135 : vector<16xi32> to vector<16xi32>
      tpu.vector_store %arg11[%swap3A_138], %swap3A_141 {strides = array<i32>} : memref<4096xi32, #tpu.memory_space<vmem>>, vector<16xi32>,
      %add3A_142 = arith.constant 2 : i32
      %add3A_143 = vector.broadcast %add3A_142 : i32 to vector<16xi32>
      %add3A_144 = arith.addi %convert_element_type3A, %add3A_143 : vector<16xi32>
      %max3A_145 = arith.constant 0 : i32
      %max3A_146 = vector.broadcast %max3A_145 : i32 to vector<16xi32>
      %max3A_147 = arith.maxsi %add3A_144, %max3A_146 : vector<16xi32>
      %min3A_148 = arith.constant 511 : i32
      %min3A_149 = vector.broadcast %min3A_148 : i32 to vector<16xi32>
      %min3A_150 = arith.minsi %max3A_147, %min3A_149 : vector<16xi32>
      %add3A_151 = arith.addi %add3A_62, %min3A_150 : vector<16xi32>
      %add3A_152 = arith.constant 80 : i32
      %add3A_153 = arith.addi %mul3A_29, %add3A_152 : i32
      %swap3A_154 = arith.index_cast %add3A_153 : i32 to index
      %swap3A_155 = tpu.vector_load %arg11[%swap3A_154] {strides = array<i32>} : memref<4096xi32, #tpu.memory_space<vmem>>, vector<16xi32>,
      %swap3A_156 = vector.shape_cast %swap3A_155 : vector<16xi32> to vector<16xi32>
      %swap3A_157 = vector.shape_cast %add3A_151 : vector<16xi32> to vector<16xi32>
      tpu.vector_store %arg11[%swap3A_154], %swap3A_157 {strides = array<i32>} : memref<4096xi32, #tpu.memory_space<vmem>>, vector<16xi32>,
      %add3A_158 = arith.constant 3 : i32
      %add3A_159 = vector.broadcast %add3A_158 : i32 to vector<16xi32>
      %add3A_160 = arith.addi %convert_element_type3A, %add3A_159 : vector<16xi32>
      %max3A_161 = arith.constant 0 : i32
      %max3A_162 = vector.broadcast %max3A_161 : i32 to vector<16xi32>
      %max3A_163 = arith.maxsi %add3A_160, %max3A_162 : vector<16xi32>
      %min3A_164 = arith.constant 511 : i32
      %min3A_165 = vector.broadcast %min3A_164 : i32 to vector<16xi32>
      %min3A_166 = arith.minsi %max3A_163, %min3A_165 : vector<16xi32>
      %add3A_167 = arith.addi %add3A_62, %min3A_166 : vector<16xi32>
      %add3A_168 = arith.constant 96 : i32
      %add3A_169 = arith.addi %mul3A_29, %add3A_168 : i32
      %swap3A_170 = arith.index_cast %add3A_169 : i32 to index
      %swap3A_171 = tpu.vector_load %arg11[%swap3A_170] {strides = array<i32>} : memref<4096xi32, #tpu.memory_space<vmem>>, vector<16xi32>,
      %swap3A_172 = vector.shape_cast %swap3A_171 : vector<16xi32> to vector<16xi32>
      %swap3A_173 = vector.shape_cast %add3A_167 : vector<16xi32> to vector<16xi32>
      tpu.vector_store %arg11[%swap3A_170], %swap3A_173 {strides = array<i32>} : memref<4096xi32, #tpu.memory_space<vmem>>, vector<16xi32>,
      %add3A_174 = arith.constant 4 : i32
      %add3A_175 = vector.broadcast %add3A_174 : i32 to vector<16xi32>
      %add3A_176 = arith.addi %convert_element_type3A, %add3A_175 : vector<16xi32>
      %max3A_177 = arith.constant 0 : i32
      %max3A_178 = vector.broadcast %max3A_177 : i32 to vector<16xi32>
      %max3A_179 = arith.maxsi %add3A_176, %max3A_178 : vector<16xi32>
      %min3A_180 = arith.constant 511 : i32
      %min3A_181 = vector.broadcast %min3A_180 : i32 to vector<16xi32>
      %min3A_182 = arith.minsi %max3A_179, %min3A_181 : vector<16xi32>
      %add3A_183 = arith.addi %add3A_62, %min3A_182 : vector<16xi32>
      %add3A_184 = arith.constant 112 : i32
      %add3A_185 = arith.addi %mul3A_29, %add3A_184 : i32
      %swap3A_186 = arith.index_cast %add3A_185 : i32 to index
      %swap3A_187 = tpu.vector_load %arg11[%swap3A_186] {strides = array<i32>} : memref<4096xi32, #tpu.memory_space<vmem>>, vector<16xi32>,
      %swap3A_188 = vector.shape_cast %swap3A_187 : vector<16xi32> to vector<16xi32>
      %swap3A_189 = vector.shape_cast %add3A_183 : vector<16xi32> to vector<16xi32>
      tpu.vector_store %arg11[%swap3A_186], %swap3A_189 {strides = array<i32>} : memref<4096xi32, #tpu.memory_space<vmem>>, vector<16xi32>,
      %add3A_190 = arith.constant -2 : i32
      %add3A_191 = vector.broadcast %add3A_190 : i32 to vector<16xi32>
      %add3A_192 = arith.addi %sub3A, %add3A_191 : vector<16xi32>
      %max3A_193 = arith.constant 0 : i32
      %max3A_194 = vector.broadcast %max3A_193 : i32 to vector<16xi32>
      %max3A_195 = arith.maxsi %add3A_192, %max3A_194 : vector<16xi32>
      %min3A_196 = arith.constant 511 : i32
      %min3A_197 = vector.broadcast %min3A_196 : i32 to vector<16xi32>
      %min3A_198 = arith.minsi %max3A_195, %min3A_197 : vector<16xi32>
      %shift_left3A_199 = arith.constant 9 : i32
      %shift_left3A_200 = vector.broadcast %shift_left3A_199 : i32 to vector<16xi32>
      %shift_left3A_201 = arith.shli %min3A_198, %shift_left3A_200 : vector<16xi32>
      %add3A_202 = arith.addi %shift_left3A_44, %shift_left3A_201 : vector<16xi32>
      %add3A_203 = arith.constant -3 : i32
      %add3A_204 = vector.broadcast %add3A_203 : i32 to vector<16xi32>
      %add3A_205 = arith.addi %convert_element_type3A, %add3A_204 : vector<16xi32>
      %max3A_206 = arith.constant 0 : i32
      %max3A_207 = vector.broadcast %max3A_206 : i32 to vector<16xi32>
      %max3A_208 = arith.maxsi %add3A_205, %max3A_207 : vector<16xi32>
      %min3A_209 = arith.constant 511 : i32
      %min3A_210 = vector.broadcast %min3A_209 : i32 to vector<16xi32>
      %min3A_211 = arith.minsi %max3A_208, %min3A_210 : vector<16xi32>
      %add3A_212 = arith.addi %add3A_202, %min3A_211 : vector<16xi32>
      %add3A_213 = arith.constant 128 : i32
      %add3A_214 = arith.addi %mul3A_29, %add3A_213 : i32
      %swap3A_215 = arith.index_cast %add3A_214 : i32 to index
      %swap3A_216 = tpu.vector_load %arg11[%swap3A_215] {strides = array<i32>} : memref<4096xi32, #tpu.memory_space<vmem>>, vector<16xi32>,
      %swap3A_217 = vector.shape_cast %swap3A_216 : vector<16xi32> to vector<16xi32>
      %swap3A_218 = vector.shape_cast %add3A_212 : vector<16xi32> to vector<16xi32>
      tpu.vector_store %arg11[%swap3A_215], %swap3A_218 {strides = array<i32>} : memref<4096xi32, #tpu.memory_space<vmem>>, vector<16xi32>,
      %add3A_219 = arith.constant -2 : i32
      %add3A_220 = vector.broadcast %add3A_219 : i32 to vector<16xi32>
      %add3A_221 = arith.addi %convert_element_type3A, %add3A_220 : vector<16xi32>
      %max3A_222 = arith.constant 0 : i32
      %max3A_223 = vector.broadcast %max3A_222 : i32 to vector<16xi32>
      %max3A_224 = arith.maxsi %add3A_221, %max3A_223 : vector<16xi32>
      %min3A_225 = arith.constant 511 : i32
      %min3A_226 = vector.broadcast %min3A_225 : i32 to vector<16xi32>
      %min3A_227 = arith.minsi %max3A_224, %min3A_226 : vector<16xi32>
      %add3A_228 = arith.addi %add3A_202, %min3A_227 : vector<16xi32>
      %add3A_229 = arith.constant 144 : i32
      %add3A_230 = arith.addi %mul3A_29, %add3A_229 : i32
      %swap3A_231 = arith.index_cast %add3A_230 : i32 to index
      %swap3A_232 = tpu.vector_load %arg11[%swap3A_231] {strides = array<i32>} : memref<4096xi32, #tpu.memory_space<vmem>>, vector<16xi32>,
      %swap3A_233 = vector.shape_cast %swap3A_232 : vector<16xi32> to vector<16xi32>
      %swap3A_234 = vector.shape_cast %add3A_228 : vector<16xi32> to vector<16xi32>
      tpu.vector_store %arg11[%swap3A_231], %swap3A_234 {strides = array<i32>} : memref<4096xi32, #tpu.memory_space<vmem>>, vector<16xi32>,
      %add3A_235 = arith.constant -1 : i32
      %add3A_236 = vector.broadcast %add3A_235 : i32 to vector<16xi32>
      %add3A_237 = arith.addi %convert_element_type3A, %add3A_236 : vector<16xi32>
      %max3A_238 = arith.constant 0 : i32
      %max3A_239 = vector.broadcast %max3A_238 : i32 to vector<16xi32>
      %max3A_240 = arith.maxsi %add3A_237, %max3A_239 : vector<16xi32>
      %min3A_241 = arith.constant 511 : i32
      %min3A_242 = vector.broadcast %min3A_241 : i32 to vector<16xi32>
      %min3A_243 = arith.minsi %max3A_240, %min3A_242 : vector<16xi32>
      %add3A_244 = arith.addi %add3A_202, %min3A_243 : vector<16xi32>
      %add3A_245 = arith.constant 160 : i32
      %add3A_246 = arith.addi %mul3A_29, %add3A_245 : i32
      %swap3A_247 = arith.index_cast %add3A_246 : i32 to index
      %swap3A_248 = tpu.vector_load %arg11[%swap3A_247] {strides = array<i32>} : memref<4096xi32, #tpu.memory_space<vmem>>, vector<16xi32>,
      %swap3A_249 = vector.shape_cast %swap3A_248 : vector<16xi32> to vector<16xi32>
      %swap3A_250 = vector.shape_cast %add3A_244 : vector<16xi32> to vector<16xi32>
      tpu.vector_store %arg11[%swap3A_247], %swap3A_250 {strides = array<i32>} : memref<4096xi32, #tpu.memory_space<vmem>>, vector<16xi32>,
      %add3A_251 = arith.constant 0 : i32
      %add3A_252 = vector.broadcast %add3A_251 : i32 to vector<16xi32>
      %add3A_253 = arith.addi %convert_element_type3A, %add3A_252 : vector<16xi32>
      %max3A_254 = arith.constant 0 : i32
      %max3A_255 = vector.broadcast %max3A_254 : i32 to vector<16xi32>
      %max3A_256 = arith.maxsi %add3A_253, %max3A_255 : vector<16xi32>
      %min3A_257 = arith.constant 511 : i32
      %min3A_258 = vector.broadcast %min3A_257 : i32 to vector<16xi32>
      %min3A_259 = arith.minsi %max3A_256, %min3A_258 : vector<16xi32>
      %add3A_260 = arith.addi %add3A_202, %min3A_259 : vector<16xi32>
      %add3A_261 = arith.constant 176 : i32
      %add3A_262 = arith.addi %mul3A_29, %add3A_261 : i32
      %swap3A_263 = arith.index_cast %add3A_262 : i32 to index
      %swap3A_264 = tpu.vector_load %arg11[%swap3A_263] {strides = array<i32>} : memref<4096xi32, #tpu.memory_space<vmem>>, vector<16xi32>,
      %swap3A_265 = vector.shape_cast %swap3A_264 : vector<16xi32> to vector<16xi32>
      %swap3A_266 = vector.shape_cast %add3A_260 : vector<16xi32> to vector<16xi32>
      tpu.vector_store %arg11[%swap3A_263], %swap3A_266 {strides = array<i32>} : memref<4096xi32, #tpu.memory_space<vmem>>, vector<16xi32>,
      %add3A_267 = arith.constant 1 : i32
      %add3A_268 = vector.broadcast %add3A_267 : i32 to vector<16xi32>
      %add3A_269 = arith.addi %convert_element_type3A, %add3A_268 : vector<16xi32>
      %max3A_270 = arith.constant 0 : i32
      %max3A_271 = vector.broadcast %max3A_270 : i32 to vector<16xi32>
      %max3A_272 = arith.maxsi %add3A_269, %max3A_271 : vector<16xi32>
      %min3A_273 = arith.constant 511 : i32
      %min3A_274 = vector.broadcast %min3A_273 : i32 to vector<16xi32>
      %min3A_275 = arith.minsi %max3A_272, %min3A_274 : vector<16xi32>
      %add3A_276 = arith.addi %add3A_202, %min3A_275 : vector<16xi32>
      %add3A_277 = arith.constant 192 : i32
      %add3A_278 = arith.addi %mul3A_29, %add3A_277 : i32
      %swap3A_279 = arith.index_cast %add3A_278 : i32 to index
      %swap3A_280 = tpu.vector_load %arg11[%swap3A_279] {strides = array<i32>} : memref<4096xi32, #tpu.memory_space<vmem>>, vector<16xi32>,
      %swap3A_281 = vector.shape_cast %swap3A_280 : vector<16xi32> to vector<16xi32>
      %swap3A_282 = vector.shape_cast %add3A_276 : vector<16xi32> to vector<16xi32>
      tpu.vector_store %arg11[%swap3A_279], %swap3A_282 {strides = array<i32>} : memref<4096xi32, #tpu.memory_space<vmem>>, vector<16xi32>,
      %add3A_283 = arith.constant 2 : i32
      %add3A_284 = vector.broadcast %add3A_283 : i32 to vector<16xi32>
      %add3A_285 = arith.addi %convert_element_type3A, %add3A_284 : vector<16xi32>
      %max3A_286 = arith.constant 0 : i32
      %max3A_287 = vector.broadcast %max3A_286 : i32 to vector<16xi32>
      %max3A_288 = arith.maxsi %add3A_285, %max3A_287 : vector<16xi32>
      %min3A_289 = arith.constant 511 : i32
      %min3A_290 = vector.broadcast %min3A_289 : i32 to vector<16xi32>
      %min3A_291 = arith.minsi %max3A_288, %min3A_290 : vector<16xi32>
      %add3A_292 = arith.addi %add3A_202, %min3A_291 : vector<16xi32>
      %add3A_293 = arith.constant 208 : i32
      %add3A_294 = arith.addi %mul3A_29, %add3A_293 : i32
      %swap3A_295 = arith.index_cast %add3A_294 : i32 to index
      %swap3A_296 = tpu.vector_load %arg11[%swap3A_295] {strides = array<i32>} : memref<4096xi32, #tpu.memory_space<vmem>>, vector<16xi32>,
      %swap3A_297 = vector.shape_cast %swap3A_296 : vector<16xi32> to vector<16xi32>
      %swap3A_298 = vector.shape_cast %add3A_292 : vector<16xi32> to vector<16xi32>
      tpu.vector_store %arg11[%swap3A_295], %swap3A_298 {strides = array<i32>} : memref<4096xi32, #tpu.memory_space<vmem>>, vector<16xi32>,
      %add3A_299 = arith.constant 3 : i32
      %add3A_300 = vector.broadcast %add3A_299 : i32 to vector<16xi32>
      %add3A_301 = arith.addi %convert_element_type3A, %add3A_300 : vector<16xi32>
      %max3A_302 = arith.constant 0 : i32
      %max3A_303 = vector.broadcast %max3A_302 : i32 to vector<16xi32>
      %max3A_304 = arith.maxsi %add3A_301, %max3A_303 : vector<16xi32>
      %min3A_305 = arith.constant 511 : i32
      %min3A_306 = vector.broadcast %min3A_305 : i32 to vector<16xi32>
      %min3A_307 = arith.minsi %max3A_304, %min3A_306 : vector<16xi32>
      %add3A_308 = arith.addi %add3A_202, %min3A_307 : vector<16xi32>
      %add3A_309 = arith.constant 224 : i32
      %add3A_310 = arith.addi %mul3A_29, %add3A_309 : i32
      %swap3A_311 = arith.index_cast %add3A_310 : i32 to index
      %swap3A_312 = tpu.vector_load %arg11[%swap3A_311] {strides = array<i32>} : memref<4096xi32, #tpu.memory_space<vmem>>, vector<16xi32>,
      %swap3A_313 = vector.shape_cast %swap3A_312 : vector<16xi32> to vector<16xi32>
      %swap3A_314 = vector.shape_cast %add3A_308 : vector<16xi32> to vector<16xi32>
      tpu.vector_store %arg11[%swap3A_311], %swap3A_314 {strides = array<i32>} : memref<4096xi32, #tpu.memory_space<vmem>>, vector<16xi32>,
      %add3A_315 = arith.constant 4 : i32
      %add3A_316 = vector.broadcast %add3A_315 : i32 to vector<16xi32>
      %add3A_317 = arith.addi %convert_element_type3A, %add3A_316 : vector<16xi32>
      %max3A_318 = arith.constant 0 : i32
      %max3A_319 = vector.broadcast %max3A_318 : i32 to vector<16xi32>
      %max3A_320 = arith.maxsi %add3A_317, %max3A_319 : vector<16xi32>
      %min3A_321 = arith.constant 511 : i32
      %min3A_322 = vector.broadcast %min3A_321 : i32 to vector<16xi32>
      %min3A_323 = arith.minsi %max3A_320, %min3A_322 : vector<16xi32>
      %add3A_324 = arith.addi %add3A_202, %min3A_323 : vector<16xi32>
      %add3A_325 = arith.constant 240 : i32
      %add3A_326 = arith.addi %mul3A_29, %add3A_325 : i32
      %swap3A_327 = arith.index_cast %add3A_326 : i32 to index
      %swap3A_328 = tpu.vector_load %arg11[%swap3A_327] {strides = array<i32>} : memref<4096xi32, #tpu.memory_space<vmem>>, vector<16xi32>,
      %swap3A_329 = vector.shape_cast %swap3A_328 : vector<16xi32> to vector<16xi32>
      %swap3A_330 = vector.shape_cast %add3A_324 : vector<16xi32> to vector<16xi32>
      tpu.vector_store %arg11[%swap3A_327], %swap3A_330 {strides = array<i32>} : memref<4096xi32, #tpu.memory_space<vmem>>, vector<16xi32>,
      %add3A_331 = arith.constant -1 : i32
      %add3A_332 = vector.broadcast %add3A_331 : i32 to vector<16xi32>
      %add3A_333 = arith.addi %sub3A, %add3A_332 : vector<16xi32>
      %max3A_334 = arith.constant 0 : i32
      %max3A_335 = vector.broadcast %max3A_334 : i32 to vector<16xi32>
      %max3A_336 = arith.maxsi %add3A_333, %max3A_335 : vector<16xi32>
      %min3A_337 = arith.constant 511 : i32
      %min3A_338 = vector.broadcast %min3A_337 : i32 to vector<16xi32>
      %min3A_339 = arith.minsi %max3A_336, %min3A_338 : vector<16xi32>
      %shift_left3A_340 = arith.constant 9 : i32
      %shift_left3A_341 = vector.broadcast %shift_left3A_340 : i32 to vector<16xi32>
      %shift_left3A_342 = arith.shli %min3A_339, %shift_left3A_341 : vector<16xi32>
      %add3A_343 = arith.addi %shift_left3A_44, %shift_left3A_342 : vector<16xi32>
      %add3A_344 = arith.constant -3 : i32
      %add3A_345 = vector.broadcast %add3A_344 : i32 to vector<16xi32>
      %add3A_346 = arith.addi %convert_element_type3A, %add3A_345 : vector<16xi32>
      %max3A_347 = arith.constant 0 : i32
      %max3A_348 = vector.broadcast %max3A_347 : i32 to vector<16xi32>
      %max3A_349 = arith.maxsi %add3A_346, %max3A_348 : vector<16xi32>
      %min3A_350 = arith.constant 511 : i32
      %min3A_351 = vector.broadcast %min3A_350 : i32 to vector<16xi32>
      %min3A_352 = arith.minsi %max3A_349, %min3A_351 : vector<16xi32>
      %add3A_353 = arith.addi %add3A_343, %min3A_352 : vector<16xi32>
      %add3A_354 = arith.constant 256 : i32
      %add3A_355 = arith.addi %mul3A_29, %add3A_354 : i32
      %swap3A_356 = arith.index_cast %add3A_355 : i32 to index
      %swap3A_357 = tpu.vector_load %arg11[%swap3A_356] {strides = array<i32>} : memref<4096xi32, #tpu.memory_space<vmem>>, vector<16xi32>,
      %swap3A_358 = vector.shape_cast %swap3A_357 : vector<16xi32> to vector<16xi32>
      %swap3A_359 = vector.shape_cast %add3A_353 : vector<16xi32> to vector<16xi32>
      tpu.vector_store %arg11[%swap3A_356], %swap3A_359 {strides = array<i32>} : memref<4096xi32, #tpu.memory_space<vmem>>, vector<16xi32>,
      %add3A_360 = arith.constant -2 : i32
      %add3A_361 = vector.broadcast %add3A_360 : i32 to vector<16xi32>
      %add3A_362 = arith.addi %convert_element_type3A, %add3A_361 : vector<16xi32>
      %max3A_363 = arith.constant 0 : i32
      %max3A_364 = vector.broadcast %max3A_363 : i32 to vector<16xi32>
      %max3A_365 = arith.maxsi %add3A_362, %max3A_364 : vector<16xi32>
      %min3A_366 = arith.constant 511 : i32
      %min3A_367 = vector.broadcast %min3A_366 : i32 to vector<16xi32>
      %min3A_368 = arith.minsi %max3A_365, %min3A_367 : vector<16xi32>
      %add3A_369 = arith.addi %add3A_343, %min3A_368 : vector<16xi32>
      %add3A_370 = arith.constant 272 : i32
      %add3A_371 = arith.addi %mul3A_29, %add3A_370 : i32
      %swap3A_372 = arith.index_cast %add3A_371 : i32 to index
      %swap3A_373 = tpu.vector_load %arg11[%swap3A_372] {strides = array<i32>} : memref<4096xi32, #tpu.memory_space<vmem>>, vector<16xi32>,
      %swap3A_374 = vector.shape_cast %swap3A_373 : vector<16xi32> to vector<16xi32>
      %swap3A_375 = vector.shape_cast %add3A_369 : vector<16xi32> to vector<16xi32>
      tpu.vector_store %arg11[%swap3A_372], %swap3A_375 {strides = array<i32>} : memref<4096xi32, #tpu.memory_space<vmem>>, vector<16xi32>,
      %add3A_376 = arith.constant -1 : i32
      %add3A_377 = vector.broadcast %add3A_376 : i32 to vector<16xi32>
      %add3A_378 = arith.addi %convert_element_type3A, %add3A_377 : vector<16xi32>
      %max3A_379 = arith.constant 0 : i32
      %max3A_380 = vector.broadcast %max3A_379 : i32 to vector<16xi32>
      %max3A_381 = arith.maxsi %add3A_378, %max3A_380 : vector<16xi32>
      %min3A_382 = arith.constant 511 : i32
      %min3A_383 = vector.broadcast %min3A_382 : i32 to vector<16xi32>
      %min3A_384 = arith.minsi %max3A_381, %min3A_383 : vector<16xi32>
      %add3A_385 = arith.addi %add3A_343, %min3A_384 : vector<16xi32>
      %add3A_386 = arith.constant 288 : i32
      %add3A_387 = arith.addi %mul3A_29, %add3A_386 : i32
      %swap3A_388 = arith.index_cast %add3A_387 : i32 to index
      %swap3A_389 = tpu.vector_load %arg11[%swap3A_388] {strides = array<i32>} : memref<4096xi32, #tpu.memory_space<vmem>>, vector<16xi32>,
      %swap3A_390 = vector.shape_cast %swap3A_389 : vector<16xi32> to vector<16xi32>
      %swap3A_391 = vector.shape_cast %add3A_385 : vector<16xi32> to vector<16xi32>
      tpu.vector_store %arg11[%swap3A_388], %swap3A_391 {strides = array<i32>} : memref<4096xi32, #tpu.memory_space<vmem>>, vector<16xi32>,
      %add3A_392 = arith.constant 0 : i32
      %add3A_393 = vector.broadcast %add3A_392 : i32 to vector<16xi32>
      %add3A_394 = arith.addi %convert_element_type3A, %add3A_393 : vector<16xi32>
      %max3A_395 = arith.constant 0 : i32
      %max3A_396 = vector.broadcast %max3A_395 : i32 to vector<16xi32>
      %max3A_397 = arith.maxsi %add3A_394, %max3A_396 : vector<16xi32>
      %min3A_398 = arith.constant 511 : i32
      %min3A_399 = vector.broadcast %min3A_398 : i32 to vector<16xi32>
      %min3A_400 = arith.minsi %max3A_397, %min3A_399 : vector<16xi32>
      %add3A_401 = arith.addi %add3A_343, %min3A_400 : vector<16xi32>
      %add3A_402 = arith.constant 304 : i32
      %add3A_403 = arith.addi %mul3A_29, %add3A_402 : i32
      %swap3A_404 = arith.index_cast %add3A_403 : i32 to index
      %swap3A_405 = tpu.vector_load %arg11[%swap3A_404] {strides = array<i32>} : memref<4096xi32, #tpu.memory_space<vmem>>, vector<16xi32>,
      %swap3A_406 = vector.shape_cast %swap3A_405 : vector<16xi32> to vector<16xi32>
      %swap3A_407 = vector.shape_cast %add3A_401 : vector<16xi32> to vector<16xi32>
      tpu.vector_store %arg11[%swap3A_404], %swap3A_407 {strides = array<i32>} : memref<4096xi32, #tpu.memory_space<vmem>>, vector<16xi32>,
      %add3A_408 = arith.constant 1 : i32
      %add3A_409 = vector.broadcast %add3A_408 : i32 to vector<16xi32>
      %add3A_410 = arith.addi %convert_element_type3A, %add3A_409 : vector<16xi32>
      %max3A_411 = arith.constant 0 : i32
      %max3A_412 = vector.broadcast %max3A_411 : i32 to vector<16xi32>
      %max3A_413 = arith.maxsi %add3A_410, %max3A_412 : vector<16xi32>
      %min3A_414 = arith.constant 511 : i32
      %min3A_415 = vector.broadcast %min3A_414 : i32 to vector<16xi32>
      %min3A_416 = arith.minsi %max3A_413, %min3A_415 : vector<16xi32>
      %add3A_417 = arith.addi %add3A_343, %min3A_416 : vector<16xi32>
      %add3A_418 = arith.constant 320 : i32
      %add3A_419 = arith.addi %mul3A_29, %add3A_418 : i32
      %swap3A_420 = arith.index_cast %add3A_419 : i32 to index
      %swap3A_421 = tpu.vector_load %arg11[%swap3A_420] {strides = array<i32>} : memref<4096xi32, #tpu.memory_space<vmem>>, vector<16xi32>,
      %swap3A_422 = vector.shape_cast %swap3A_421 : vector<16xi32> to vector<16xi32>
      %swap3A_423 = vector.shape_cast %add3A_417 : vector<16xi32> to vector<16xi32>
      tpu.vector_store %arg11[%swap3A_420], %swap3A_423 {strides = array<i32>} : memref<4096xi32, #tpu.memory_space<vmem>>, vector<16xi32>,
      %add3A_424 = arith.constant 2 : i32
      %add3A_425 = vector.broadcast %add3A_424 : i32 to vector<16xi32>
      %add3A_426 = arith.addi %convert_element_type3A, %add3A_425 : vector<16xi32>
      %max3A_427 = arith.constant 0 : i32
      %max3A_428 = vector.broadcast %max3A_427 : i32 to vector<16xi32>
      %max3A_429 = arith.maxsi %add3A_426, %max3A_428 : vector<16xi32>
      %min3A_430 = arith.constant 511 : i32
      %min3A_431 = vector.broadcast %min3A_430 : i32 to vector<16xi32>
      %min3A_432 = arith.minsi %max3A_429, %min3A_431 : vector<16xi32>
      %add3A_433 = arith.addi %add3A_343, %min3A_432 : vector<16xi32>
      %add3A_434 = arith.constant 336 : i32
      %add3A_435 = arith.addi %mul3A_29, %add3A_434 : i32
      %swap3A_436 = arith.index_cast %add3A_435 : i32 to index
      %swap3A_437 = tpu.vector_load %arg11[%swap3A_436] {strides = array<i32>} : memref<4096xi32, #tpu.memory_space<vmem>>, vector<16xi32>,
      %swap3A_438 = vector.shape_cast %swap3A_437 : vector<16xi32> to vector<16xi32>
      %swap3A_439 = vector.shape_cast %add3A_433 : vector<16xi32> to vector<16xi32>
      tpu.vector_store %arg11[%swap3A_436], %swap3A_439 {strides = array<i32>} : memref<4096xi32, #tpu.memory_space<vmem>>, vector<16xi32>,
      %add3A_440 = arith.constant 3 : i32
      %add3A_441 = vector.broadcast %add3A_440 : i32 to vector<16xi32>
      %add3A_442 = arith.addi %convert_element_type3A, %add3A_441 : vector<16xi32>
      %max3A_443 = arith.constant 0 : i32
      %max3A_444 = vector.broadcast %max3A_443 : i32 to vector<16xi32>
      %max3A_445 = arith.maxsi %add3A_442, %max3A_444 : vector<16xi32>
      %min3A_446 = arith.constant 511 : i32
      %min3A_447 = vector.broadcast %min3A_446 : i32 to vector<16xi32>
      %min3A_448 = arith.minsi %max3A_445, %min3A_447 : vector<16xi32>
      %add3A_449 = arith.addi %add3A_343, %min3A_448 : vector<16xi32>
      %add3A_450 = arith.constant 352 : i32
      %add3A_451 = arith.addi %mul3A_29, %add3A_450 : i32
      %swap3A_452 = arith.index_cast %add3A_451 : i32 to index
      %swap3A_453 = tpu.vector_load %arg11[%swap3A_452] {strides = array<i32>} : memref<4096xi32, #tpu.memory_space<vmem>>, vector<16xi32>,
      %swap3A_454 = vector.shape_cast %swap3A_453 : vector<16xi32> to vector<16xi32>
      %swap3A_455 = vector.shape_cast %add3A_449 : vector<16xi32> to vector<16xi32>
      tpu.vector_store %arg11[%swap3A_452], %swap3A_455 {strides = array<i32>} : memref<4096xi32, #tpu.memory_space<vmem>>, vector<16xi32>,
      %add3A_456 = arith.constant 4 : i32
      %add3A_457 = vector.broadcast %add3A_456 : i32 to vector<16xi32>
      %add3A_458 = arith.addi %convert_element_type3A, %add3A_457 : vector<16xi32>
      %max3A_459 = arith.constant 0 : i32
      %max3A_460 = vector.broadcast %max3A_459 : i32 to vector<16xi32>
      %max3A_461 = arith.maxsi %add3A_458, %max3A_460 : vector<16xi32>
      %min3A_462 = arith.constant 511 : i32
      %min3A_463 = vector.broadcast %min3A_462 : i32 to vector<16xi32>
      %min3A_464 = arith.minsi %max3A_461, %min3A_463 : vector<16xi32>
      %add3A_465 = arith.addi %add3A_343, %min3A_464 : vector<16xi32>
      %add3A_466 = arith.constant 368 : i32
      %add3A_467 = arith.addi %mul3A_29, %add3A_466 : i32
      %swap3A_468 = arith.index_cast %add3A_467 : i32 to index
      %swap3A_469 = tpu.vector_load %arg11[%swap3A_468] {strides = array<i32>} : memref<4096xi32, #tpu.memory_space<vmem>>, vector<16xi32>,
      %swap3A_470 = vector.shape_cast %swap3A_469 : vector<16xi32> to vector<16xi32>
      %swap3A_471 = vector.shape_cast %add3A_465 : vector<16xi32> to vector<16xi32>
      tpu.vector_store %arg11[%swap3A_468], %swap3A_471 {strides = array<i32>} : memref<4096xi32, #tpu.memory_space<vmem>>, vector<16xi32>,
      %add3A_472 = arith.constant 0 : i32
      %add3A_473 = vector.broadcast %add3A_472 : i32 to vector<16xi32>
      %add3A_474 = arith.addi %sub3A, %add3A_473 : vector<16xi32>
      %max3A_475 = arith.constant 0 : i32
      %max3A_476 = vector.broadcast %max3A_475 : i32 to vector<16xi32>
      %max3A_477 = arith.maxsi %add3A_474, %max3A_476 : vector<16xi32>
      %min3A_478 = arith.constant 511 : i32
      %min3A_479 = vector.broadcast %min3A_478 : i32 to vector<16xi32>
      %min3A_480 = arith.minsi %max3A_477, %min3A_479 : vector<16xi32>
      %shift_left3A_481 = arith.constant 9 : i32
      %shift_left3A_482 = vector.broadcast %shift_left3A_481 : i32 to vector<16xi32>
      %shift_left3A_483 = arith.shli %min3A_480, %shift_left3A_482 : vector<16xi32>
      %add3A_484 = arith.addi %shift_left3A_44, %shift_left3A_483 : vector<16xi32>
      %add3A_485 = arith.constant -3 : i32
      %add3A_486 = vector.broadcast %add3A_485 : i32 to vector<16xi32>
      %add3A_487 = arith.addi %convert_element_type3A, %add3A_486 : vector<16xi32>
      %max3A_488 = arith.constant 0 : i32
      %max3A_489 = vector.broadcast %max3A_488 : i32 to vector<16xi32>
      %max3A_490 = arith.maxsi %add3A_487, %max3A_489 : vector<16xi32>
      %min3A_491 = arith.constant 511 : i32
      %min3A_492 = vector.broadcast %min3A_491 : i32 to vector<16xi32>
      %min3A_493 = arith.minsi %max3A_490, %min3A_492 : vector<16xi32>
      %add3A_494 = arith.addi %add3A_484, %min3A_493 : vector<16xi32>
      %add3A_495 = arith.constant 384 : i32
      %add3A_496 = arith.addi %mul3A_29, %add3A_495 : i32
      %swap3A_497 = arith.index_cast %add3A_496 : i32 to index
      %swap3A_498 = tpu.vector_load %arg11[%swap3A_497] {strides = array<i32>} : memref<4096xi32, #tpu.memory_space<vmem>>, vector<16xi32>,
      %swap3A_499 = vector.shape_cast %swap3A_498 : vector<16xi32> to vector<16xi32>
      %swap3A_500 = vector.shape_cast %add3A_494 : vector<16xi32> to vector<16xi32>
      tpu.vector_store %arg11[%swap3A_497], %swap3A_500 {strides = array<i32>} : memref<4096xi32, #tpu.memory_space<vmem>>, vector<16xi32>,
      %add3A_501 = arith.constant -2 : i32
      %add3A_502 = vector.broadcast %add3A_501 : i32 to vector<16xi32>
      %add3A_503 = arith.addi %convert_element_type3A, %add3A_502 : vector<16xi32>
      %max3A_504 = arith.constant 0 : i32
      %max3A_505 = vector.broadcast %max3A_504 : i32 to vector<16xi32>
      %max3A_506 = arith.maxsi %add3A_503, %max3A_505 : vector<16xi32>
      %min3A_507 = arith.constant 511 : i32
      %min3A_508 = vector.broadcast %min3A_507 : i32 to vector<16xi32>
      %min3A_509 = arith.minsi %max3A_506, %min3A_508 : vector<16xi32>
      %add3A_510 = arith.addi %add3A_484, %min3A_509 : vector<16xi32>
      %add3A_511 = arith.constant 400 : i32
      %add3A_512 = arith.addi %mul3A_29, %add3A_511 : i32
      %swap3A_513 = arith.index_cast %add3A_512 : i32 to index
      %swap3A_514 = tpu.vector_load %arg11[%swap3A_513] {strides = array<i32>} : memref<4096xi32, #tpu.memory_space<vmem>>, vector<16xi32>,
      %swap3A_515 = vector.shape_cast %swap3A_514 : vector<16xi32> to vector<16xi32>
      %swap3A_516 = vector.shape_cast %add3A_510 : vector<16xi32> to vector<16xi32>
      tpu.vector_store %arg11[%swap3A_513], %swap3A_516 {strides = array<i32>} : memref<4096xi32, #tpu.memory_space<vmem>>, vector<16xi32>,
      %add3A_517 = arith.constant -1 : i32
      %add3A_518 = vector.broadcast %add3A_517 : i32 to vector<16xi32>
      %add3A_519 = arith.addi %convert_element_type3A, %add3A_518 : vector<16xi32>
      %max3A_520 = arith.constant 0 : i32
      %max3A_521 = vector.broadcast %max3A_520 : i32 to vector<16xi32>
      %max3A_522 = arith.maxsi %add3A_519, %max3A_521 : vector<16xi32>
      %min3A_523 = arith.constant 511 : i32
      %min3A_524 = vector.broadcast %min3A_523 : i32 to vector<16xi32>
      %min3A_525 = arith.minsi %max3A_522, %min3A_524 : vector<16xi32>
      %add3A_526 = arith.addi %add3A_484, %min3A_525 : vector<16xi32>
      %add3A_527 = arith.constant 416 : i32
      %add3A_528 = arith.addi %mul3A_29, %add3A_527 : i32
      %swap3A_529 = arith.index_cast %add3A_528 : i32 to index
      %swap3A_530 = tpu.vector_load %arg11[%swap3A_529] {strides = array<i32>} : memref<4096xi32, #tpu.memory_space<vmem>>, vector<16xi32>,
      %swap3A_531 = vector.shape_cast %swap3A_530 : vector<16xi32> to vector<16xi32>
      %swap3A_532 = vector.shape_cast %add3A_526 : vector<16xi32> to vector<16xi32>
      tpu.vector_store %arg11[%swap3A_529], %swap3A_532 {strides = array<i32>} : memref<4096xi32, #tpu.memory_space<vmem>>, vector<16xi32>,
      %add3A_533 = arith.constant 0 : i32
      %add3A_534 = vector.broadcast %add3A_533 : i32 to vector<16xi32>
      %add3A_535 = arith.addi %convert_element_type3A, %add3A_534 : vector<16xi32>
      %max3A_536 = arith.constant 0 : i32
      %max3A_537 = vector.broadcast %max3A_536 : i32 to vector<16xi32>
      %max3A_538 = arith.maxsi %add3A_535, %max3A_537 : vector<16xi32>
      %min3A_539 = arith.constant 511 : i32
      %min3A_540 = vector.broadcast %min3A_539 : i32 to vector<16xi32>
      %min3A_541 = arith.minsi %max3A_538, %min3A_540 : vector<16xi32>
      %add3A_542 = arith.addi %add3A_484, %min3A_541 : vector<16xi32>
      %add3A_543 = arith.constant 432 : i32
      %add3A_544 = arith.addi %mul3A_29, %add3A_543 : i32
      %swap3A_545 = arith.index_cast %add3A_544 : i32 to index
      %swap3A_546 = tpu.vector_load %arg11[%swap3A_545] {strides = array<i32>} : memref<4096xi32, #tpu.memory_space<vmem>>, vector<16xi32>,
      %swap3A_547 = vector.shape_cast %swap3A_546 : vector<16xi32> to vector<16xi32>
      %swap3A_548 = vector.shape_cast %add3A_542 : vector<16xi32> to vector<16xi32>
      tpu.vector_store %arg11[%swap3A_545], %swap3A_548 {strides = array<i32>} : memref<4096xi32, #tpu.memory_space<vmem>>, vector<16xi32>,
      %add3A_549 = arith.constant 1 : i32
      %add3A_550 = vector.broadcast %add3A_549 : i32 to vector<16xi32>
      %add3A_551 = arith.addi %convert_element_type3A, %add3A_550 : vector<16xi32>
      %max3A_552 = arith.constant 0 : i32
      %max3A_553 = vector.broadcast %max3A_552 : i32 to vector<16xi32>
      %max3A_554 = arith.maxsi %add3A_551, %max3A_553 : vector<16xi32>
      %min3A_555 = arith.constant 511 : i32
      %min3A_556 = vector.broadcast %min3A_555 : i32 to vector<16xi32>
      %min3A_557 = arith.minsi %max3A_554, %min3A_556 : vector<16xi32>
      %add3A_558 = arith.addi %add3A_484, %min3A_557 : vector<16xi32>
      %add3A_559 = arith.constant 448 : i32
      %add3A_560 = arith.addi %mul3A_29, %add3A_559 : i32
      %swap3A_561 = arith.index_cast %add3A_560 : i32 to index
      %swap3A_562 = tpu.vector_load %arg11[%swap3A_561] {strides = array<i32>} : memref<4096xi32, #tpu.memory_space<vmem>>, vector<16xi32>,
      %swap3A_563 = vector.shape_cast %swap3A_562 : vector<16xi32> to vector<16xi32>
      %swap3A_564 = vector.shape_cast %add3A_558 : vector<16xi32> to vector<16xi32>
      tpu.vector_store %arg11[%swap3A_561], %swap3A_564 {strides = array<i32>} : memref<4096xi32, #tpu.memory_space<vmem>>, vector<16xi32>,
      %add3A_565 = arith.constant 2 : i32
      %add3A_566 = vector.broadcast %add3A_565 : i32 to vector<16xi32>
      %add3A_567 = arith.addi %convert_element_type3A, %add3A_566 : vector<16xi32>
      %max3A_568 = arith.constant 0 : i32
      %max3A_569 = vector.broadcast %max3A_568 : i32 to vector<16xi32>
      %max3A_570 = arith.maxsi %add3A_567, %max3A_569 : vector<16xi32>
      %min3A_571 = arith.constant 511 : i32
      %min3A_572 = vector.broadcast %min3A_571 : i32 to vector<16xi32>
      %min3A_573 = arith.minsi %max3A_570, %min3A_572 : vector<16xi32>
      %add3A_574 = arith.addi %add3A_484, %min3A_573 : vector<16xi32>
      %add3A_575 = arith.constant 464 : i32
      %add3A_576 = arith.addi %mul3A_29, %add3A_575 : i32
      %swap3A_577 = arith.index_cast %add3A_576 : i32 to index
      %swap3A_578 = tpu.vector_load %arg11[%swap3A_577] {strides = array<i32>} : memref<4096xi32, #tpu.memory_space<vmem>>, vector<16xi32>,
      %swap3A_579 = vector.shape_cast %swap3A_578 : vector<16xi32> to vector<16xi32>
      %swap3A_580 = vector.shape_cast %add3A_574 : vector<16xi32> to vector<16xi32>
      tpu.vector_store %arg11[%swap3A_577], %swap3A_580 {strides = array<i32>} : memref<4096xi32, #tpu.memory_space<vmem>>, vector<16xi32>,
      %add3A_581 = arith.constant 3 : i32
      %add3A_582 = vector.broadcast %add3A_581 : i32 to vector<16xi32>
      %add3A_583 = arith.addi %convert_element_type3A, %add3A_582 : vector<16xi32>
      %max3A_584 = arith.constant 0 : i32
      %max3A_585 = vector.broadcast %max3A_584 : i32 to vector<16xi32>
      %max3A_586 = arith.maxsi %add3A_583, %max3A_585 : vector<16xi32>
      %min3A_587 = arith.constant 511 : i32
      %min3A_588 = vector.broadcast %min3A_587 : i32 to vector<16xi32>
      %min3A_589 = arith.minsi %max3A_586, %min3A_588 : vector<16xi32>
      %add3A_590 = arith.addi %add3A_484, %min3A_589 : vector<16xi32>
      %add3A_591 = arith.constant 480 : i32
      %add3A_592 = arith.addi %mul3A_29, %add3A_591 : i32
      %swap3A_593 = arith.index_cast %add3A_592 : i32 to index
      %swap3A_594 = tpu.vector_load %arg11[%swap3A_593] {strides = array<i32>} : memref<4096xi32, #tpu.memory_space<vmem>>, vector<16xi32>,
      %swap3A_595 = vector.shape_cast %swap3A_594 : vector<16xi32> to vector<16xi32>
      %swap3A_596 = vector.shape_cast %add3A_590 : vector<16xi32> to vector<16xi32>
      tpu.vector_store %arg11[%swap3A_593], %swap3A_596 {strides = array<i32>} : memref<4096xi32, #tpu.memory_space<vmem>>, vector<16xi32>,
      %add3A_597 = arith.constant 4 : i32
      %add3A_598 = vector.broadcast %add3A_597 : i32 to vector<16xi32>
      %add3A_599 = arith.addi %convert_element_type3A, %add3A_598 : vector<16xi32>
      %max3A_600 = arith.constant 0 : i32
      %max3A_601 = vector.broadcast %max3A_600 : i32 to vector<16xi32>
      %max3A_602 = arith.maxsi %add3A_599, %max3A_601 : vector<16xi32>
      %min3A_603 = arith.constant 511 : i32
      %min3A_604 = vector.broadcast %min3A_603 : i32 to vector<16xi32>
      %min3A_605 = arith.minsi %max3A_602, %min3A_604 : vector<16xi32>
      %add3A_606 = arith.addi %add3A_484, %min3A_605 : vector<16xi32>
      %add3A_607 = arith.constant 496 : i32
      %add3A_608 = arith.addi %mul3A_29, %add3A_607 : i32
      %swap3A_609 = arith.index_cast %add3A_608 : i32 to index
      %swap3A_610 = tpu.vector_load %arg11[%swap3A_609] {strides = array<i32>} : memref<4096xi32, #tpu.memory_space<vmem>>, vector<16xi32>,
      %swap3A_611 = vector.shape_cast %swap3A_610 : vector<16xi32> to vector<16xi32>
      %swap3A_612 = vector.shape_cast %add3A_606 : vector<16xi32> to vector<16xi32>
      tpu.vector_store %arg11[%swap3A_609], %swap3A_612 {strides = array<i32>} : memref<4096xi32, #tpu.memory_space<vmem>>, vector<16xi32>,
      %add3A_613 = arith.constant 1 : i32
      %add3A_614 = vector.broadcast %add3A_613 : i32 to vector<16xi32>
      %add3A_615 = arith.addi %sub3A, %add3A_614 : vector<16xi32>
      %max3A_616 = arith.constant 0 : i32
      %max3A_617 = vector.broadcast %max3A_616 : i32 to vector<16xi32>
      %max3A_618 = arith.maxsi %add3A_615, %max3A_617 : vector<16xi32>
      %min3A_619 = arith.constant 511 : i32
      %min3A_620 = vector.broadcast %min3A_619 : i32 to vector<16xi32>
      %min3A_621 = arith.minsi %max3A_618, %min3A_620 : vector<16xi32>
      %shift_left3A_622 = arith.constant 9 : i32
      %shift_left3A_623 = vector.broadcast %shift_left3A_622 : i32 to vector<16xi32>
      %shift_left3A_624 = arith.shli %min3A_621, %shift_left3A_623 : vector<16xi32>
      %add3A_625 = arith.addi %shift_left3A_44, %shift_left3A_624 : vector<16xi32>
      %add3A_626 = arith.constant -3 : i32
      %add3A_627 = vector.broadcast %add3A_626 : i32 to vector<16xi32>
      %add3A_628 = arith.addi %convert_element_type3A, %add3A_627 : vector<16xi32>
      %max3A_629 = arith.constant 0 : i32
      %max3A_630 = vector.broadcast %max3A_629 : i32 to vector<16xi32>
      %max3A_631 = arith.maxsi %add3A_628, %max3A_630 : vector<16xi32>
      %min3A_632 = arith.constant 511 : i32
      %min3A_633 = vector.broadcast %min3A_632 : i32 to vector<16xi32>
      %min3A_634 = arith.minsi %max3A_631, %min3A_633 : vector<16xi32>
      %add3A_635 = arith.addi %add3A_625, %min3A_634 : vector<16xi32>
      %add3A_636 = arith.constant 512 : i32
      %add3A_637 = arith.addi %mul3A_29, %add3A_636 : i32
      %swap3A_638 = arith.index_cast %add3A_637 : i32 to index
      %swap3A_639 = tpu.vector_load %arg11[%swap3A_638] {strides = array<i32>} : memref<4096xi32, #tpu.memory_space<vmem>>, vector<16xi32>,
      %swap3A_640 = vector.shape_cast %swap3A_639 : vector<16xi32> to vector<16xi32>
      %swap3A_641 = vector.shape_cast %add3A_635 : vector<16xi32> to vector<16xi32>
      tpu.vector_store %arg11[%swap3A_638], %swap3A_641 {strides = array<i32>} : memref<4096xi32, #tpu.memory_space<vmem>>, vector<16xi32>,
      %add3A_642 = arith.constant -2 : i32
      %add3A_643 = vector.broadcast %add3A_642 : i32 to vector<16xi32>
      %add3A_644 = arith.addi %convert_element_type3A, %add3A_643 : vector<16xi32>
      %max3A_645 = arith.constant 0 : i32
      %max3A_646 = vector.broadcast %max3A_645 : i32 to vector<16xi32>
      %max3A_647 = arith.maxsi %add3A_644, %max3A_646 : vector<16xi32>
      %min3A_648 = arith.constant 511 : i32
      %min3A_649 = vector.broadcast %min3A_648 : i32 to vector<16xi32>
      %min3A_650 = arith.minsi %max3A_647, %min3A_649 : vector<16xi32>
      %add3A_651 = arith.addi %add3A_625, %min3A_650 : vector<16xi32>
      %add3A_652 = arith.constant 528 : i32
      %add3A_653 = arith.addi %mul3A_29, %add3A_652 : i32
      %swap3A_654 = arith.index_cast %add3A_653 : i32 to index
      %swap3A_655 = tpu.vector_load %arg11[%swap3A_654] {strides = array<i32>} : memref<4096xi32, #tpu.memory_space<vmem>>, vector<16xi32>,
      %swap3A_656 = vector.shape_cast %swap3A_655 : vector<16xi32> to vector<16xi32>
      %swap3A_657 = vector.shape_cast %add3A_651 : vector<16xi32> to vector<16xi32>
      tpu.vector_store %arg11[%swap3A_654], %swap3A_657 {strides = array<i32>} : memref<4096xi32, #tpu.memory_space<vmem>>, vector<16xi32>,
      %add3A_658 = arith.constant -1 : i32
      %add3A_659 = vector.broadcast %add3A_658 : i32 to vector<16xi32>
      %add3A_660 = arith.addi %convert_element_type3A, %add3A_659 : vector<16xi32>
      %max3A_661 = arith.constant 0 : i32
      %max3A_662 = vector.broadcast %max3A_661 : i32 to vector<16xi32>
      %max3A_663 = arith.maxsi %add3A_660, %max3A_662 : vector<16xi32>
      %min3A_664 = arith.constant 511 : i32
      %min3A_665 = vector.broadcast %min3A_664 : i32 to vector<16xi32>
      %min3A_666 = arith.minsi %max3A_663, %min3A_665 : vector<16xi32>
      %add3A_667 = arith.addi %add3A_625, %min3A_666 : vector<16xi32>
      %add3A_668 = arith.constant 544 : i32
      %add3A_669 = arith.addi %mul3A_29, %add3A_668 : i32
      %swap3A_670 = arith.index_cast %add3A_669 : i32 to index
      %swap3A_671 = tpu.vector_load %arg11[%swap3A_670] {strides = array<i32>} : memref<4096xi32, #tpu.memory_space<vmem>>, vector<16xi32>,
      %swap3A_672 = vector.shape_cast %swap3A_671 : vector<16xi32> to vector<16xi32>
      %swap3A_673 = vector.shape_cast %add3A_667 : vector<16xi32> to vector<16xi32>
      tpu.vector_store %arg11[%swap3A_670], %swap3A_673 {strides = array<i32>} : memref<4096xi32, #tpu.memory_space<vmem>>, vector<16xi32>,
      %add3A_674 = arith.constant 0 : i32
      %add3A_675 = vector.broadcast %add3A_674 : i32 to vector<16xi32>
      %add3A_676 = arith.addi %convert_element_type3A, %add3A_675 : vector<16xi32>
      %max3A_677 = arith.constant 0 : i32
      %max3A_678 = vector.broadcast %max3A_677 : i32 to vector<16xi32>
      %max3A_679 = arith.maxsi %add3A_676, %max3A_678 : vector<16xi32>
      %min3A_680 = arith.constant 511 : i32
      %min3A_681 = vector.broadcast %min3A_680 : i32 to vector<16xi32>
      %min3A_682 = arith.minsi %max3A_679, %min3A_681 : vector<16xi32>
      %add3A_683 = arith.addi %add3A_625, %min3A_682 : vector<16xi32>
      %add3A_684 = arith.constant 560 : i32
      %add3A_685 = arith.addi %mul3A_29, %add3A_684 : i32
      %swap3A_686 = arith.index_cast %add3A_685 : i32 to index
      %swap3A_687 = tpu.vector_load %arg11[%swap3A_686] {strides = array<i32>} : memref<4096xi32, #tpu.memory_space<vmem>>, vector<16xi32>,
      %swap3A_688 = vector.shape_cast %swap3A_687 : vector<16xi32> to vector<16xi32>
      %swap3A_689 = vector.shape_cast %add3A_683 : vector<16xi32> to vector<16xi32>
      tpu.vector_store %arg11[%swap3A_686], %swap3A_689 {strides = array<i32>} : memref<4096xi32, #tpu.memory_space<vmem>>, vector<16xi32>,
      %add3A_690 = arith.constant 1 : i32
      %add3A_691 = vector.broadcast %add3A_690 : i32 to vector<16xi32>
      %add3A_692 = arith.addi %convert_element_type3A, %add3A_691 : vector<16xi32>
      %max3A_693 = arith.constant 0 : i32
      %max3A_694 = vector.broadcast %max3A_693 : i32 to vector<16xi32>
      %max3A_695 = arith.maxsi %add3A_692, %max3A_694 : vector<16xi32>
      %min3A_696 = arith.constant 511 : i32
      %min3A_697 = vector.broadcast %min3A_696 : i32 to vector<16xi32>
      %min3A_698 = arith.minsi %max3A_695, %min3A_697 : vector<16xi32>
      %add3A_699 = arith.addi %add3A_625, %min3A_698 : vector<16xi32>
      %add3A_700 = arith.constant 576 : i32
      %add3A_701 = arith.addi %mul3A_29, %add3A_700 : i32
      %swap3A_702 = arith.index_cast %add3A_701 : i32 to index
      %swap3A_703 = tpu.vector_load %arg11[%swap3A_702] {strides = array<i32>} : memref<4096xi32, #tpu.memory_space<vmem>>, vector<16xi32>,
      %swap3A_704 = vector.shape_cast %swap3A_703 : vector<16xi32> to vector<16xi32>
      %swap3A_705 = vector.shape_cast %add3A_699 : vector<16xi32> to vector<16xi32>
      tpu.vector_store %arg11[%swap3A_702], %swap3A_705 {strides = array<i32>} : memref<4096xi32, #tpu.memory_space<vmem>>, vector<16xi32>,
      %add3A_706 = arith.constant 2 : i32
      %add3A_707 = vector.broadcast %add3A_706 : i32 to vector<16xi32>
      %add3A_708 = arith.addi %convert_element_type3A, %add3A_707 : vector<16xi32>
      %max3A_709 = arith.constant 0 : i32
      %max3A_710 = vector.broadcast %max3A_709 : i32 to vector<16xi32>
      %max3A_711 = arith.maxsi %add3A_708, %max3A_710 : vector<16xi32>
      %min3A_712 = arith.constant 511 : i32
      %min3A_713 = vector.broadcast %min3A_712 : i32 to vector<16xi32>
      %min3A_714 = arith.minsi %max3A_711, %min3A_713 : vector<16xi32>
      %add3A_715 = arith.addi %add3A_625, %min3A_714 : vector<16xi32>
      %add3A_716 = arith.constant 592 : i32
      %add3A_717 = arith.addi %mul3A_29, %add3A_716 : i32
      %swap3A_718 = arith.index_cast %add3A_717 : i32 to index
      %swap3A_719 = tpu.vector_load %arg11[%swap3A_718] {strides = array<i32>} : memref<4096xi32, #tpu.memory_space<vmem>>, vector<16xi32>,
      %swap3A_720 = vector.shape_cast %swap3A_719 : vector<16xi32> to vector<16xi32>
      %swap3A_721 = vector.shape_cast %add3A_715 : vector<16xi32> to vector<16xi32>
      tpu.vector_store %arg11[%swap3A_718], %swap3A_721 {strides = array<i32>} : memref<4096xi32, #tpu.memory_space<vmem>>, vector<16xi32>,
      %add3A_722 = arith.constant 3 : i32
      %add3A_723 = vector.broadcast %add3A_722 : i32 to vector<16xi32>
      %add3A_724 = arith.addi %convert_element_type3A, %add3A_723 : vector<16xi32>
      %max3A_725 = arith.constant 0 : i32
      %max3A_726 = vector.broadcast %max3A_725 : i32 to vector<16xi32>
      %max3A_727 = arith.maxsi %add3A_724, %max3A_726 : vector<16xi32>
      %min3A_728 = arith.constant 511 : i32
      %min3A_729 = vector.broadcast %min3A_728 : i32 to vector<16xi32>
      %min3A_730 = arith.minsi %max3A_727, %min3A_729 : vector<16xi32>
      %add3A_731 = arith.addi %add3A_625, %min3A_730 : vector<16xi32>
      %add3A_732 = arith.constant 608 : i32
      %add3A_733 = arith.addi %mul3A_29, %add3A_732 : i32
      %swap3A_734 = arith.index_cast %add3A_733 : i32 to index
      %swap3A_735 = tpu.vector_load %arg11[%swap3A_734] {strides = array<i32>} : memref<4096xi32, #tpu.memory_space<vmem>>, vector<16xi32>,
      %swap3A_736 = vector.shape_cast %swap3A_735 : vector<16xi32> to vector<16xi32>
      %swap3A_737 = vector.shape_cast %add3A_731 : vector<16xi32> to vector<16xi32>
      tpu.vector_store %arg11[%swap3A_734], %swap3A_737 {strides = array<i32>} : memref<4096xi32, #tpu.memory_space<vmem>>, vector<16xi32>,
      %add3A_738 = arith.constant 4 : i32
      %add3A_739 = vector.broadcast %add3A_738 : i32 to vector<16xi32>
      %add3A_740 = arith.addi %convert_element_type3A, %add3A_739 : vector<16xi32>
      %max3A_741 = arith.constant 0 : i32
      %max3A_742 = vector.broadcast %max3A_741 : i32 to vector<16xi32>
      %max3A_743 = arith.maxsi %add3A_740, %max3A_742 : vector<16xi32>
      %min3A_744 = arith.constant 511 : i32
      %min3A_745 = vector.broadcast %min3A_744 : i32 to vector<16xi32>
      %min3A_746 = arith.minsi %max3A_743, %min3A_745 : vector<16xi32>
      %add3A_747 = arith.addi %add3A_625, %min3A_746 : vector<16xi32>
      %add3A_748 = arith.constant 624 : i32
      %add3A_749 = arith.addi %mul3A_29, %add3A_748 : i32
      %swap3A_750 = arith.index_cast %add3A_749 : i32 to index
      %swap3A_751 = tpu.vector_load %arg11[%swap3A_750] {strides = array<i32>} : memref<4096xi32, #tpu.memory_space<vmem>>, vector<16xi32>,
      %swap3A_752 = vector.shape_cast %swap3A_751 : vector<16xi32> to vector<16xi32>
      %swap3A_753 = vector.shape_cast %add3A_747 : vector<16xi32> to vector<16xi32>
      tpu.vector_store %arg11[%swap3A_750], %swap3A_753 {strides = array<i32>} : memref<4096xi32, #tpu.memory_space<vmem>>, vector<16xi32>,
      %add3A_754 = arith.constant 2 : i32
      %add3A_755 = vector.broadcast %add3A_754 : i32 to vector<16xi32>
      %add3A_756 = arith.addi %sub3A, %add3A_755 : vector<16xi32>
      %max3A_757 = arith.constant 0 : i32
      %max3A_758 = vector.broadcast %max3A_757 : i32 to vector<16xi32>
      %max3A_759 = arith.maxsi %add3A_756, %max3A_758 : vector<16xi32>
      %min3A_760 = arith.constant 511 : i32
      %min3A_761 = vector.broadcast %min3A_760 : i32 to vector<16xi32>
      %min3A_762 = arith.minsi %max3A_759, %min3A_761 : vector<16xi32>
      %shift_left3A_763 = arith.constant 9 : i32
      %shift_left3A_764 = vector.broadcast %shift_left3A_763 : i32 to vector<16xi32>
      %shift_left3A_765 = arith.shli %min3A_762, %shift_left3A_764 : vector<16xi32>
      %add3A_766 = arith.addi %shift_left3A_44, %shift_left3A_765 : vector<16xi32>
      %add3A_767 = arith.constant -3 : i32
      %add3A_768 = vector.broadcast %add3A_767 : i32 to vector<16xi32>
      %add3A_769 = arith.addi %convert_element_type3A, %add3A_768 : vector<16xi32>
      %max3A_770 = arith.constant 0 : i32
      %max3A_771 = vector.broadcast %max3A_770 : i32 to vector<16xi32>
      %max3A_772 = arith.maxsi %add3A_769, %max3A_771 : vector<16xi32>
      %min3A_773 = arith.constant 511 : i32
      %min3A_774 = vector.broadcast %min3A_773 : i32 to vector<16xi32>
      %min3A_775 = arith.minsi %max3A_772, %min3A_774 : vector<16xi32>
      %add3A_776 = arith.addi %add3A_766, %min3A_775 : vector<16xi32>
      %add3A_777 = arith.constant 640 : i32
      %add3A_778 = arith.addi %mul3A_29, %add3A_777 : i32
      %swap3A_779 = arith.index_cast %add3A_778 : i32 to index
      %swap3A_780 = tpu.vector_load %arg11[%swap3A_779] {strides = array<i32>} : memref<4096xi32, #tpu.memory_space<vmem>>, vector<16xi32>,
      %swap3A_781 = vector.shape_cast %swap3A_780 : vector<16xi32> to vector<16xi32>
      %swap3A_782 = vector.shape_cast %add3A_776 : vector<16xi32> to vector<16xi32>
      tpu.vector_store %arg11[%swap3A_779], %swap3A_782 {strides = array<i32>} : memref<4096xi32, #tpu.memory_space<vmem>>, vector<16xi32>,
      %add3A_783 = arith.constant -2 : i32
      %add3A_784 = vector.broadcast %add3A_783 : i32 to vector<16xi32>
      %add3A_785 = arith.addi %convert_element_type3A, %add3A_784 : vector<16xi32>
      %max3A_786 = arith.constant 0 : i32
      %max3A_787 = vector.broadcast %max3A_786 : i32 to vector<16xi32>
      %max3A_788 = arith.maxsi %add3A_785, %max3A_787 : vector<16xi32>
      %min3A_789 = arith.constant 511 : i32
      %min3A_790 = vector.broadcast %min3A_789 : i32 to vector<16xi32>
      %min3A_791 = arith.minsi %max3A_788, %min3A_790 : vector<16xi32>
      %add3A_792 = arith.addi %add3A_766, %min3A_791 : vector<16xi32>
      %add3A_793 = arith.constant 656 : i32
      %add3A_794 = arith.addi %mul3A_29, %add3A_793 : i32
      %swap3A_795 = arith.index_cast %add3A_794 : i32 to index
      %swap3A_796 = tpu.vector_load %arg11[%swap3A_795] {strides = array<i32>} : memref<4096xi32, #tpu.memory_space<vmem>>, vector<16xi32>,
      %swap3A_797 = vector.shape_cast %swap3A_796 : vector<16xi32> to vector<16xi32>
      %swap3A_798 = vector.shape_cast %add3A_792 : vector<16xi32> to vector<16xi32>
      tpu.vector_store %arg11[%swap3A_795], %swap3A_798 {strides = array<i32>} : memref<4096xi32, #tpu.memory_space<vmem>>, vector<16xi32>,
      %add3A_799 = arith.constant -1 : i32
      %add3A_800 = vector.broadcast %add3A_799 : i32 to vector<16xi32>
      %add3A_801 = arith.addi %convert_element_type3A, %add3A_800 : vector<16xi32>
      %max3A_802 = arith.constant 0 : i32
      %max3A_803 = vector.broadcast %max3A_802 : i32 to vector<16xi32>
      %max3A_804 = arith.maxsi %add3A_801, %max3A_803 : vector<16xi32>
      %min3A_805 = arith.constant 511 : i32
      %min3A_806 = vector.broadcast %min3A_805 : i32 to vector<16xi32>
      %min3A_807 = arith.minsi %max3A_804, %min3A_806 : vector<16xi32>
      %add3A_808 = arith.addi %add3A_766, %min3A_807 : vector<16xi32>
      %add3A_809 = arith.constant 672 : i32
      %add3A_810 = arith.addi %mul3A_29, %add3A_809 : i32
      %swap3A_811 = arith.index_cast %add3A_810 : i32 to index
      %swap3A_812 = tpu.vector_load %arg11[%swap3A_811] {strides = array<i32>} : memref<4096xi32, #tpu.memory_space<vmem>>, vector<16xi32>,
      %swap3A_813 = vector.shape_cast %swap3A_812 : vector<16xi32> to vector<16xi32>
      %swap3A_814 = vector.shape_cast %add3A_808 : vector<16xi32> to vector<16xi32>
      tpu.vector_store %arg11[%swap3A_811], %swap3A_814 {strides = array<i32>} : memref<4096xi32, #tpu.memory_space<vmem>>, vector<16xi32>,
      %add3A_815 = arith.constant 0 : i32
      %add3A_816 = vector.broadcast %add3A_815 : i32 to vector<16xi32>
      %add3A_817 = arith.addi %convert_element_type3A, %add3A_816 : vector<16xi32>
      %max3A_818 = arith.constant 0 : i32
      %max3A_819 = vector.broadcast %max3A_818 : i32 to vector<16xi32>
      %max3A_820 = arith.maxsi %add3A_817, %max3A_819 : vector<16xi32>
      %min3A_821 = arith.constant 511 : i32
      %min3A_822 = vector.broadcast %min3A_821 : i32 to vector<16xi32>
      %min3A_823 = arith.minsi %max3A_820, %min3A_822 : vector<16xi32>
      %add3A_824 = arith.addi %add3A_766, %min3A_823 : vector<16xi32>
      %add3A_825 = arith.constant 688 : i32
      %add3A_826 = arith.addi %mul3A_29, %add3A_825 : i32
      %swap3A_827 = arith.index_cast %add3A_826 : i32 to index
      %swap3A_828 = tpu.vector_load %arg11[%swap3A_827] {strides = array<i32>} : memref<4096xi32, #tpu.memory_space<vmem>>, vector<16xi32>,
      %swap3A_829 = vector.shape_cast %swap3A_828 : vector<16xi32> to vector<16xi32>
      %swap3A_830 = vector.shape_cast %add3A_824 : vector<16xi32> to vector<16xi32>
      tpu.vector_store %arg11[%swap3A_827], %swap3A_830 {strides = array<i32>} : memref<4096xi32, #tpu.memory_space<vmem>>, vector<16xi32>,
      %add3A_831 = arith.constant 1 : i32
      %add3A_832 = vector.broadcast %add3A_831 : i32 to vector<16xi32>
      %add3A_833 = arith.addi %convert_element_type3A, %add3A_832 : vector<16xi32>
      %max3A_834 = arith.constant 0 : i32
      %max3A_835 = vector.broadcast %max3A_834 : i32 to vector<16xi32>
      %max3A_836 = arith.maxsi %add3A_833, %max3A_835 : vector<16xi32>
      %min3A_837 = arith.constant 511 : i32
      %min3A_838 = vector.broadcast %min3A_837 : i32 to vector<16xi32>
      %min3A_839 = arith.minsi %max3A_836, %min3A_838 : vector<16xi32>
      %add3A_840 = arith.addi %add3A_766, %min3A_839 : vector<16xi32>
      %add3A_841 = arith.constant 704 : i32
      %add3A_842 = arith.addi %mul3A_29, %add3A_841 : i32
      %swap3A_843 = arith.index_cast %add3A_842 : i32 to index
      %swap3A_844 = tpu.vector_load %arg11[%swap3A_843] {strides = array<i32>} : memref<4096xi32, #tpu.memory_space<vmem>>, vector<16xi32>,
      %swap3A_845 = vector.shape_cast %swap3A_844 : vector<16xi32> to vector<16xi32>
      %swap3A_846 = vector.shape_cast %add3A_840 : vector<16xi32> to vector<16xi32>
      tpu.vector_store %arg11[%swap3A_843], %swap3A_846 {strides = array<i32>} : memref<4096xi32, #tpu.memory_space<vmem>>, vector<16xi32>,
      %add3A_847 = arith.constant 2 : i32
      %add3A_848 = vector.broadcast %add3A_847 : i32 to vector<16xi32>
      %add3A_849 = arith.addi %convert_element_type3A, %add3A_848 : vector<16xi32>
      %max3A_850 = arith.constant 0 : i32
      %max3A_851 = vector.broadcast %max3A_850 : i32 to vector<16xi32>
      %max3A_852 = arith.maxsi %add3A_849, %max3A_851 : vector<16xi32>
      %min3A_853 = arith.constant 511 : i32
      %min3A_854 = vector.broadcast %min3A_853 : i32 to vector<16xi32>
      %min3A_855 = arith.minsi %max3A_852, %min3A_854 : vector<16xi32>
      %add3A_856 = arith.addi %add3A_766, %min3A_855 : vector<16xi32>
      %add3A_857 = arith.constant 720 : i32
      %add3A_858 = arith.addi %mul3A_29, %add3A_857 : i32
      %swap3A_859 = arith.index_cast %add3A_858 : i32 to index
      %swap3A_860 = tpu.vector_load %arg11[%swap3A_859] {strides = array<i32>} : memref<4096xi32, #tpu.memory_space<vmem>>, vector<16xi32>,
      %swap3A_861 = vector.shape_cast %swap3A_860 : vector<16xi32> to vector<16xi32>
      %swap3A_862 = vector.shape_cast %add3A_856 : vector<16xi32> to vector<16xi32>
      tpu.vector_store %arg11[%swap3A_859], %swap3A_862 {strides = array<i32>} : memref<4096xi32, #tpu.memory_space<vmem>>, vector<16xi32>,
      %add3A_863 = arith.constant 3 : i32
      %add3A_864 = vector.broadcast %add3A_863 : i32 to vector<16xi32>
      %add3A_865 = arith.addi %convert_element_type3A, %add3A_864 : vector<16xi32>
      %max3A_866 = arith.constant 0 : i32
      %max3A_867 = vector.broadcast %max3A_866 : i32 to vector<16xi32>
      %max3A_868 = arith.maxsi %add3A_865, %max3A_867 : vector<16xi32>
      %min3A_869 = arith.constant 511 : i32
      %min3A_870 = vector.broadcast %min3A_869 : i32 to vector<16xi32>
      %min3A_871 = arith.minsi %max3A_868, %min3A_870 : vector<16xi32>
      %add3A_872 = arith.addi %add3A_766, %min3A_871 : vector<16xi32>
      %add3A_873 = arith.constant 736 : i32
      %add3A_874 = arith.addi %mul3A_29, %add3A_873 : i32
      %swap3A_875 = arith.index_cast %add3A_874 : i32 to index
      %swap3A_876 = tpu.vector_load %arg11[%swap3A_875] {strides = array<i32>} : memref<4096xi32, #tpu.memory_space<vmem>>, vector<16xi32>,
      %swap3A_877 = vector.shape_cast %swap3A_876 : vector<16xi32> to vector<16xi32>
      %swap3A_878 = vector.shape_cast %add3A_872 : vector<16xi32> to vector<16xi32>
      tpu.vector_store %arg11[%swap3A_875], %swap3A_878 {strides = array<i32>} : memref<4096xi32, #tpu.memory_space<vmem>>, vector<16xi32>,
      %add3A_879 = arith.constant 4 : i32
      %add3A_880 = vector.broadcast %add3A_879 : i32 to vector<16xi32>
      %add3A_881 = arith.addi %convert_element_type3A, %add3A_880 : vector<16xi32>
      %max3A_882 = arith.constant 0 : i32
      %max3A_883 = vector.broadcast %max3A_882 : i32 to vector<16xi32>
      %max3A_884 = arith.maxsi %add3A_881, %max3A_883 : vector<16xi32>
      %min3A_885 = arith.constant 511 : i32
      %min3A_886 = vector.broadcast %min3A_885 : i32 to vector<16xi32>
      %min3A_887 = arith.minsi %max3A_884, %min3A_886 : vector<16xi32>
      %add3A_888 = arith.addi %add3A_766, %min3A_887 : vector<16xi32>
      %add3A_889 = arith.constant 752 : i32
      %add3A_890 = arith.addi %mul3A_29, %add3A_889 : i32
      %swap3A_891 = arith.index_cast %add3A_890 : i32 to index
      %swap3A_892 = tpu.vector_load %arg11[%swap3A_891] {strides = array<i32>} : memref<4096xi32, #tpu.memory_space<vmem>>, vector<16xi32>,
      %swap3A_893 = vector.shape_cast %swap3A_892 : vector<16xi32> to vector<16xi32>
      %swap3A_894 = vector.shape_cast %add3A_888 : vector<16xi32> to vector<16xi32>
      tpu.vector_store %arg11[%swap3A_891], %swap3A_894 {strides = array<i32>} : memref<4096xi32, #tpu.memory_space<vmem>>, vector<16xi32>,
      %add3A_895 = arith.constant 3 : i32
      %add3A_896 = vector.broadcast %add3A_895 : i32 to vector<16xi32>
      %add3A_897 = arith.addi %sub3A, %add3A_896 : vector<16xi32>
      %max3A_898 = arith.constant 0 : i32
      %max3A_899 = vector.broadcast %max3A_898 : i32 to vector<16xi32>
      %max3A_900 = arith.maxsi %add3A_897, %max3A_899 : vector<16xi32>
      %min3A_901 = arith.constant 511 : i32
      %min3A_902 = vector.broadcast %min3A_901 : i32 to vector<16xi32>
      %min3A_903 = arith.minsi %max3A_900, %min3A_902 : vector<16xi32>
      %shift_left3A_904 = arith.constant 9 : i32
      %shift_left3A_905 = vector.broadcast %shift_left3A_904 : i32 to vector<16xi32>
      %shift_left3A_906 = arith.shli %min3A_903, %shift_left3A_905 : vector<16xi32>
      %add3A_907 = arith.addi %shift_left3A_44, %shift_left3A_906 : vector<16xi32>
      %add3A_908 = arith.constant -3 : i32
      %add3A_909 = vector.broadcast %add3A_908 : i32 to vector<16xi32>
      %add3A_910 = arith.addi %convert_element_type3A, %add3A_909 : vector<16xi32>
      %max3A_911 = arith.constant 0 : i32
      %max3A_912 = vector.broadcast %max3A_911 : i32 to vector<16xi32>
      %max3A_913 = arith.maxsi %add3A_910, %max3A_912 : vector<16xi32>
      %min3A_914 = arith.constant 511 : i32
      %min3A_915 = vector.broadcast %min3A_914 : i32 to vector<16xi32>
      %min3A_916 = arith.minsi %max3A_913, %min3A_915 : vector<16xi32>
      %add3A_917 = arith.addi %add3A_907, %min3A_916 : vector<16xi32>
      %add3A_918 = arith.constant 768 : i32
      %add3A_919 = arith.addi %mul3A_29, %add3A_918 : i32
      %swap3A_920 = arith.index_cast %add3A_919 : i32 to index
      %swap3A_921 = tpu.vector_load %arg11[%swap3A_920] {strides = array<i32>} : memref<4096xi32, #tpu.memory_space<vmem>>, vector<16xi32>,
      %swap3A_922 = vector.shape_cast %swap3A_921 : vector<16xi32> to vector<16xi32>
      %swap3A_923 = vector.shape_cast %add3A_917 : vector<16xi32> to vector<16xi32>
      tpu.vector_store %arg11[%swap3A_920], %swap3A_923 {strides = array<i32>} : memref<4096xi32, #tpu.memory_space<vmem>>, vector<16xi32>,
      %add3A_924 = arith.constant -2 : i32
      %add3A_925 = vector.broadcast %add3A_924 : i32 to vector<16xi32>
      %add3A_926 = arith.addi %convert_element_type3A, %add3A_925 : vector<16xi32>
      %max3A_927 = arith.constant 0 : i32
      %max3A_928 = vector.broadcast %max3A_927 : i32 to vector<16xi32>
      %max3A_929 = arith.maxsi %add3A_926, %max3A_928 : vector<16xi32>
      %min3A_930 = arith.constant 511 : i32
      %min3A_931 = vector.broadcast %min3A_930 : i32 to vector<16xi32>
      %min3A_932 = arith.minsi %max3A_929, %min3A_931 : vector<16xi32>
      %add3A_933 = arith.addi %add3A_907, %min3A_932 : vector<16xi32>
      %add3A_934 = arith.constant 784 : i32
      %add3A_935 = arith.addi %mul3A_29, %add3A_934 : i32
      %swap3A_936 = arith.index_cast %add3A_935 : i32 to index
      %swap3A_937 = tpu.vector_load %arg11[%swap3A_936] {strides = array<i32>} : memref<4096xi32, #tpu.memory_space<vmem>>, vector<16xi32>,
      %swap3A_938 = vector.shape_cast %swap3A_937 : vector<16xi32> to vector<16xi32>
      %swap3A_939 = vector.shape_cast %add3A_933 : vector<16xi32> to vector<16xi32>
      tpu.vector_store %arg11[%swap3A_936], %swap3A_939 {strides = array<i32>} : memref<4096xi32, #tpu.memory_space<vmem>>, vector<16xi32>,
      %add3A_940 = arith.constant -1 : i32
      %add3A_941 = vector.broadcast %add3A_940 : i32 to vector<16xi32>
      %add3A_942 = arith.addi %convert_element_type3A, %add3A_941 : vector<16xi32>
      %max3A_943 = arith.constant 0 : i32
      %max3A_944 = vector.broadcast %max3A_943 : i32 to vector<16xi32>
      %max3A_945 = arith.maxsi %add3A_942, %max3A_944 : vector<16xi32>
      %min3A_946 = arith.constant 511 : i32
      %min3A_947 = vector.broadcast %min3A_946 : i32 to vector<16xi32>
      %min3A_948 = arith.minsi %max3A_945, %min3A_947 : vector<16xi32>
      %add3A_949 = arith.addi %add3A_907, %min3A_948 : vector<16xi32>
      %add3A_950 = arith.constant 800 : i32
      %add3A_951 = arith.addi %mul3A_29, %add3A_950 : i32
      %swap3A_952 = arith.index_cast %add3A_951 : i32 to index
      %swap3A_953 = tpu.vector_load %arg11[%swap3A_952] {strides = array<i32>} : memref<4096xi32, #tpu.memory_space<vmem>>, vector<16xi32>,
      %swap3A_954 = vector.shape_cast %swap3A_953 : vector<16xi32> to vector<16xi32>
      %swap3A_955 = vector.shape_cast %add3A_949 : vector<16xi32> to vector<16xi32>
      tpu.vector_store %arg11[%swap3A_952], %swap3A_955 {strides = array<i32>} : memref<4096xi32, #tpu.memory_space<vmem>>, vector<16xi32>,
      %add3A_956 = arith.constant 0 : i32
      %add3A_957 = vector.broadcast %add3A_956 : i32 to vector<16xi32>
      %add3A_958 = arith.addi %convert_element_type3A, %add3A_957 : vector<16xi32>
      %max3A_959 = arith.constant 0 : i32
      %max3A_960 = vector.broadcast %max3A_959 : i32 to vector<16xi32>
      %max3A_961 = arith.maxsi %add3A_958, %max3A_960 : vector<16xi32>
      %min3A_962 = arith.constant 511 : i32
      %min3A_963 = vector.broadcast %min3A_962 : i32 to vector<16xi32>
      %min3A_964 = arith.minsi %max3A_961, %min3A_963 : vector<16xi32>
      %add3A_965 = arith.addi %add3A_907, %min3A_964 : vector<16xi32>
      %add3A_966 = arith.constant 816 : i32
      %add3A_967 = arith.addi %mul3A_29, %add3A_966 : i32
      %swap3A_968 = arith.index_cast %add3A_967 : i32 to index
      %swap3A_969 = tpu.vector_load %arg11[%swap3A_968] {strides = array<i32>} : memref<4096xi32, #tpu.memory_space<vmem>>, vector<16xi32>,
      %swap3A_970 = vector.shape_cast %swap3A_969 : vector<16xi32> to vector<16xi32>
      %swap3A_971 = vector.shape_cast %add3A_965 : vector<16xi32> to vector<16xi32>
      tpu.vector_store %arg11[%swap3A_968], %swap3A_971 {strides = array<i32>} : memref<4096xi32, #tpu.memory_space<vmem>>, vector<16xi32>,
      %add3A_972 = arith.constant 1 : i32
      %add3A_973 = vector.broadcast %add3A_972 : i32 to vector<16xi32>
      %add3A_974 = arith.addi %convert_element_type3A, %add3A_973 : vector<16xi32>
      %max3A_975 = arith.constant 0 : i32
      %max3A_976 = vector.broadcast %max3A_975 : i32 to vector<16xi32>
      %max3A_977 = arith.maxsi %add3A_974, %max3A_976 : vector<16xi32>
      %min3A_978 = arith.constant 511 : i32
      %min3A_979 = vector.broadcast %min3A_978 : i32 to vector<16xi32>
      %min3A_980 = arith.minsi %max3A_977, %min3A_979 : vector<16xi32>
      %add3A_981 = arith.addi %add3A_907, %min3A_980 : vector<16xi32>
      %add3A_982 = arith.constant 832 : i32
      %add3A_983 = arith.addi %mul3A_29, %add3A_982 : i32
      %swap3A_984 = arith.index_cast %add3A_983 : i32 to index
      %swap3A_985 = tpu.vector_load %arg11[%swap3A_984] {strides = array<i32>} : memref<4096xi32, #tpu.memory_space<vmem>>, vector<16xi32>,
      %swap3A_986 = vector.shape_cast %swap3A_985 : vector<16xi32> to vector<16xi32>
      %swap3A_987 = vector.shape_cast %add3A_981 : vector<16xi32> to vector<16xi32>
      tpu.vector_store %arg11[%swap3A_984], %swap3A_987 {strides = array<i32>} : memref<4096xi32, #tpu.memory_space<vmem>>, vector<16xi32>,
      %add3A_988 = arith.constant 2 : i32
      %add3A_989 = vector.broadcast %add3A_988 : i32 to vector<16xi32>
      %add3A_990 = arith.addi %convert_element_type3A, %add3A_989 : vector<16xi32>
      %max3A_991 = arith.constant 0 : i32
      %max3A_992 = vector.broadcast %max3A_991 : i32 to vector<16xi32>
      %max3A_993 = arith.maxsi %add3A_990, %max3A_992 : vector<16xi32>
      %min3A_994 = arith.constant 511 : i32
      %min3A_995 = vector.broadcast %min3A_994 : i32 to vector<16xi32>
      %min3A_996 = arith.minsi %max3A_993, %min3A_995 : vector<16xi32>
      %add3A_997 = arith.addi %add3A_907, %min3A_996 : vector<16xi32>
      %add3A_998 = arith.constant 848 : i32
      %add3A_999 = arith.addi %mul3A_29, %add3A_998 : i32
      %swap3A_1000 = arith.index_cast %add3A_999 : i32 to index
      %swap3A_1001 = tpu.vector_load %arg11[%swap3A_1000] {strides = array<i32>} : memref<4096xi32, #tpu.memory_space<vmem>>, vector<16xi32>,
      %swap3A_1002 = vector.shape_cast %swap3A_1001 : vector<16xi32> to vector<16xi32>
      %swap3A_1003 = vector.shape_cast %add3A_997 : vector<16xi32> to vector<16xi32>
      tpu.vector_store %arg11[%swap3A_1000], %swap3A_1003 {strides = array<i32>} : memref<4096xi32, #tpu.memory_space<vmem>>, vector<16xi32>,
      %add3A_1004 = arith.constant 3 : i32
      %add3A_1005 = vector.broadcast %add3A_1004 : i32 to vector<16xi32>
      %add3A_1006 = arith.addi %convert_element_type3A, %add3A_1005 : vector<16xi32>
      %max3A_1007 = arith.constant 0 : i32
      %max3A_1008 = vector.broadcast %max3A_1007 : i32 to vector<16xi32>
      %max3A_1009 = arith.maxsi %add3A_1006, %max3A_1008 : vector<16xi32>
      %min3A_1010 = arith.constant 511 : i32
      %min3A_1011 = vector.broadcast %min3A_1010 : i32 to vector<16xi32>
      %min3A_1012 = arith.minsi %max3A_1009, %min3A_1011 : vector<16xi32>
      %add3A_1013 = arith.addi %add3A_907, %min3A_1012 : vector<16xi32>
      %add3A_1014 = arith.constant 864 : i32
      %add3A_1015 = arith.addi %mul3A_29, %add3A_1014 : i32
      %swap3A_1016 = arith.index_cast %add3A_1015 : i32 to index
      %swap3A_1017 = tpu.vector_load %arg11[%swap3A_1016] {strides = array<i32>} : memref<4096xi32, #tpu.memory_space<vmem>>, vector<16xi32>,
      %swap3A_1018 = vector.shape_cast %swap3A_1017 : vector<16xi32> to vector<16xi32>
      %swap3A_1019 = vector.shape_cast %add3A_1013 : vector<16xi32> to vector<16xi32>
      tpu.vector_store %arg11[%swap3A_1016], %swap3A_1019 {strides = array<i32>} : memref<4096xi32, #tpu.memory_space<vmem>>, vector<16xi32>,
      %add3A_1020 = arith.constant 4 : i32
      %add3A_1021 = vector.broadcast %add3A_1020 : i32 to vector<16xi32>
      %add3A_1022 = arith.addi %convert_element_type3A, %add3A_1021 : vector<16xi32>
      %max3A_1023 = arith.constant 0 : i32
      %max3A_1024 = vector.broadcast %max3A_1023 : i32 to vector<16xi32>
      %max3A_1025 = arith.maxsi %add3A_1022, %max3A_1024 : vector<16xi32>
      %min3A_1026 = arith.constant 511 : i32
      %min3A_1027 = vector.broadcast %min3A_1026 : i32 to vector<16xi32>
      %min3A_1028 = arith.minsi %max3A_1025, %min3A_1027 : vector<16xi32>
      %add3A_1029 = arith.addi %add3A_907, %min3A_1028 : vector<16xi32>
      %add3A_1030 = arith.constant 880 : i32
      %add3A_1031 = arith.addi %mul3A_29, %add3A_1030 : i32
      %swap3A_1032 = arith.index_cast %add3A_1031 : i32 to index
      %swap3A_1033 = tpu.vector_load %arg11[%swap3A_1032] {strides = array<i32>} : memref<4096xi32, #tpu.memory_space<vmem>>, vector<16xi32>,
      %swap3A_1034 = vector.shape_cast %swap3A_1033 : vector<16xi32> to vector<16xi32>
      %swap3A_1035 = vector.shape_cast %add3A_1029 : vector<16xi32> to vector<16xi32>
      tpu.vector_store %arg11[%swap3A_1032], %swap3A_1035 {strides = array<i32>} : memref<4096xi32, #tpu.memory_space<vmem>>, vector<16xi32>,
      %add3A_1036 = arith.constant 4 : i32
      %add3A_1037 = vector.broadcast %add3A_1036 : i32 to vector<16xi32>
      %add3A_1038 = arith.addi %sub3A, %add3A_1037 : vector<16xi32>
      %max3A_1039 = arith.constant 0 : i32
      %max3A_1040 = vector.broadcast %max3A_1039 : i32 to vector<16xi32>
      %max3A_1041 = arith.maxsi %add3A_1038, %max3A_1040 : vector<16xi32>
      %min3A_1042 = arith.constant 511 : i32
      %min3A_1043 = vector.broadcast %min3A_1042 : i32 to vector<16xi32>
      %min3A_1044 = arith.minsi %max3A_1041, %min3A_1043 : vector<16xi32>
      %shift_left3A_1045 = arith.constant 9 : i32
      %shift_left3A_1046 = vector.broadcast %shift_left3A_1045 : i32 to vector<16xi32>
      %shift_left3A_1047 = arith.shli %min3A_1044, %shift_left3A_1046 : vector<16xi32>
      %add3A_1048 = arith.addi %shift_left3A_44, %shift_left3A_1047 : vector<16xi32>
      %add3A_1049 = arith.constant -3 : i32
      %add3A_1050 = vector.broadcast %add3A_1049 : i32 to vector<16xi32>
      %add3A_1051 = arith.addi %convert_element_type3A, %add3A_1050 : vector<16xi32>
      %max3A_1052 = arith.constant 0 : i32
      %max3A_1053 = vector.broadcast %max3A_1052 : i32 to vector<16xi32>
      %max3A_1054 = arith.maxsi %add3A_1051, %max3A_1053 : vector<16xi32>
      %min3A_1055 = arith.constant 511 : i32
      %min3A_1056 = vector.broadcast %min3A_1055 : i32 to vector<16xi32>
      %min3A_1057 = arith.minsi %max3A_1054, %min3A_1056 : vector<16xi32>
      %add3A_1058 = arith.addi %add3A_1048, %min3A_1057 : vector<16xi32>
      %add3A_1059 = arith.constant 896 : i32
      %add3A_1060 = arith.addi %mul3A_29, %add3A_1059 : i32
      %swap3A_1061 = arith.index_cast %add3A_1060 : i32 to index
      %swap3A_1062 = tpu.vector_load %arg11[%swap3A_1061] {strides = array<i32>} : memref<4096xi32, #tpu.memory_space<vmem>>, vector<16xi32>,
      %swap3A_1063 = vector.shape_cast %swap3A_1062 : vector<16xi32> to vector<16xi32>
      %swap3A_1064 = vector.shape_cast %add3A_1058 : vector<16xi32> to vector<16xi32>
      tpu.vector_store %arg11[%swap3A_1061], %swap3A_1064 {strides = array<i32>} : memref<4096xi32, #tpu.memory_space<vmem>>, vector<16xi32>,
      %add3A_1065 = arith.constant -2 : i32
      %add3A_1066 = vector.broadcast %add3A_1065 : i32 to vector<16xi32>
      %add3A_1067 = arith.addi %convert_element_type3A, %add3A_1066 : vector<16xi32>
      %max3A_1068 = arith.constant 0 : i32
      %max3A_1069 = vector.broadcast %max3A_1068 : i32 to vector<16xi32>
      %max3A_1070 = arith.maxsi %add3A_1067, %max3A_1069 : vector<16xi32>
      %min3A_1071 = arith.constant 511 : i32
      %min3A_1072 = vector.broadcast %min3A_1071 : i32 to vector<16xi32>
      %min3A_1073 = arith.minsi %max3A_1070, %min3A_1072 : vector<16xi32>
      %add3A_1074 = arith.addi %add3A_1048, %min3A_1073 : vector<16xi32>
      %add3A_1075 = arith.constant 912 : i32
      %add3A_1076 = arith.addi %mul3A_29, %add3A_1075 : i32
      %swap3A_1077 = arith.index_cast %add3A_1076 : i32 to index
      %swap3A_1078 = tpu.vector_load %arg11[%swap3A_1077] {strides = array<i32>} : memref<4096xi32, #tpu.memory_space<vmem>>, vector<16xi32>,
      %swap3A_1079 = vector.shape_cast %swap3A_1078 : vector<16xi32> to vector<16xi32>
      %swap3A_1080 = vector.shape_cast %add3A_1074 : vector<16xi32> to vector<16xi32>
      tpu.vector_store %arg11[%swap3A_1077], %swap3A_1080 {strides = array<i32>} : memref<4096xi32, #tpu.memory_space<vmem>>, vector<16xi32>,
      %add3A_1081 = arith.constant -1 : i32
      %add3A_1082 = vector.broadcast %add3A_1081 : i32 to vector<16xi32>
      %add3A_1083 = arith.addi %convert_element_type3A, %add3A_1082 : vector<16xi32>
      %max3A_1084 = arith.constant 0 : i32
      %max3A_1085 = vector.broadcast %max3A_1084 : i32 to vector<16xi32>
      %max3A_1086 = arith.maxsi %add3A_1083, %max3A_1085 : vector<16xi32>
      %min3A_1087 = arith.constant 511 : i32
      %min3A_1088 = vector.broadcast %min3A_1087 : i32 to vector<16xi32>
      %min3A_1089 = arith.minsi %max3A_1086, %min3A_1088 : vector<16xi32>
      %add3A_1090 = arith.addi %add3A_1048, %min3A_1089 : vector<16xi32>
      %add3A_1091 = arith.constant 928 : i32
      %add3A_1092 = arith.addi %mul3A_29, %add3A_1091 : i32
      %swap3A_1093 = arith.index_cast %add3A_1092 : i32 to index
      %swap3A_1094 = tpu.vector_load %arg11[%swap3A_1093] {strides = array<i32>} : memref<4096xi32, #tpu.memory_space<vmem>>, vector<16xi32>,
      %swap3A_1095 = vector.shape_cast %swap3A_1094 : vector<16xi32> to vector<16xi32>
      %swap3A_1096 = vector.shape_cast %add3A_1090 : vector<16xi32> to vector<16xi32>
      tpu.vector_store %arg11[%swap3A_1093], %swap3A_1096 {strides = array<i32>} : memref<4096xi32, #tpu.memory_space<vmem>>, vector<16xi32>,
      %add3A_1097 = arith.constant 0 : i32
      %add3A_1098 = vector.broadcast %add3A_1097 : i32 to vector<16xi32>
      %add3A_1099 = arith.addi %convert_element_type3A, %add3A_1098 : vector<16xi32>
      %max3A_1100 = arith.constant 0 : i32
      %max3A_1101 = vector.broadcast %max3A_1100 : i32 to vector<16xi32>
      %max3A_1102 = arith.maxsi %add3A_1099, %max3A_1101 : vector<16xi32>
      %min3A_1103 = arith.constant 511 : i32
      %min3A_1104 = vector.broadcast %min3A_1103 : i32 to vector<16xi32>
      %min3A_1105 = arith.minsi %max3A_1102, %min3A_1104 : vector<16xi32>
      %add3A_1106 = arith.addi %add3A_1048, %min3A_1105 : vector<16xi32>
      %add3A_1107 = arith.constant 944 : i32
      %add3A_1108 = arith.addi %mul3A_29, %add3A_1107 : i32
      %swap3A_1109 = arith.index_cast %add3A_1108 : i32 to index
      %swap3A_1110 = tpu.vector_load %arg11[%swap3A_1109] {strides = array<i32>} : memref<4096xi32, #tpu.memory_space<vmem>>, vector<16xi32>,
      %swap3A_1111 = vector.shape_cast %swap3A_1110 : vector<16xi32> to vector<16xi32>
      %swap3A_1112 = vector.shape_cast %add3A_1106 : vector<16xi32> to vector<16xi32>
      tpu.vector_store %arg11[%swap3A_1109], %swap3A_1112 {strides = array<i32>} : memref<4096xi32, #tpu.memory_space<vmem>>, vector<16xi32>,
      %add3A_1113 = arith.constant 1 : i32
      %add3A_1114 = vector.broadcast %add3A_1113 : i32 to vector<16xi32>
      %add3A_1115 = arith.addi %convert_element_type3A, %add3A_1114 : vector<16xi32>
      %max3A_1116 = arith.constant 0 : i32
      %max3A_1117 = vector.broadcast %max3A_1116 : i32 to vector<16xi32>
      %max3A_1118 = arith.maxsi %add3A_1115, %max3A_1117 : vector<16xi32>
      %min3A_1119 = arith.constant 511 : i32
      %min3A_1120 = vector.broadcast %min3A_1119 : i32 to vector<16xi32>
      %min3A_1121 = arith.minsi %max3A_1118, %min3A_1120 : vector<16xi32>
      %add3A_1122 = arith.addi %add3A_1048, %min3A_1121 : vector<16xi32>
      %add3A_1123 = arith.constant 960 : i32
      %add3A_1124 = arith.addi %mul3A_29, %add3A_1123 : i32
      %swap3A_1125 = arith.index_cast %add3A_1124 : i32 to index
      %swap3A_1126 = tpu.vector_load %arg11[%swap3A_1125] {strides = array<i32>} : memref<4096xi32, #tpu.memory_space<vmem>>, vector<16xi32>,
      %swap3A_1127 = vector.shape_cast %swap3A_1126 : vector<16xi32> to vector<16xi32>
      %swap3A_1128 = vector.shape_cast %add3A_1122 : vector<16xi32> to vector<16xi32>
      tpu.vector_store %arg11[%swap3A_1125], %swap3A_1128 {strides = array<i32>} : memref<4096xi32, #tpu.memory_space<vmem>>, vector<16xi32>,
      %add3A_1129 = arith.constant 2 : i32
      %add3A_1130 = vector.broadcast %add3A_1129 : i32 to vector<16xi32>
      %add3A_1131 = arith.addi %convert_element_type3A, %add3A_1130 : vector<16xi32>
      %max3A_1132 = arith.constant 0 : i32
      %max3A_1133 = vector.broadcast %max3A_1132 : i32 to vector<16xi32>
      %max3A_1134 = arith.maxsi %add3A_1131, %max3A_1133 : vector<16xi32>
      %min3A_1135 = arith.constant 511 : i32
      %min3A_1136 = vector.broadcast %min3A_1135 : i32 to vector<16xi32>
      %min3A_1137 = arith.minsi %max3A_1134, %min3A_1136 : vector<16xi32>
      %add3A_1138 = arith.addi %add3A_1048, %min3A_1137 : vector<16xi32>
      %add3A_1139 = arith.constant 976 : i32
      %add3A_1140 = arith.addi %mul3A_29, %add3A_1139 : i32
      %swap3A_1141 = arith.index_cast %add3A_1140 : i32 to index
      %swap3A_1142 = tpu.vector_load %arg11[%swap3A_1141] {strides = array<i32>} : memref<4096xi32, #tpu.memory_space<vmem>>, vector<16xi32>,
      %swap3A_1143 = vector.shape_cast %swap3A_1142 : vector<16xi32> to vector<16xi32>
      %swap3A_1144 = vector.shape_cast %add3A_1138 : vector<16xi32> to vector<16xi32>
      tpu.vector_store %arg11[%swap3A_1141], %swap3A_1144 {strides = array<i32>} : memref<4096xi32, #tpu.memory_space<vmem>>, vector<16xi32>,
      %add3A_1145 = arith.constant 3 : i32
      %add3A_1146 = vector.broadcast %add3A_1145 : i32 to vector<16xi32>
      %add3A_1147 = arith.addi %convert_element_type3A, %add3A_1146 : vector<16xi32>
      %max3A_1148 = arith.constant 0 : i32
      %max3A_1149 = vector.broadcast %max3A_1148 : i32 to vector<16xi32>
      %max3A_1150 = arith.maxsi %add3A_1147, %max3A_1149 : vector<16xi32>
      %min3A_1151 = arith.constant 511 : i32
      %min3A_1152 = vector.broadcast %min3A_1151 : i32 to vector<16xi32>
      %min3A_1153 = arith.minsi %max3A_1150, %min3A_1152 : vector<16xi32>
      %add3A_1154 = arith.addi %add3A_1048, %min3A_1153 : vector<16xi32>
      %add3A_1155 = arith.constant 992 : i32
      %add3A_1156 = arith.addi %mul3A_29, %add3A_1155 : i32
      %swap3A_1157 = arith.index_cast %add3A_1156 : i32 to index
      %swap3A_1158 = tpu.vector_load %arg11[%swap3A_1157] {strides = array<i32>} : memref<4096xi32, #tpu.memory_space<vmem>>, vector<16xi32>,
      %swap3A_1159 = vector.shape_cast %swap3A_1158 : vector<16xi32> to vector<16xi32>
      %swap3A_1160 = vector.shape_cast %add3A_1154 : vector<16xi32> to vector<16xi32>
      tpu.vector_store %arg11[%swap3A_1157], %swap3A_1160 {strides = array<i32>} : memref<4096xi32, #tpu.memory_space<vmem>>, vector<16xi32>,
      %add3A_1161 = arith.constant 4 : i32
      %add3A_1162 = vector.broadcast %add3A_1161 : i32 to vector<16xi32>
      %add3A_1163 = arith.addi %convert_element_type3A, %add3A_1162 : vector<16xi32>
      %max3A_1164 = arith.constant 0 : i32
      %max3A_1165 = vector.broadcast %max3A_1164 : i32 to vector<16xi32>
      %max3A_1166 = arith.maxsi %add3A_1163, %max3A_1165 : vector<16xi32>
      %min3A_1167 = arith.constant 511 : i32
      %min3A_1168 = vector.broadcast %min3A_1167 : i32 to vector<16xi32>
      %min3A_1169 = arith.minsi %max3A_1166, %min3A_1168 : vector<16xi32>
      %add3A_1170 = arith.addi %add3A_1048, %min3A_1169 : vector<16xi32>
      %add3A_1171 = arith.constant 1008 : i32
      %add3A_1172 = arith.addi %mul3A_29, %add3A_1171 : i32
      %swap3A_1173 = arith.index_cast %add3A_1172 : i32 to index
      %swap3A_1174 = tpu.vector_load %arg11[%swap3A_1173] {strides = array<i32>} : memref<4096xi32, #tpu.memory_space<vmem>>, vector<16xi32>,
      %swap3A_1175 = vector.shape_cast %swap3A_1174 : vector<16xi32> to vector<16xi32>
      %swap3A_1176 = vector.shape_cast %add3A_1170 : vector<16xi32> to vector<16xi32>
      tpu.vector_store %arg11[%swap3A_1173], %swap3A_1176 {strides = array<i32>} : memref<4096xi32, #tpu.memory_space<vmem>>, vector<16xi32>,
      %jit3A_1177 = arith.constant 4 : i32
      %eq3A_1178 = arith.constant 0 : i32
      %eq3A_1179 = arith.cmpi eq, %jit3A_1177, %eq3A_1178 : i32
      %jit3A_1180 = arith.constant 1 : i32
      %select_n3A_1181 = arith.select %eq3A_1179, %jit3A_1180, %jit3A_1177 : i32
      %rem3A_1182 = arith.remsi %scan3A_16, %select_n3A_1181 : i32
      %ne3A_1183 = arith.constant 0 : i32
      %ne3A_1184 = arith.cmpi ne, %rem3A_1182, %ne3A_1183 : i32
      %lt3A_1185 = arith.constant 0 : i32
      %lt3A_1186 = arith.cmpi slt, %rem3A_1182, %lt3A_1185 : i32
      %lt3A_1187 = arith.constant 0 : i32
      %lt3A_1188 = arith.cmpi slt, %select_n3A_1181, %lt3A_1187 : i32
      %ne3A_1189 = arith.xori %lt3A_1186, %lt3A_1188 : i1
      %and3A_1190 = arith.andi %ne3A_1189, %ne3A_1184 : i1
      %add3A_1191 = arith.addi %rem3A_1182, %select_n3A_1181 : i32
      %select_n3A_1192 = arith.select %and3A_1190, %add3A_1191, %rem3A_1182 : i32
      %eq3A_1193 = arith.constant 3 : i32
      %eq3A_1194 = arith.cmpi eq, %select_n3A_1192, %eq3A_1193 : i32
      %convert_element_type3A_1195 = arith.extui %eq3A_1194 : i1 to i32
      %cond3A = arith.constant 0 : i32
      %cond3A_1196 = arith.cmpi ne, %convert_element_type3A_1195, %cond3A : i32
      scf.if %cond3A_1196 {
        %dma_start3A = arith.constant 0 : i32
        %dma_start3A_1197 = tpu.memref_slice %arg2[%dma_start3A] : memref<4194304xf32, #tpu.memory_space<hbm>> -> memref<4194304xf32, #tpu.memory_space<hbm>>
        tpu.enqueue_indirect_dma source(%dma_start3A_1197 : memref<4194304xf32, #tpu.memory_space<hbm>>) target(%arg12 : memref<4096xf32, #tpu.memory_space<vmem>>) offsets(%arg11 : memref<4096xi32, #tpu.memory_space<vmem>>) semaphore(%arg13 : memref<!tpu.dma_semaphore, #tpu.memory_space<semaphore_mem>>)
        %dma_wait3A = arith.constant 0 : i32
        %dma_wait3A_1198 = tpu.memref_slice %arg2[%dma_wait3A] : memref<4194304xf32, #tpu.memory_space<hbm>> -> memref<4194304xf32, #tpu.memory_space<hbm>>
        tpu.wait_indirect_dma semaphore(%arg13 : memref<!tpu.dma_semaphore, #tpu.memory_space<semaphore_mem>>) src(%dma_wait3A_1198 : memref<4194304xf32, #tpu.memory_space<hbm>>) dst(%arg12 : memref<4096xf32, #tpu.memory_space<vmem>>)
        %add3A_1199 = arith.addi %mul3A_2, %mul3A_18 : i32
        %mul3A_1200 = arith.constant 64 : i32
        %mul3A_1201 = arith.muli %add3A_1199, %mul3A_1200 : i32
        %sub3A_1202 = arith.constant 3072 : i32
        %sub3A_1203 = arith.subi %mul3A_1201, %sub3A_1202 : i32
        "tpu.region"() ({
          %run_scoped3A = tpu.sem_alloc : memref<!tpu.dma_semaphore, #tpu.memory_space<semaphore_mem>>
          %dma_start3A_1204 = tpu.memref_slice %arg7[%sub3A_1203] : memref<1048576xf32, #tpu.memory_space<hbm>> -> memref<4096xf32, #tpu.memory_space<hbm>>
          %dma_start3A_1205 = tpu.memref_slice %arg7[%sub3A_1203] : memref<1048576xf32, #tpu.memory_space<hbm>> -> memref<4096xf32, #tpu.memory_space<hbm>>
          tpu.enqueue_dma source(%arg12 : memref<4096xf32, #tpu.memory_space<vmem>>) target(%dma_start3A_1205 : memref<4096xf32, #tpu.memory_space<hbm>>) target_semaphore(%run_scoped3A : memref<!tpu.dma_semaphore, #tpu.memory_space<semaphore_mem>>)
          %dma_wait3A_1206 = tpu.memref_slice %arg7[%sub3A_1203] : memref<1048576xf32, #tpu.memory_space<hbm>> -> memref<4096xf32, #tpu.memory_space<hbm>>
          %dma_wait3A_1207 = tpu.memref_slice %arg7[%sub3A_1203] : memref<1048576xf32, #tpu.memory_space<hbm>> -> memref<4096xf32, #tpu.memory_space<hbm>>
          tpu.wait_dma2 semaphore(%run_scoped3A : memref<!tpu.dma_semaphore, #tpu.memory_space<semaphore_mem>>) src(%arg12 : memref<4096xf32, #tpu.memory_space<vmem>>) dst(%dma_wait3A_1207 : memref<4096xf32, #tpu.memory_space<hbm>>)
          tpu.yield
        }) : () -> ()
      } else {
      }
    }
    %scan3A_7 = arith.constant 32 : i32
    %mul3A_8 = arith.constant 512 : i32
    %mul3A_9 = arith.muli %add3A, %mul3A_8 : i32
    "tpu.region"() ({
      %run_scoped3A = tpu.sem_alloc : memref<!tpu.dma_semaphore, #tpu.memory_space<semaphore_mem>>
      %dma_start3A = tpu.memref_slice %arg5[%mul3A_9] : memref<16384xf32, #tpu.memory_space<hbm>> -> memref<512xf32, #tpu.memory_space<hbm>>
      %dma_start3A_16 = tpu.memref_slice %arg5[%mul3A_9] : memref<16384xf32, #tpu.memory_space<hbm>> -> memref<512xf32, #tpu.memory_space<hbm>>
      tpu.enqueue_dma source(%dma_start3A_16 : memref<512xf32, #tpu.memory_space<hbm>>) target(%arg9 : memref<512xf32, #tpu.memory_space<vmem>>) target_semaphore(%run_scoped3A : memref<!tpu.dma_semaphore, #tpu.memory_space<semaphore_mem>>)
      %dma_wait3A = tpu.memref_slice %arg5[%mul3A_9] : memref<16384xf32, #tpu.memory_space<hbm>> -> memref<512xf32, #tpu.memory_space<hbm>>
      %dma_wait3A_17 = tpu.memref_slice %arg5[%mul3A_9] : memref<16384xf32, #tpu.memory_space<hbm>> -> memref<512xf32, #tpu.memory_space<hbm>>
      tpu.wait_dma2 semaphore(%run_scoped3A : memref<!tpu.dma_semaphore, #tpu.memory_space<semaphore_mem>>) src(%dma_wait3A_17 : memref<512xf32, #tpu.memory_space<hbm>>) dst(%arg9 : memref<512xf32, #tpu.memory_space<vmem>>)
      tpu.yield
    }) : () -> ()
    "tpu.region"() ({
      %run_scoped3A = tpu.sem_alloc : memref<!tpu.dma_semaphore, #tpu.memory_space<semaphore_mem>>
      %dma_start3A = tpu.memref_slice %arg6[%mul3A_9] : memref<16384xf32, #tpu.memory_space<hbm>> -> memref<512xf32, #tpu.memory_space<hbm>>
      %dma_start3A_16 = tpu.memref_slice %arg6[%mul3A_9] : memref<16384xf32, #tpu.memory_space<hbm>> -> memref<512xf32, #tpu.memory_space<hbm>>
      tpu.enqueue_dma source(%dma_start3A_16 : memref<512xf32, #tpu.memory_space<hbm>>) target(%arg10 : memref<512xf32, #tpu.memory_space<vmem>>) target_semaphore(%run_scoped3A : memref<!tpu.dma_semaphore, #tpu.memory_space<semaphore_mem>>)
      %dma_wait3A = tpu.memref_slice %arg6[%mul3A_9] : memref<16384xf32, #tpu.memory_space<hbm>> -> memref<512xf32, #tpu.memory_space<hbm>>
      %dma_wait3A_17 = tpu.memref_slice %arg6[%mul3A_9] : memref<16384xf32, #tpu.memory_space<hbm>> -> memref<512xf32, #tpu.memory_space<hbm>>
      tpu.wait_dma2 semaphore(%run_scoped3A : memref<!tpu.dma_semaphore, #tpu.memory_space<semaphore_mem>>) src(%dma_wait3A_17 : memref<512xf32, #tpu.memory_space<hbm>>) dst(%arg10 : memref<512xf32, #tpu.memory_space<vmem>>)
      tpu.yield
    }) : () -> ()
    %scan3A_10 = arith.constant 0 : i32
    %scan3A_11 = arith.constant 0 : i32
    %scan3A_12 = arith.constant 32 : i32
    %scan3A_13 = arith.addi %scan3A_11, %scan3A_12 : i32
    %scan3A_14 = arith.constant 1 : i32
    scf.for %scan3A_16 = %scan3A_11 to %scan3A_13 step %scan3A_14  : i32 {
      %mul3A_17 = arith.constant 16 : i32
      %mul3A_18 = arith.muli %scan3A_16, %mul3A_17 : i32
      %jit3A = arith.constant 4 : i32
      %eq3A = arith.constant 0 : i32
      %eq3A_19 = arith.cmpi eq, %jit3A, %eq3A : i32
      %jit3A_20 = arith.constant 1 : i32
      %select_n3A = arith.select %eq3A_19, %jit3A_20, %jit3A : i32
      %rem3A = arith.remsi %scan3A_16, %select_n3A : i32
      %ne3A = arith.constant 0 : i32
      %ne3A_21 = arith.cmpi ne, %rem3A, %ne3A : i32
      %lt3A = arith.constant 0 : i32
      %lt3A_22 = arith.cmpi slt, %rem3A, %lt3A : i32
      %lt3A_23 = arith.constant 0 : i32
      %lt3A_24 = arith.cmpi slt, %select_n3A, %lt3A_23 : i32
      %ne3A_25 = arith.xori %lt3A_22, %lt3A_24 : i1
      %and3A = arith.andi %ne3A_25, %ne3A_21 : i1
      %add3A_26 = arith.addi %rem3A, %select_n3A : i32
      %select_n3A_27 = arith.select %and3A, %add3A_26, %rem3A : i32
      %mul3A_28 = arith.constant 1024 : i32
      %mul3A_29 = arith.muli %select_n3A_27, %mul3A_28 : i32
      %get3A = arith.index_cast %mul3A_18 : i32 to index
      %get3A_30 = tpu.vector_load %arg9[%get3A] {strides = array<i32>} : memref<512xf32, #tpu.memory_space<vmem>>, vector<16xf32>,
      %get3A_31 = vector.shape_cast %get3A_30 : vector<16xf32> to vector<16xf32>
      %get3A_32 = arith.index_cast %mul3A_18 : i32 to index
      %get3A_33 = tpu.vector_load %arg10[%get3A_32] {strides = array<i32>} : memref<512xf32, #tpu.memory_space<vmem>>, vector<16xf32>,
      %get3A_34 = vector.shape_cast %get3A_33 : vector<16xf32> to vector<16xf32>
      %add3A_35 = arith.addi %mul3A_9, %mul3A_18 : i32
      %add3A_36 = vector.broadcast %add3A_35 : i32 to vector<16xi32>
      %add3A_37 = arith.addi %add3A_36, %iota3A : vector<16xi32>
      %shift_right_arithmetic3A = arith.constant 11 : i32
      %shift_right_arithmetic3A_38 = vector.broadcast %shift_right_arithmetic3A : i32 to vector<16xi32>
      %shift_right_arithmetic3A_39 = arith.shrsi %add3A_37, %shift_right_arithmetic3A_38 : vector<16xi32>
      %add3A_40 = arith.constant 8 : i32
      %add3A_41 = vector.broadcast %add3A_40 : i32 to vector<16xi32>
      %add3A_42 = arith.addi %shift_right_arithmetic3A_39, %add3A_41 : vector<16xi32>
      %shift_left3A = arith.constant 18 : i32
      %shift_left3A_43 = vector.broadcast %shift_left3A : i32 to vector<16xi32>
      %shift_left3A_44 = arith.shli %add3A_42, %shift_left3A_43 : vector<16xi32>
      %convert_element_type3A = arith.fptosi %get3A_31 : vector<16xf32> to vector<16xi32>
      %convert_element_type3A_45 = arith.fptosi %get3A_34 : vector<16xf32> to vector<16xi32>
      %convert_element_type3A_46 = arith.sitofp %convert_element_type3A_45 : vector<16xi32> to vector<16xf32>
      %lt3A_47 = arith.cmpf olt, %get3A_34, %convert_element_type3A_46 : vector<16xf32>
      %jit3A_48 = arith.constant 1 : i32
      %jit3A_49 = arith.constant 0 : i32
      %broadcast_in_dim3A = vector.broadcast %jit3A_48 : i32 to vector<16xi32>
      %broadcast_in_dim3A_50 = vector.broadcast %jit3A_49 : i32 to vector<16xi32>
      %select_n3A_51 = arith.select %lt3A_47, %broadcast_in_dim3A, %broadcast_in_dim3A_50 : vector<16xi1>, vector<16xi32>
      %sub3A = arith.subi %convert_element_type3A_45, %select_n3A_51 : vector<16xi32>
      %add3A_52 = arith.constant -3 : i32
      %add3A_53 = vector.broadcast %add3A_52 : i32 to vector<16xi32>
      %add3A_54 = arith.addi %sub3A, %add3A_53 : vector<16xi32>
      %max3A = arith.constant 0 : i32
      %max3A_55 = vector.broadcast %max3A : i32 to vector<16xi32>
      %max3A_56 = arith.maxsi %add3A_54, %max3A_55 : vector<16xi32>
      %min3A = arith.constant 511 : i32
      %min3A_57 = vector.broadcast %min3A : i32 to vector<16xi32>
      %min3A_58 = arith.minsi %max3A_56, %min3A_57 : vector<16xi32>
      %shift_left3A_59 = arith.constant 9 : i32
      %shift_left3A_60 = vector.broadcast %shift_left3A_59 : i32 to vector<16xi32>
      %shift_left3A_61 = arith.shli %min3A_58, %shift_left3A_60 : vector<16xi32>
      %add3A_62 = arith.addi %shift_left3A_44, %shift_left3A_61 : vector<16xi32>
      %add3A_63 = arith.constant -3 : i32
      %add3A_64 = vector.broadcast %add3A_63 : i32 to vector<16xi32>
      %add3A_65 = arith.addi %convert_element_type3A, %add3A_64 : vector<16xi32>
      %max3A_66 = arith.constant 0 : i32
      %max3A_67 = vector.broadcast %max3A_66 : i32 to vector<16xi32>
      %max3A_68 = arith.maxsi %add3A_65, %max3A_67 : vector<16xi32>
      %min3A_69 = arith.constant 511 : i32
      %min3A_70 = vector.broadcast %min3A_69 : i32 to vector<16xi32>
      %min3A_71 = arith.minsi %max3A_68, %min3A_70 : vector<16xi32>
      %add3A_72 = arith.addi %add3A_62, %min3A_71 : vector<16xi32>
      %add3A_73 = arith.constant 0 : i32
      %add3A_74 = arith.addi %mul3A_29, %add3A_73 : i32
      %swap3A = arith.index_cast %add3A_74 : i32 to index
      %swap3A_75 = tpu.vector_load %arg11[%swap3A] {strides = array<i32>} : memref<4096xi32, #tpu.memory_space<vmem>>, vector<16xi32>,
      %swap3A_76 = vector.shape_cast %swap3A_75 : vector<16xi32> to vector<16xi32>
      %swap3A_77 = vector.shape_cast %add3A_72 : vector<16xi32> to vector<16xi32>
      tpu.vector_store %arg11[%swap3A], %swap3A_77 {strides = array<i32>} : memref<4096xi32, #tpu.memory_space<vmem>>, vector<16xi32>,
      %add3A_78 = arith.constant -2 : i32
      %add3A_79 = vector.broadcast %add3A_78 : i32 to vector<16xi32>
      %add3A_80 = arith.addi %convert_element_type3A, %add3A_79 : vector<16xi32>
      %max3A_81 = arith.constant 0 : i32
      %max3A_82 = vector.broadcast %max3A_81 : i32 to vector<16xi32>
      %max3A_83 = arith.maxsi %add3A_80, %max3A_82 : vector<16xi32>
      %min3A_84 = arith.constant 511 : i32
      %min3A_85 = vector.broadcast %min3A_84 : i32 to vector<16xi32>
      %min3A_86 = arith.minsi %max3A_83, %min3A_85 : vector<16xi32>
      %add3A_87 = arith.addi %add3A_62, %min3A_86 : vector<16xi32>
      %add3A_88 = arith.constant 16 : i32
      %add3A_89 = arith.addi %mul3A_29, %add3A_88 : i32
      %swap3A_90 = arith.index_cast %add3A_89 : i32 to index
      %swap3A_91 = tpu.vector_load %arg11[%swap3A_90] {strides = array<i32>} : memref<4096xi32, #tpu.memory_space<vmem>>, vector<16xi32>,
      %swap3A_92 = vector.shape_cast %swap3A_91 : vector<16xi32> to vector<16xi32>
      %swap3A_93 = vector.shape_cast %add3A_87 : vector<16xi32> to vector<16xi32>
      tpu.vector_store %arg11[%swap3A_90], %swap3A_93 {strides = array<i32>} : memref<4096xi32, #tpu.memory_space<vmem>>, vector<16xi32>,
      %add3A_94 = arith.constant -1 : i32
      %add3A_95 = vector.broadcast %add3A_94 : i32 to vector<16xi32>
      %add3A_96 = arith.addi %convert_element_type3A, %add3A_95 : vector<16xi32>
      %max3A_97 = arith.constant 0 : i32
      %max3A_98 = vector.broadcast %max3A_97 : i32 to vector<16xi32>
      %max3A_99 = arith.maxsi %add3A_96, %max3A_98 : vector<16xi32>
      %min3A_100 = arith.constant 511 : i32
      %min3A_101 = vector.broadcast %min3A_100 : i32 to vector<16xi32>
      %min3A_102 = arith.minsi %max3A_99, %min3A_101 : vector<16xi32>
      %add3A_103 = arith.addi %add3A_62, %min3A_102 : vector<16xi32>
      %add3A_104 = arith.constant 32 : i32
      %add3A_105 = arith.addi %mul3A_29, %add3A_104 : i32
      %swap3A_106 = arith.index_cast %add3A_105 : i32 to index
      %swap3A_107 = tpu.vector_load %arg11[%swap3A_106] {strides = array<i32>} : memref<4096xi32, #tpu.memory_space<vmem>>, vector<16xi32>,
      %swap3A_108 = vector.shape_cast %swap3A_107 : vector<16xi32> to vector<16xi32>
      %swap3A_109 = vector.shape_cast %add3A_103 : vector<16xi32> to vector<16xi32>
      tpu.vector_store %arg11[%swap3A_106], %swap3A_109 {strides = array<i32>} : memref<4096xi32, #tpu.memory_space<vmem>>, vector<16xi32>,
      %add3A_110 = arith.constant 0 : i32
      %add3A_111 = vector.broadcast %add3A_110 : i32 to vector<16xi32>
      %add3A_112 = arith.addi %convert_element_type3A, %add3A_111 : vector<16xi32>
      %max3A_113 = arith.constant 0 : i32
      %max3A_114 = vector.broadcast %max3A_113 : i32 to vector<16xi32>
      %max3A_115 = arith.maxsi %add3A_112, %max3A_114 : vector<16xi32>
      %min3A_116 = arith.constant 511 : i32
      %min3A_117 = vector.broadcast %min3A_116 : i32 to vector<16xi32>
      %min3A_118 = arith.minsi %max3A_115, %min3A_117 : vector<16xi32>
      %add3A_119 = arith.addi %add3A_62, %min3A_118 : vector<16xi32>
      %add3A_120 = arith.constant 48 : i32
      %add3A_121 = arith.addi %mul3A_29, %add3A_120 : i32
      %swap3A_122 = arith.index_cast %add3A_121 : i32 to index
      %swap3A_123 = tpu.vector_load %arg11[%swap3A_122] {strides = array<i32>} : memref<4096xi32, #tpu.memory_space<vmem>>, vector<16xi32>,
      %swap3A_124 = vector.shape_cast %swap3A_123 : vector<16xi32> to vector<16xi32>
      %swap3A_125 = vector.shape_cast %add3A_119 : vector<16xi32> to vector<16xi32>
      tpu.vector_store %arg11[%swap3A_122], %swap3A_125 {strides = array<i32>} : memref<4096xi32, #tpu.memory_space<vmem>>, vector<16xi32>,
      %add3A_126 = arith.constant 1 : i32
      %add3A_127 = vector.broadcast %add3A_126 : i32 to vector<16xi32>
      %add3A_128 = arith.addi %convert_element_type3A, %add3A_127 : vector<16xi32>
      %max3A_129 = arith.constant 0 : i32
      %max3A_130 = vector.broadcast %max3A_129 : i32 to vector<16xi32>
      %max3A_131 = arith.maxsi %add3A_128, %max3A_130 : vector<16xi32>
      %min3A_132 = arith.constant 511 : i32
      %min3A_133 = vector.broadcast %min3A_132 : i32 to vector<16xi32>
      %min3A_134 = arith.minsi %max3A_131, %min3A_133 : vector<16xi32>
      %add3A_135 = arith.addi %add3A_62, %min3A_134 : vector<16xi32>
      %add3A_136 = arith.constant 64 : i32
      %add3A_137 = arith.addi %mul3A_29, %add3A_136 : i32
      %swap3A_138 = arith.index_cast %add3A_137 : i32 to index
      %swap3A_139 = tpu.vector_load %arg11[%swap3A_138] {strides = array<i32>} : memref<4096xi32, #tpu.memory_space<vmem>>, vector<16xi32>,
      %swap3A_140 = vector.shape_cast %swap3A_139 : vector<16xi32> to vector<16xi32>
      %swap3A_141 = vector.shape_cast %add3A_135 : vector<16xi32> to vector<16xi32>
      tpu.vector_store %arg11[%swap3A_138], %swap3A_141 {strides = array<i32>} : memref<4096xi32, #tpu.memory_space<vmem>>, vector<16xi32>,
      %add3A_142 = arith.constant 2 : i32
      %add3A_143 = vector.broadcast %add3A_142 : i32 to vector<16xi32>
      %add3A_144 = arith.addi %convert_element_type3A, %add3A_143 : vector<16xi32>
      %max3A_145 = arith.constant 0 : i32
      %max3A_146 = vector.broadcast %max3A_145 : i32 to vector<16xi32>
      %max3A_147 = arith.maxsi %add3A_144, %max3A_146 : vector<16xi32>
      %min3A_148 = arith.constant 511 : i32
      %min3A_149 = vector.broadcast %min3A_148 : i32 to vector<16xi32>
      %min3A_150 = arith.minsi %max3A_147, %min3A_149 : vector<16xi32>
      %add3A_151 = arith.addi %add3A_62, %min3A_150 : vector<16xi32>
      %add3A_152 = arith.constant 80 : i32
      %add3A_153 = arith.addi %mul3A_29, %add3A_152 : i32
      %swap3A_154 = arith.index_cast %add3A_153 : i32 to index
      %swap3A_155 = tpu.vector_load %arg11[%swap3A_154] {strides = array<i32>} : memref<4096xi32, #tpu.memory_space<vmem>>, vector<16xi32>,
      %swap3A_156 = vector.shape_cast %swap3A_155 : vector<16xi32> to vector<16xi32>
      %swap3A_157 = vector.shape_cast %add3A_151 : vector<16xi32> to vector<16xi32>
      tpu.vector_store %arg11[%swap3A_154], %swap3A_157 {strides = array<i32>} : memref<4096xi32, #tpu.memory_space<vmem>>, vector<16xi32>,
      %add3A_158 = arith.constant 3 : i32
      %add3A_159 = vector.broadcast %add3A_158 : i32 to vector<16xi32>
      %add3A_160 = arith.addi %convert_element_type3A, %add3A_159 : vector<16xi32>
      %max3A_161 = arith.constant 0 : i32
      %max3A_162 = vector.broadcast %max3A_161 : i32 to vector<16xi32>
      %max3A_163 = arith.maxsi %add3A_160, %max3A_162 : vector<16xi32>
      %min3A_164 = arith.constant 511 : i32
      %min3A_165 = vector.broadcast %min3A_164 : i32 to vector<16xi32>
      %min3A_166 = arith.minsi %max3A_163, %min3A_165 : vector<16xi32>
      %add3A_167 = arith.addi %add3A_62, %min3A_166 : vector<16xi32>
      %add3A_168 = arith.constant 96 : i32
      %add3A_169 = arith.addi %mul3A_29, %add3A_168 : i32
      %swap3A_170 = arith.index_cast %add3A_169 : i32 to index
      %swap3A_171 = tpu.vector_load %arg11[%swap3A_170] {strides = array<i32>} : memref<4096xi32, #tpu.memory_space<vmem>>, vector<16xi32>,
      %swap3A_172 = vector.shape_cast %swap3A_171 : vector<16xi32> to vector<16xi32>
      %swap3A_173 = vector.shape_cast %add3A_167 : vector<16xi32> to vector<16xi32>
      tpu.vector_store %arg11[%swap3A_170], %swap3A_173 {strides = array<i32>} : memref<4096xi32, #tpu.memory_space<vmem>>, vector<16xi32>,
      %add3A_174 = arith.constant 4 : i32
      %add3A_175 = vector.broadcast %add3A_174 : i32 to vector<16xi32>
      %add3A_176 = arith.addi %convert_element_type3A, %add3A_175 : vector<16xi32>
      %max3A_177 = arith.constant 0 : i32
      %max3A_178 = vector.broadcast %max3A_177 : i32 to vector<16xi32>
      %max3A_179 = arith.maxsi %add3A_176, %max3A_178 : vector<16xi32>
      %min3A_180 = arith.constant 511 : i32
      %min3A_181 = vector.broadcast %min3A_180 : i32 to vector<16xi32>
      %min3A_182 = arith.minsi %max3A_179, %min3A_181 : vector<16xi32>
      %add3A_183 = arith.addi %add3A_62, %min3A_182 : vector<16xi32>
      %add3A_184 = arith.constant 112 : i32
      %add3A_185 = arith.addi %mul3A_29, %add3A_184 : i32
      %swap3A_186 = arith.index_cast %add3A_185 : i32 to index
      %swap3A_187 = tpu.vector_load %arg11[%swap3A_186] {strides = array<i32>} : memref<4096xi32, #tpu.memory_space<vmem>>, vector<16xi32>,
      %swap3A_188 = vector.shape_cast %swap3A_187 : vector<16xi32> to vector<16xi32>
      %swap3A_189 = vector.shape_cast %add3A_183 : vector<16xi32> to vector<16xi32>
      tpu.vector_store %arg11[%swap3A_186], %swap3A_189 {strides = array<i32>} : memref<4096xi32, #tpu.memory_space<vmem>>, vector<16xi32>,
      %add3A_190 = arith.constant -2 : i32
      %add3A_191 = vector.broadcast %add3A_190 : i32 to vector<16xi32>
      %add3A_192 = arith.addi %sub3A, %add3A_191 : vector<16xi32>
      %max3A_193 = arith.constant 0 : i32
      %max3A_194 = vector.broadcast %max3A_193 : i32 to vector<16xi32>
      %max3A_195 = arith.maxsi %add3A_192, %max3A_194 : vector<16xi32>
      %min3A_196 = arith.constant 511 : i32
      %min3A_197 = vector.broadcast %min3A_196 : i32 to vector<16xi32>
      %min3A_198 = arith.minsi %max3A_195, %min3A_197 : vector<16xi32>
      %shift_left3A_199 = arith.constant 9 : i32
      %shift_left3A_200 = vector.broadcast %shift_left3A_199 : i32 to vector<16xi32>
      %shift_left3A_201 = arith.shli %min3A_198, %shift_left3A_200 : vector<16xi32>
      %add3A_202 = arith.addi %shift_left3A_44, %shift_left3A_201 : vector<16xi32>
      %add3A_203 = arith.constant -3 : i32
      %add3A_204 = vector.broadcast %add3A_203 : i32 to vector<16xi32>
      %add3A_205 = arith.addi %convert_element_type3A, %add3A_204 : vector<16xi32>
      %max3A_206 = arith.constant 0 : i32
      %max3A_207 = vector.broadcast %max3A_206 : i32 to vector<16xi32>
      %max3A_208 = arith.maxsi %add3A_205, %max3A_207 : vector<16xi32>
      %min3A_209 = arith.constant 511 : i32
      %min3A_210 = vector.broadcast %min3A_209 : i32 to vector<16xi32>
      %min3A_211 = arith.minsi %max3A_208, %min3A_210 : vector<16xi32>
      %add3A_212 = arith.addi %add3A_202, %min3A_211 : vector<16xi32>
      %add3A_213 = arith.constant 128 : i32
      %add3A_214 = arith.addi %mul3A_29, %add3A_213 : i32
      %swap3A_215 = arith.index_cast %add3A_214 : i32 to index
      %swap3A_216 = tpu.vector_load %arg11[%swap3A_215] {strides = array<i32>} : memref<4096xi32, #tpu.memory_space<vmem>>, vector<16xi32>,
      %swap3A_217 = vector.shape_cast %swap3A_216 : vector<16xi32> to vector<16xi32>
      %swap3A_218 = vector.shape_cast %add3A_212 : vector<16xi32> to vector<16xi32>
      tpu.vector_store %arg11[%swap3A_215], %swap3A_218 {strides = array<i32>} : memref<4096xi32, #tpu.memory_space<vmem>>, vector<16xi32>,
      %add3A_219 = arith.constant -2 : i32
      %add3A_220 = vector.broadcast %add3A_219 : i32 to vector<16xi32>
      %add3A_221 = arith.addi %convert_element_type3A, %add3A_220 : vector<16xi32>
      %max3A_222 = arith.constant 0 : i32
      %max3A_223 = vector.broadcast %max3A_222 : i32 to vector<16xi32>
      %max3A_224 = arith.maxsi %add3A_221, %max3A_223 : vector<16xi32>
      %min3A_225 = arith.constant 511 : i32
      %min3A_226 = vector.broadcast %min3A_225 : i32 to vector<16xi32>
      %min3A_227 = arith.minsi %max3A_224, %min3A_226 : vector<16xi32>
      %add3A_228 = arith.addi %add3A_202, %min3A_227 : vector<16xi32>
      %add3A_229 = arith.constant 144 : i32
      %add3A_230 = arith.addi %mul3A_29, %add3A_229 : i32
      %swap3A_231 = arith.index_cast %add3A_230 : i32 to index
      %swap3A_232 = tpu.vector_load %arg11[%swap3A_231] {strides = array<i32>} : memref<4096xi32, #tpu.memory_space<vmem>>, vector<16xi32>,
      %swap3A_233 = vector.shape_cast %swap3A_232 : vector<16xi32> to vector<16xi32>
      %swap3A_234 = vector.shape_cast %add3A_228 : vector<16xi32> to vector<16xi32>
      tpu.vector_store %arg11[%swap3A_231], %swap3A_234 {strides = array<i32>} : memref<4096xi32, #tpu.memory_space<vmem>>, vector<16xi32>,
      %add3A_235 = arith.constant -1 : i32
      %add3A_236 = vector.broadcast %add3A_235 : i32 to vector<16xi32>
      %add3A_237 = arith.addi %convert_element_type3A, %add3A_236 : vector<16xi32>
      %max3A_238 = arith.constant 0 : i32
      %max3A_239 = vector.broadcast %max3A_238 : i32 to vector<16xi32>
      %max3A_240 = arith.maxsi %add3A_237, %max3A_239 : vector<16xi32>
      %min3A_241 = arith.constant 511 : i32
      %min3A_242 = vector.broadcast %min3A_241 : i32 to vector<16xi32>
      %min3A_243 = arith.minsi %max3A_240, %min3A_242 : vector<16xi32>
      %add3A_244 = arith.addi %add3A_202, %min3A_243 : vector<16xi32>
      %add3A_245 = arith.constant 160 : i32
      %add3A_246 = arith.addi %mul3A_29, %add3A_245 : i32
      %swap3A_247 = arith.index_cast %add3A_246 : i32 to index
      %swap3A_248 = tpu.vector_load %arg11[%swap3A_247] {strides = array<i32>} : memref<4096xi32, #tpu.memory_space<vmem>>, vector<16xi32>,
      %swap3A_249 = vector.shape_cast %swap3A_248 : vector<16xi32> to vector<16xi32>
      %swap3A_250 = vector.shape_cast %add3A_244 : vector<16xi32> to vector<16xi32>
      tpu.vector_store %arg11[%swap3A_247], %swap3A_250 {strides = array<i32>} : memref<4096xi32, #tpu.memory_space<vmem>>, vector<16xi32>,
      %add3A_251 = arith.constant 0 : i32
      %add3A_252 = vector.broadcast %add3A_251 : i32 to vector<16xi32>
      %add3A_253 = arith.addi %convert_element_type3A, %add3A_252 : vector<16xi32>
      %max3A_254 = arith.constant 0 : i32
      %max3A_255 = vector.broadcast %max3A_254 : i32 to vector<16xi32>
      %max3A_256 = arith.maxsi %add3A_253, %max3A_255 : vector<16xi32>
      %min3A_257 = arith.constant 511 : i32
      %min3A_258 = vector.broadcast %min3A_257 : i32 to vector<16xi32>
      %min3A_259 = arith.minsi %max3A_256, %min3A_258 : vector<16xi32>
      %add3A_260 = arith.addi %add3A_202, %min3A_259 : vector<16xi32>
      %add3A_261 = arith.constant 176 : i32
      %add3A_262 = arith.addi %mul3A_29, %add3A_261 : i32
      %swap3A_263 = arith.index_cast %add3A_262 : i32 to index
      %swap3A_264 = tpu.vector_load %arg11[%swap3A_263] {strides = array<i32>} : memref<4096xi32, #tpu.memory_space<vmem>>, vector<16xi32>,
      %swap3A_265 = vector.shape_cast %swap3A_264 : vector<16xi32> to vector<16xi32>
      %swap3A_266 = vector.shape_cast %add3A_260 : vector<16xi32> to vector<16xi32>
      tpu.vector_store %arg11[%swap3A_263], %swap3A_266 {strides = array<i32>} : memref<4096xi32, #tpu.memory_space<vmem>>, vector<16xi32>,
      %add3A_267 = arith.constant 1 : i32
      %add3A_268 = vector.broadcast %add3A_267 : i32 to vector<16xi32>
      %add3A_269 = arith.addi %convert_element_type3A, %add3A_268 : vector<16xi32>
      %max3A_270 = arith.constant 0 : i32
      %max3A_271 = vector.broadcast %max3A_270 : i32 to vector<16xi32>
      %max3A_272 = arith.maxsi %add3A_269, %max3A_271 : vector<16xi32>
      %min3A_273 = arith.constant 511 : i32
      %min3A_274 = vector.broadcast %min3A_273 : i32 to vector<16xi32>
      %min3A_275 = arith.minsi %max3A_272, %min3A_274 : vector<16xi32>
      %add3A_276 = arith.addi %add3A_202, %min3A_275 : vector<16xi32>
      %add3A_277 = arith.constant 192 : i32
      %add3A_278 = arith.addi %mul3A_29, %add3A_277 : i32
      %swap3A_279 = arith.index_cast %add3A_278 : i32 to index
      %swap3A_280 = tpu.vector_load %arg11[%swap3A_279] {strides = array<i32>} : memref<4096xi32, #tpu.memory_space<vmem>>, vector<16xi32>,
      %swap3A_281 = vector.shape_cast %swap3A_280 : vector<16xi32> to vector<16xi32>
      %swap3A_282 = vector.shape_cast %add3A_276 : vector<16xi32> to vector<16xi32>
      tpu.vector_store %arg11[%swap3A_279], %swap3A_282 {strides = array<i32>} : memref<4096xi32, #tpu.memory_space<vmem>>, vector<16xi32>,
      %add3A_283 = arith.constant 2 : i32
      %add3A_284 = vector.broadcast %add3A_283 : i32 to vector<16xi32>
      %add3A_285 = arith.addi %convert_element_type3A, %add3A_284 : vector<16xi32>
      %max3A_286 = arith.constant 0 : i32
      %max3A_287 = vector.broadcast %max3A_286 : i32 to vector<16xi32>
      %max3A_288 = arith.maxsi %add3A_285, %max3A_287 : vector<16xi32>
      %min3A_289 = arith.constant 511 : i32
      %min3A_290 = vector.broadcast %min3A_289 : i32 to vector<16xi32>
      %min3A_291 = arith.minsi %max3A_288, %min3A_290 : vector<16xi32>
      %add3A_292 = arith.addi %add3A_202, %min3A_291 : vector<16xi32>
      %add3A_293 = arith.constant 208 : i32
      %add3A_294 = arith.addi %mul3A_29, %add3A_293 : i32
      %swap3A_295 = arith.index_cast %add3A_294 : i32 to index
      %swap3A_296 = tpu.vector_load %arg11[%swap3A_295] {strides = array<i32>} : memref<4096xi32, #tpu.memory_space<vmem>>, vector<16xi32>,
      %swap3A_297 = vector.shape_cast %swap3A_296 : vector<16xi32> to vector<16xi32>
      %swap3A_298 = vector.shape_cast %add3A_292 : vector<16xi32> to vector<16xi32>
      tpu.vector_store %arg11[%swap3A_295], %swap3A_298 {strides = array<i32>} : memref<4096xi32, #tpu.memory_space<vmem>>, vector<16xi32>,
      %add3A_299 = arith.constant 3 : i32
      %add3A_300 = vector.broadcast %add3A_299 : i32 to vector<16xi32>
      %add3A_301 = arith.addi %convert_element_type3A, %add3A_300 : vector<16xi32>
      %max3A_302 = arith.constant 0 : i32
      %max3A_303 = vector.broadcast %max3A_302 : i32 to vector<16xi32>
      %max3A_304 = arith.maxsi %add3A_301, %max3A_303 : vector<16xi32>
      %min3A_305 = arith.constant 511 : i32
      %min3A_306 = vector.broadcast %min3A_305 : i32 to vector<16xi32>
      %min3A_307 = arith.minsi %max3A_304, %min3A_306 : vector<16xi32>
      %add3A_308 = arith.addi %add3A_202, %min3A_307 : vector<16xi32>
      %add3A_309 = arith.constant 224 : i32
      %add3A_310 = arith.addi %mul3A_29, %add3A_309 : i32
      %swap3A_311 = arith.index_cast %add3A_310 : i32 to index
      %swap3A_312 = tpu.vector_load %arg11[%swap3A_311] {strides = array<i32>} : memref<4096xi32, #tpu.memory_space<vmem>>, vector<16xi32>,
      %swap3A_313 = vector.shape_cast %swap3A_312 : vector<16xi32> to vector<16xi32>
      %swap3A_314 = vector.shape_cast %add3A_308 : vector<16xi32> to vector<16xi32>
      tpu.vector_store %arg11[%swap3A_311], %swap3A_314 {strides = array<i32>} : memref<4096xi32, #tpu.memory_space<vmem>>, vector<16xi32>,
      %add3A_315 = arith.constant 4 : i32
      %add3A_316 = vector.broadcast %add3A_315 : i32 to vector<16xi32>
      %add3A_317 = arith.addi %convert_element_type3A, %add3A_316 : vector<16xi32>
      %max3A_318 = arith.constant 0 : i32
      %max3A_319 = vector.broadcast %max3A_318 : i32 to vector<16xi32>
      %max3A_320 = arith.maxsi %add3A_317, %max3A_319 : vector<16xi32>
      %min3A_321 = arith.constant 511 : i32
      %min3A_322 = vector.broadcast %min3A_321 : i32 to vector<16xi32>
      %min3A_323 = arith.minsi %max3A_320, %min3A_322 : vector<16xi32>
      %add3A_324 = arith.addi %add3A_202, %min3A_323 : vector<16xi32>
      %add3A_325 = arith.constant 240 : i32
      %add3A_326 = arith.addi %mul3A_29, %add3A_325 : i32
      %swap3A_327 = arith.index_cast %add3A_326 : i32 to index
      %swap3A_328 = tpu.vector_load %arg11[%swap3A_327] {strides = array<i32>} : memref<4096xi32, #tpu.memory_space<vmem>>, vector<16xi32>,
      %swap3A_329 = vector.shape_cast %swap3A_328 : vector<16xi32> to vector<16xi32>
      %swap3A_330 = vector.shape_cast %add3A_324 : vector<16xi32> to vector<16xi32>
      tpu.vector_store %arg11[%swap3A_327], %swap3A_330 {strides = array<i32>} : memref<4096xi32, #tpu.memory_space<vmem>>, vector<16xi32>,
      %add3A_331 = arith.constant -1 : i32
      %add3A_332 = vector.broadcast %add3A_331 : i32 to vector<16xi32>
      %add3A_333 = arith.addi %sub3A, %add3A_332 : vector<16xi32>
      %max3A_334 = arith.constant 0 : i32
      %max3A_335 = vector.broadcast %max3A_334 : i32 to vector<16xi32>
      %max3A_336 = arith.maxsi %add3A_333, %max3A_335 : vector<16xi32>
      %min3A_337 = arith.constant 511 : i32
      %min3A_338 = vector.broadcast %min3A_337 : i32 to vector<16xi32>
      %min3A_339 = arith.minsi %max3A_336, %min3A_338 : vector<16xi32>
      %shift_left3A_340 = arith.constant 9 : i32
      %shift_left3A_341 = vector.broadcast %shift_left3A_340 : i32 to vector<16xi32>
      %shift_left3A_342 = arith.shli %min3A_339, %shift_left3A_341 : vector<16xi32>
      %add3A_343 = arith.addi %shift_left3A_44, %shift_left3A_342 : vector<16xi32>
      %add3A_344 = arith.constant -3 : i32
      %add3A_345 = vector.broadcast %add3A_344 : i32 to vector<16xi32>
      %add3A_346 = arith.addi %convert_element_type3A, %add3A_345 : vector<16xi32>
      %max3A_347 = arith.constant 0 : i32
      %max3A_348 = vector.broadcast %max3A_347 : i32 to vector<16xi32>
      %max3A_349 = arith.maxsi %add3A_346, %max3A_348 : vector<16xi32>
      %min3A_350 = arith.constant 511 : i32
      %min3A_351 = vector.broadcast %min3A_350 : i32 to vector<16xi32>
      %min3A_352 = arith.minsi %max3A_349, %min3A_351 : vector<16xi32>
      %add3A_353 = arith.addi %add3A_343, %min3A_352 : vector<16xi32>
      %add3A_354 = arith.constant 256 : i32
      %add3A_355 = arith.addi %mul3A_29, %add3A_354 : i32
      %swap3A_356 = arith.index_cast %add3A_355 : i32 to index
      %swap3A_357 = tpu.vector_load %arg11[%swap3A_356] {strides = array<i32>} : memref<4096xi32, #tpu.memory_space<vmem>>, vector<16xi32>,
      %swap3A_358 = vector.shape_cast %swap3A_357 : vector<16xi32> to vector<16xi32>
      %swap3A_359 = vector.shape_cast %add3A_353 : vector<16xi32> to vector<16xi32>
      tpu.vector_store %arg11[%swap3A_356], %swap3A_359 {strides = array<i32>} : memref<4096xi32, #tpu.memory_space<vmem>>, vector<16xi32>,
      %add3A_360 = arith.constant -2 : i32
      %add3A_361 = vector.broadcast %add3A_360 : i32 to vector<16xi32>
      %add3A_362 = arith.addi %convert_element_type3A, %add3A_361 : vector<16xi32>
      %max3A_363 = arith.constant 0 : i32
      %max3A_364 = vector.broadcast %max3A_363 : i32 to vector<16xi32>
      %max3A_365 = arith.maxsi %add3A_362, %max3A_364 : vector<16xi32>
      %min3A_366 = arith.constant 511 : i32
      %min3A_367 = vector.broadcast %min3A_366 : i32 to vector<16xi32>
      %min3A_368 = arith.minsi %max3A_365, %min3A_367 : vector<16xi32>
      %add3A_369 = arith.addi %add3A_343, %min3A_368 : vector<16xi32>
      %add3A_370 = arith.constant 272 : i32
      %add3A_371 = arith.addi %mul3A_29, %add3A_370 : i32
      %swap3A_372 = arith.index_cast %add3A_371 : i32 to index
      %swap3A_373 = tpu.vector_load %arg11[%swap3A_372] {strides = array<i32>} : memref<4096xi32, #tpu.memory_space<vmem>>, vector<16xi32>,
      %swap3A_374 = vector.shape_cast %swap3A_373 : vector<16xi32> to vector<16xi32>
      %swap3A_375 = vector.shape_cast %add3A_369 : vector<16xi32> to vector<16xi32>
      tpu.vector_store %arg11[%swap3A_372], %swap3A_375 {strides = array<i32>} : memref<4096xi32, #tpu.memory_space<vmem>>, vector<16xi32>,
      %add3A_376 = arith.constant -1 : i32
      %add3A_377 = vector.broadcast %add3A_376 : i32 to vector<16xi32>
      %add3A_378 = arith.addi %convert_element_type3A, %add3A_377 : vector<16xi32>
      %max3A_379 = arith.constant 0 : i32
      %max3A_380 = vector.broadcast %max3A_379 : i32 to vector<16xi32>
      %max3A_381 = arith.maxsi %add3A_378, %max3A_380 : vector<16xi32>
      %min3A_382 = arith.constant 511 : i32
      %min3A_383 = vector.broadcast %min3A_382 : i32 to vector<16xi32>
      %min3A_384 = arith.minsi %max3A_381, %min3A_383 : vector<16xi32>
      %add3A_385 = arith.addi %add3A_343, %min3A_384 : vector<16xi32>
      %add3A_386 = arith.constant 288 : i32
      %add3A_387 = arith.addi %mul3A_29, %add3A_386 : i32
      %swap3A_388 = arith.index_cast %add3A_387 : i32 to index
      %swap3A_389 = tpu.vector_load %arg11[%swap3A_388] {strides = array<i32>} : memref<4096xi32, #tpu.memory_space<vmem>>, vector<16xi32>,
      %swap3A_390 = vector.shape_cast %swap3A_389 : vector<16xi32> to vector<16xi32>
      %swap3A_391 = vector.shape_cast %add3A_385 : vector<16xi32> to vector<16xi32>
      tpu.vector_store %arg11[%swap3A_388], %swap3A_391 {strides = array<i32>} : memref<4096xi32, #tpu.memory_space<vmem>>, vector<16xi32>,
      %add3A_392 = arith.constant 0 : i32
      %add3A_393 = vector.broadcast %add3A_392 : i32 to vector<16xi32>
      %add3A_394 = arith.addi %convert_element_type3A, %add3A_393 : vector<16xi32>
      %max3A_395 = arith.constant 0 : i32
      %max3A_396 = vector.broadcast %max3A_395 : i32 to vector<16xi32>
      %max3A_397 = arith.maxsi %add3A_394, %max3A_396 : vector<16xi32>
      %min3A_398 = arith.constant 511 : i32
      %min3A_399 = vector.broadcast %min3A_398 : i32 to vector<16xi32>
      %min3A_400 = arith.minsi %max3A_397, %min3A_399 : vector<16xi32>
      %add3A_401 = arith.addi %add3A_343, %min3A_400 : vector<16xi32>
      %add3A_402 = arith.constant 304 : i32
      %add3A_403 = arith.addi %mul3A_29, %add3A_402 : i32
      %swap3A_404 = arith.index_cast %add3A_403 : i32 to index
      %swap3A_405 = tpu.vector_load %arg11[%swap3A_404] {strides = array<i32>} : memref<4096xi32, #tpu.memory_space<vmem>>, vector<16xi32>,
      %swap3A_406 = vector.shape_cast %swap3A_405 : vector<16xi32> to vector<16xi32>
      %swap3A_407 = vector.shape_cast %add3A_401 : vector<16xi32> to vector<16xi32>
      tpu.vector_store %arg11[%swap3A_404], %swap3A_407 {strides = array<i32>} : memref<4096xi32, #tpu.memory_space<vmem>>, vector<16xi32>,
      %add3A_408 = arith.constant 1 : i32
      %add3A_409 = vector.broadcast %add3A_408 : i32 to vector<16xi32>
      %add3A_410 = arith.addi %convert_element_type3A, %add3A_409 : vector<16xi32>
      %max3A_411 = arith.constant 0 : i32
      %max3A_412 = vector.broadcast %max3A_411 : i32 to vector<16xi32>
      %max3A_413 = arith.maxsi %add3A_410, %max3A_412 : vector<16xi32>
      %min3A_414 = arith.constant 511 : i32
      %min3A_415 = vector.broadcast %min3A_414 : i32 to vector<16xi32>
      %min3A_416 = arith.minsi %max3A_413, %min3A_415 : vector<16xi32>
      %add3A_417 = arith.addi %add3A_343, %min3A_416 : vector<16xi32>
      %add3A_418 = arith.constant 320 : i32
      %add3A_419 = arith.addi %mul3A_29, %add3A_418 : i32
      %swap3A_420 = arith.index_cast %add3A_419 : i32 to index
      %swap3A_421 = tpu.vector_load %arg11[%swap3A_420] {strides = array<i32>} : memref<4096xi32, #tpu.memory_space<vmem>>, vector<16xi32>,
      %swap3A_422 = vector.shape_cast %swap3A_421 : vector<16xi32> to vector<16xi32>
      %swap3A_423 = vector.shape_cast %add3A_417 : vector<16xi32> to vector<16xi32>
      tpu.vector_store %arg11[%swap3A_420], %swap3A_423 {strides = array<i32>} : memref<4096xi32, #tpu.memory_space<vmem>>, vector<16xi32>,
      %add3A_424 = arith.constant 2 : i32
      %add3A_425 = vector.broadcast %add3A_424 : i32 to vector<16xi32>
      %add3A_426 = arith.addi %convert_element_type3A, %add3A_425 : vector<16xi32>
      %max3A_427 = arith.constant 0 : i32
      %max3A_428 = vector.broadcast %max3A_427 : i32 to vector<16xi32>
      %max3A_429 = arith.maxsi %add3A_426, %max3A_428 : vector<16xi32>
      %min3A_430 = arith.constant 511 : i32
      %min3A_431 = vector.broadcast %min3A_430 : i32 to vector<16xi32>
      %min3A_432 = arith.minsi %max3A_429, %min3A_431 : vector<16xi32>
      %add3A_433 = arith.addi %add3A_343, %min3A_432 : vector<16xi32>
      %add3A_434 = arith.constant 336 : i32
      %add3A_435 = arith.addi %mul3A_29, %add3A_434 : i32
      %swap3A_436 = arith.index_cast %add3A_435 : i32 to index
      %swap3A_437 = tpu.vector_load %arg11[%swap3A_436] {strides = array<i32>} : memref<4096xi32, #tpu.memory_space<vmem>>, vector<16xi32>,
      %swap3A_438 = vector.shape_cast %swap3A_437 : vector<16xi32> to vector<16xi32>
      %swap3A_439 = vector.shape_cast %add3A_433 : vector<16xi32> to vector<16xi32>
      tpu.vector_store %arg11[%swap3A_436], %swap3A_439 {strides = array<i32>} : memref<4096xi32, #tpu.memory_space<vmem>>, vector<16xi32>,
      %add3A_440 = arith.constant 3 : i32
      %add3A_441 = vector.broadcast %add3A_440 : i32 to vector<16xi32>
      %add3A_442 = arith.addi %convert_element_type3A, %add3A_441 : vector<16xi32>
      %max3A_443 = arith.constant 0 : i32
      %max3A_444 = vector.broadcast %max3A_443 : i32 to vector<16xi32>
      %max3A_445 = arith.maxsi %add3A_442, %max3A_444 : vector<16xi32>
      %min3A_446 = arith.constant 511 : i32
      %min3A_447 = vector.broadcast %min3A_446 : i32 to vector<16xi32>
      %min3A_448 = arith.minsi %max3A_445, %min3A_447 : vector<16xi32>
      %add3A_449 = arith.addi %add3A_343, %min3A_448 : vector<16xi32>
      %add3A_450 = arith.constant 352 : i32
      %add3A_451 = arith.addi %mul3A_29, %add3A_450 : i32
      %swap3A_452 = arith.index_cast %add3A_451 : i32 to index
      %swap3A_453 = tpu.vector_load %arg11[%swap3A_452] {strides = array<i32>} : memref<4096xi32, #tpu.memory_space<vmem>>, vector<16xi32>,
      %swap3A_454 = vector.shape_cast %swap3A_453 : vector<16xi32> to vector<16xi32>
      %swap3A_455 = vector.shape_cast %add3A_449 : vector<16xi32> to vector<16xi32>
      tpu.vector_store %arg11[%swap3A_452], %swap3A_455 {strides = array<i32>} : memref<4096xi32, #tpu.memory_space<vmem>>, vector<16xi32>,
      %add3A_456 = arith.constant 4 : i32
      %add3A_457 = vector.broadcast %add3A_456 : i32 to vector<16xi32>
      %add3A_458 = arith.addi %convert_element_type3A, %add3A_457 : vector<16xi32>
      %max3A_459 = arith.constant 0 : i32
      %max3A_460 = vector.broadcast %max3A_459 : i32 to vector<16xi32>
      %max3A_461 = arith.maxsi %add3A_458, %max3A_460 : vector<16xi32>
      %min3A_462 = arith.constant 511 : i32
      %min3A_463 = vector.broadcast %min3A_462 : i32 to vector<16xi32>
      %min3A_464 = arith.minsi %max3A_461, %min3A_463 : vector<16xi32>
      %add3A_465 = arith.addi %add3A_343, %min3A_464 : vector<16xi32>
      %add3A_466 = arith.constant 368 : i32
      %add3A_467 = arith.addi %mul3A_29, %add3A_466 : i32
      %swap3A_468 = arith.index_cast %add3A_467 : i32 to index
      %swap3A_469 = tpu.vector_load %arg11[%swap3A_468] {strides = array<i32>} : memref<4096xi32, #tpu.memory_space<vmem>>, vector<16xi32>,
      %swap3A_470 = vector.shape_cast %swap3A_469 : vector<16xi32> to vector<16xi32>
      %swap3A_471 = vector.shape_cast %add3A_465 : vector<16xi32> to vector<16xi32>
      tpu.vector_store %arg11[%swap3A_468], %swap3A_471 {strides = array<i32>} : memref<4096xi32, #tpu.memory_space<vmem>>, vector<16xi32>,
      %add3A_472 = arith.constant 0 : i32
      %add3A_473 = vector.broadcast %add3A_472 : i32 to vector<16xi32>
      %add3A_474 = arith.addi %sub3A, %add3A_473 : vector<16xi32>
      %max3A_475 = arith.constant 0 : i32
      %max3A_476 = vector.broadcast %max3A_475 : i32 to vector<16xi32>
      %max3A_477 = arith.maxsi %add3A_474, %max3A_476 : vector<16xi32>
      %min3A_478 = arith.constant 511 : i32
      %min3A_479 = vector.broadcast %min3A_478 : i32 to vector<16xi32>
      %min3A_480 = arith.minsi %max3A_477, %min3A_479 : vector<16xi32>
      %shift_left3A_481 = arith.constant 9 : i32
      %shift_left3A_482 = vector.broadcast %shift_left3A_481 : i32 to vector<16xi32>
      %shift_left3A_483 = arith.shli %min3A_480, %shift_left3A_482 : vector<16xi32>
      %add3A_484 = arith.addi %shift_left3A_44, %shift_left3A_483 : vector<16xi32>
      %add3A_485 = arith.constant -3 : i32
      %add3A_486 = vector.broadcast %add3A_485 : i32 to vector<16xi32>
      %add3A_487 = arith.addi %convert_element_type3A, %add3A_486 : vector<16xi32>
      %max3A_488 = arith.constant 0 : i32
      %max3A_489 = vector.broadcast %max3A_488 : i32 to vector<16xi32>
      %max3A_490 = arith.maxsi %add3A_487, %max3A_489 : vector<16xi32>
      %min3A_491 = arith.constant 511 : i32
      %min3A_492 = vector.broadcast %min3A_491 : i32 to vector<16xi32>
      %min3A_493 = arith.minsi %max3A_490, %min3A_492 : vector<16xi32>
      %add3A_494 = arith.addi %add3A_484, %min3A_493 : vector<16xi32>
      %add3A_495 = arith.constant 384 : i32
      %add3A_496 = arith.addi %mul3A_29, %add3A_495 : i32
      %swap3A_497 = arith.index_cast %add3A_496 : i32 to index
      %swap3A_498 = tpu.vector_load %arg11[%swap3A_497] {strides = array<i32>} : memref<4096xi32, #tpu.memory_space<vmem>>, vector<16xi32>,
      %swap3A_499 = vector.shape_cast %swap3A_498 : vector<16xi32> to vector<16xi32>
      %swap3A_500 = vector.shape_cast %add3A_494 : vector<16xi32> to vector<16xi32>
      tpu.vector_store %arg11[%swap3A_497], %swap3A_500 {strides = array<i32>} : memref<4096xi32, #tpu.memory_space<vmem>>, vector<16xi32>,
      %add3A_501 = arith.constant -2 : i32
      %add3A_502 = vector.broadcast %add3A_501 : i32 to vector<16xi32>
      %add3A_503 = arith.addi %convert_element_type3A, %add3A_502 : vector<16xi32>
      %max3A_504 = arith.constant 0 : i32
      %max3A_505 = vector.broadcast %max3A_504 : i32 to vector<16xi32>
      %max3A_506 = arith.maxsi %add3A_503, %max3A_505 : vector<16xi32>
      %min3A_507 = arith.constant 511 : i32
      %min3A_508 = vector.broadcast %min3A_507 : i32 to vector<16xi32>
      %min3A_509 = arith.minsi %max3A_506, %min3A_508 : vector<16xi32>
      %add3A_510 = arith.addi %add3A_484, %min3A_509 : vector<16xi32>
      %add3A_511 = arith.constant 400 : i32
      %add3A_512 = arith.addi %mul3A_29, %add3A_511 : i32
      %swap3A_513 = arith.index_cast %add3A_512 : i32 to index
      %swap3A_514 = tpu.vector_load %arg11[%swap3A_513] {strides = array<i32>} : memref<4096xi32, #tpu.memory_space<vmem>>, vector<16xi32>,
      %swap3A_515 = vector.shape_cast %swap3A_514 : vector<16xi32> to vector<16xi32>
      %swap3A_516 = vector.shape_cast %add3A_510 : vector<16xi32> to vector<16xi32>
      tpu.vector_store %arg11[%swap3A_513], %swap3A_516 {strides = array<i32>} : memref<4096xi32, #tpu.memory_space<vmem>>, vector<16xi32>,
      %add3A_517 = arith.constant -1 : i32
      %add3A_518 = vector.broadcast %add3A_517 : i32 to vector<16xi32>
      %add3A_519 = arith.addi %convert_element_type3A, %add3A_518 : vector<16xi32>
      %max3A_520 = arith.constant 0 : i32
      %max3A_521 = vector.broadcast %max3A_520 : i32 to vector<16xi32>
      %max3A_522 = arith.maxsi %add3A_519, %max3A_521 : vector<16xi32>
      %min3A_523 = arith.constant 511 : i32
      %min3A_524 = vector.broadcast %min3A_523 : i32 to vector<16xi32>
      %min3A_525 = arith.minsi %max3A_522, %min3A_524 : vector<16xi32>
      %add3A_526 = arith.addi %add3A_484, %min3A_525 : vector<16xi32>
      %add3A_527 = arith.constant 416 : i32
      %add3A_528 = arith.addi %mul3A_29, %add3A_527 : i32
      %swap3A_529 = arith.index_cast %add3A_528 : i32 to index
      %swap3A_530 = tpu.vector_load %arg11[%swap3A_529] {strides = array<i32>} : memref<4096xi32, #tpu.memory_space<vmem>>, vector<16xi32>,
      %swap3A_531 = vector.shape_cast %swap3A_530 : vector<16xi32> to vector<16xi32>
      %swap3A_532 = vector.shape_cast %add3A_526 : vector<16xi32> to vector<16xi32>
      tpu.vector_store %arg11[%swap3A_529], %swap3A_532 {strides = array<i32>} : memref<4096xi32, #tpu.memory_space<vmem>>, vector<16xi32>,
      %add3A_533 = arith.constant 0 : i32
      %add3A_534 = vector.broadcast %add3A_533 : i32 to vector<16xi32>
      %add3A_535 = arith.addi %convert_element_type3A, %add3A_534 : vector<16xi32>
      %max3A_536 = arith.constant 0 : i32
      %max3A_537 = vector.broadcast %max3A_536 : i32 to vector<16xi32>
      %max3A_538 = arith.maxsi %add3A_535, %max3A_537 : vector<16xi32>
      %min3A_539 = arith.constant 511 : i32
      %min3A_540 = vector.broadcast %min3A_539 : i32 to vector<16xi32>
      %min3A_541 = arith.minsi %max3A_538, %min3A_540 : vector<16xi32>
      %add3A_542 = arith.addi %add3A_484, %min3A_541 : vector<16xi32>
      %add3A_543 = arith.constant 432 : i32
      %add3A_544 = arith.addi %mul3A_29, %add3A_543 : i32
      %swap3A_545 = arith.index_cast %add3A_544 : i32 to index
      %swap3A_546 = tpu.vector_load %arg11[%swap3A_545] {strides = array<i32>} : memref<4096xi32, #tpu.memory_space<vmem>>, vector<16xi32>,
      %swap3A_547 = vector.shape_cast %swap3A_546 : vector<16xi32> to vector<16xi32>
      %swap3A_548 = vector.shape_cast %add3A_542 : vector<16xi32> to vector<16xi32>
      tpu.vector_store %arg11[%swap3A_545], %swap3A_548 {strides = array<i32>} : memref<4096xi32, #tpu.memory_space<vmem>>, vector<16xi32>,
      %add3A_549 = arith.constant 1 : i32
      %add3A_550 = vector.broadcast %add3A_549 : i32 to vector<16xi32>
      %add3A_551 = arith.addi %convert_element_type3A, %add3A_550 : vector<16xi32>
      %max3A_552 = arith.constant 0 : i32
      %max3A_553 = vector.broadcast %max3A_552 : i32 to vector<16xi32>
      %max3A_554 = arith.maxsi %add3A_551, %max3A_553 : vector<16xi32>
      %min3A_555 = arith.constant 511 : i32
      %min3A_556 = vector.broadcast %min3A_555 : i32 to vector<16xi32>
      %min3A_557 = arith.minsi %max3A_554, %min3A_556 : vector<16xi32>
      %add3A_558 = arith.addi %add3A_484, %min3A_557 : vector<16xi32>
      %add3A_559 = arith.constant 448 : i32
      %add3A_560 = arith.addi %mul3A_29, %add3A_559 : i32
      %swap3A_561 = arith.index_cast %add3A_560 : i32 to index
      %swap3A_562 = tpu.vector_load %arg11[%swap3A_561] {strides = array<i32>} : memref<4096xi32, #tpu.memory_space<vmem>>, vector<16xi32>,
      %swap3A_563 = vector.shape_cast %swap3A_562 : vector<16xi32> to vector<16xi32>
      %swap3A_564 = vector.shape_cast %add3A_558 : vector<16xi32> to vector<16xi32>
      tpu.vector_store %arg11[%swap3A_561], %swap3A_564 {strides = array<i32>} : memref<4096xi32, #tpu.memory_space<vmem>>, vector<16xi32>,
      %add3A_565 = arith.constant 2 : i32
      %add3A_566 = vector.broadcast %add3A_565 : i32 to vector<16xi32>
      %add3A_567 = arith.addi %convert_element_type3A, %add3A_566 : vector<16xi32>
      %max3A_568 = arith.constant 0 : i32
      %max3A_569 = vector.broadcast %max3A_568 : i32 to vector<16xi32>
      %max3A_570 = arith.maxsi %add3A_567, %max3A_569 : vector<16xi32>
      %min3A_571 = arith.constant 511 : i32
      %min3A_572 = vector.broadcast %min3A_571 : i32 to vector<16xi32>
      %min3A_573 = arith.minsi %max3A_570, %min3A_572 : vector<16xi32>
      %add3A_574 = arith.addi %add3A_484, %min3A_573 : vector<16xi32>
      %add3A_575 = arith.constant 464 : i32
      %add3A_576 = arith.addi %mul3A_29, %add3A_575 : i32
      %swap3A_577 = arith.index_cast %add3A_576 : i32 to index
      %swap3A_578 = tpu.vector_load %arg11[%swap3A_577] {strides = array<i32>} : memref<4096xi32, #tpu.memory_space<vmem>>, vector<16xi32>,
      %swap3A_579 = vector.shape_cast %swap3A_578 : vector<16xi32> to vector<16xi32>
      %swap3A_580 = vector.shape_cast %add3A_574 : vector<16xi32> to vector<16xi32>
      tpu.vector_store %arg11[%swap3A_577], %swap3A_580 {strides = array<i32>} : memref<4096xi32, #tpu.memory_space<vmem>>, vector<16xi32>,
      %add3A_581 = arith.constant 3 : i32
      %add3A_582 = vector.broadcast %add3A_581 : i32 to vector<16xi32>
      %add3A_583 = arith.addi %convert_element_type3A, %add3A_582 : vector<16xi32>
      %max3A_584 = arith.constant 0 : i32
      %max3A_585 = vector.broadcast %max3A_584 : i32 to vector<16xi32>
      %max3A_586 = arith.maxsi %add3A_583, %max3A_585 : vector<16xi32>
      %min3A_587 = arith.constant 511 : i32
      %min3A_588 = vector.broadcast %min3A_587 : i32 to vector<16xi32>
      %min3A_589 = arith.minsi %max3A_586, %min3A_588 : vector<16xi32>
      %add3A_590 = arith.addi %add3A_484, %min3A_589 : vector<16xi32>
      %add3A_591 = arith.constant 480 : i32
      %add3A_592 = arith.addi %mul3A_29, %add3A_591 : i32
      %swap3A_593 = arith.index_cast %add3A_592 : i32 to index
      %swap3A_594 = tpu.vector_load %arg11[%swap3A_593] {strides = array<i32>} : memref<4096xi32, #tpu.memory_space<vmem>>, vector<16xi32>,
      %swap3A_595 = vector.shape_cast %swap3A_594 : vector<16xi32> to vector<16xi32>
      %swap3A_596 = vector.shape_cast %add3A_590 : vector<16xi32> to vector<16xi32>
      tpu.vector_store %arg11[%swap3A_593], %swap3A_596 {strides = array<i32>} : memref<4096xi32, #tpu.memory_space<vmem>>, vector<16xi32>,
      %add3A_597 = arith.constant 4 : i32
      %add3A_598 = vector.broadcast %add3A_597 : i32 to vector<16xi32>
      %add3A_599 = arith.addi %convert_element_type3A, %add3A_598 : vector<16xi32>
      %max3A_600 = arith.constant 0 : i32
      %max3A_601 = vector.broadcast %max3A_600 : i32 to vector<16xi32>
      %max3A_602 = arith.maxsi %add3A_599, %max3A_601 : vector<16xi32>
      %min3A_603 = arith.constant 511 : i32
      %min3A_604 = vector.broadcast %min3A_603 : i32 to vector<16xi32>
      %min3A_605 = arith.minsi %max3A_602, %min3A_604 : vector<16xi32>
      %add3A_606 = arith.addi %add3A_484, %min3A_605 : vector<16xi32>
      %add3A_607 = arith.constant 496 : i32
      %add3A_608 = arith.addi %mul3A_29, %add3A_607 : i32
      %swap3A_609 = arith.index_cast %add3A_608 : i32 to index
      %swap3A_610 = tpu.vector_load %arg11[%swap3A_609] {strides = array<i32>} : memref<4096xi32, #tpu.memory_space<vmem>>, vector<16xi32>,
      %swap3A_611 = vector.shape_cast %swap3A_610 : vector<16xi32> to vector<16xi32>
      %swap3A_612 = vector.shape_cast %add3A_606 : vector<16xi32> to vector<16xi32>
      tpu.vector_store %arg11[%swap3A_609], %swap3A_612 {strides = array<i32>} : memref<4096xi32, #tpu.memory_space<vmem>>, vector<16xi32>,
      %add3A_613 = arith.constant 1 : i32
      %add3A_614 = vector.broadcast %add3A_613 : i32 to vector<16xi32>
      %add3A_615 = arith.addi %sub3A, %add3A_614 : vector<16xi32>
      %max3A_616 = arith.constant 0 : i32
      %max3A_617 = vector.broadcast %max3A_616 : i32 to vector<16xi32>
      %max3A_618 = arith.maxsi %add3A_615, %max3A_617 : vector<16xi32>
      %min3A_619 = arith.constant 511 : i32
      %min3A_620 = vector.broadcast %min3A_619 : i32 to vector<16xi32>
      %min3A_621 = arith.minsi %max3A_618, %min3A_620 : vector<16xi32>
      %shift_left3A_622 = arith.constant 9 : i32
      %shift_left3A_623 = vector.broadcast %shift_left3A_622 : i32 to vector<16xi32>
      %shift_left3A_624 = arith.shli %min3A_621, %shift_left3A_623 : vector<16xi32>
      %add3A_625 = arith.addi %shift_left3A_44, %shift_left3A_624 : vector<16xi32>
      %add3A_626 = arith.constant -3 : i32
      %add3A_627 = vector.broadcast %add3A_626 : i32 to vector<16xi32>
      %add3A_628 = arith.addi %convert_element_type3A, %add3A_627 : vector<16xi32>
      %max3A_629 = arith.constant 0 : i32
      %max3A_630 = vector.broadcast %max3A_629 : i32 to vector<16xi32>
      %max3A_631 = arith.maxsi %add3A_628, %max3A_630 : vector<16xi32>
      %min3A_632 = arith.constant 511 : i32
      %min3A_633 = vector.broadcast %min3A_632 : i32 to vector<16xi32>
      %min3A_634 = arith.minsi %max3A_631, %min3A_633 : vector<16xi32>
      %add3A_635 = arith.addi %add3A_625, %min3A_634 : vector<16xi32>
      %add3A_636 = arith.constant 512 : i32
      %add3A_637 = arith.addi %mul3A_29, %add3A_636 : i32
      %swap3A_638 = arith.index_cast %add3A_637 : i32 to index
      %swap3A_639 = tpu.vector_load %arg11[%swap3A_638] {strides = array<i32>} : memref<4096xi32, #tpu.memory_space<vmem>>, vector<16xi32>,
      %swap3A_640 = vector.shape_cast %swap3A_639 : vector<16xi32> to vector<16xi32>
      %swap3A_641 = vector.shape_cast %add3A_635 : vector<16xi32> to vector<16xi32>
      tpu.vector_store %arg11[%swap3A_638], %swap3A_641 {strides = array<i32>} : memref<4096xi32, #tpu.memory_space<vmem>>, vector<16xi32>,
      %add3A_642 = arith.constant -2 : i32
      %add3A_643 = vector.broadcast %add3A_642 : i32 to vector<16xi32>
      %add3A_644 = arith.addi %convert_element_type3A, %add3A_643 : vector<16xi32>
      %max3A_645 = arith.constant 0 : i32
      %max3A_646 = vector.broadcast %max3A_645 : i32 to vector<16xi32>
      %max3A_647 = arith.maxsi %add3A_644, %max3A_646 : vector<16xi32>
      %min3A_648 = arith.constant 511 : i32
      %min3A_649 = vector.broadcast %min3A_648 : i32 to vector<16xi32>
      %min3A_650 = arith.minsi %max3A_647, %min3A_649 : vector<16xi32>
      %add3A_651 = arith.addi %add3A_625, %min3A_650 : vector<16xi32>
      %add3A_652 = arith.constant 528 : i32
      %add3A_653 = arith.addi %mul3A_29, %add3A_652 : i32
      %swap3A_654 = arith.index_cast %add3A_653 : i32 to index
      %swap3A_655 = tpu.vector_load %arg11[%swap3A_654] {strides = array<i32>} : memref<4096xi32, #tpu.memory_space<vmem>>, vector<16xi32>,
      %swap3A_656 = vector.shape_cast %swap3A_655 : vector<16xi32> to vector<16xi32>
      %swap3A_657 = vector.shape_cast %add3A_651 : vector<16xi32> to vector<16xi32>
      tpu.vector_store %arg11[%swap3A_654], %swap3A_657 {strides = array<i32>} : memref<4096xi32, #tpu.memory_space<vmem>>, vector<16xi32>,
      %add3A_658 = arith.constant -1 : i32
      %add3A_659 = vector.broadcast %add3A_658 : i32 to vector<16xi32>
      %add3A_660 = arith.addi %convert_element_type3A, %add3A_659 : vector<16xi32>
      %max3A_661 = arith.constant 0 : i32
      %max3A_662 = vector.broadcast %max3A_661 : i32 to vector<16xi32>
      %max3A_663 = arith.maxsi %add3A_660, %max3A_662 : vector<16xi32>
      %min3A_664 = arith.constant 511 : i32
      %min3A_665 = vector.broadcast %min3A_664 : i32 to vector<16xi32>
      %min3A_666 = arith.minsi %max3A_663, %min3A_665 : vector<16xi32>
      %add3A_667 = arith.addi %add3A_625, %min3A_666 : vector<16xi32>
      %add3A_668 = arith.constant 544 : i32
      %add3A_669 = arith.addi %mul3A_29, %add3A_668 : i32
      %swap3A_670 = arith.index_cast %add3A_669 : i32 to index
      %swap3A_671 = tpu.vector_load %arg11[%swap3A_670] {strides = array<i32>} : memref<4096xi32, #tpu.memory_space<vmem>>, vector<16xi32>,
      %swap3A_672 = vector.shape_cast %swap3A_671 : vector<16xi32> to vector<16xi32>
      %swap3A_673 = vector.shape_cast %add3A_667 : vector<16xi32> to vector<16xi32>
      tpu.vector_store %arg11[%swap3A_670], %swap3A_673 {strides = array<i32>} : memref<4096xi32, #tpu.memory_space<vmem>>, vector<16xi32>,
      %add3A_674 = arith.constant 0 : i32
      %add3A_675 = vector.broadcast %add3A_674 : i32 to vector<16xi32>
      %add3A_676 = arith.addi %convert_element_type3A, %add3A_675 : vector<16xi32>
      %max3A_677 = arith.constant 0 : i32
      %max3A_678 = vector.broadcast %max3A_677 : i32 to vector<16xi32>
      %max3A_679 = arith.maxsi %add3A_676, %max3A_678 : vector<16xi32>
      %min3A_680 = arith.constant 511 : i32
      %min3A_681 = vector.broadcast %min3A_680 : i32 to vector<16xi32>
      %min3A_682 = arith.minsi %max3A_679, %min3A_681 : vector<16xi32>
      %add3A_683 = arith.addi %add3A_625, %min3A_682 : vector<16xi32>
      %add3A_684 = arith.constant 560 : i32
      %add3A_685 = arith.addi %mul3A_29, %add3A_684 : i32
      %swap3A_686 = arith.index_cast %add3A_685 : i32 to index
      %swap3A_687 = tpu.vector_load %arg11[%swap3A_686] {strides = array<i32>} : memref<4096xi32, #tpu.memory_space<vmem>>, vector<16xi32>,
      %swap3A_688 = vector.shape_cast %swap3A_687 : vector<16xi32> to vector<16xi32>
      %swap3A_689 = vector.shape_cast %add3A_683 : vector<16xi32> to vector<16xi32>
      tpu.vector_store %arg11[%swap3A_686], %swap3A_689 {strides = array<i32>} : memref<4096xi32, #tpu.memory_space<vmem>>, vector<16xi32>,
      %add3A_690 = arith.constant 1 : i32
      %add3A_691 = vector.broadcast %add3A_690 : i32 to vector<16xi32>
      %add3A_692 = arith.addi %convert_element_type3A, %add3A_691 : vector<16xi32>
      %max3A_693 = arith.constant 0 : i32
      %max3A_694 = vector.broadcast %max3A_693 : i32 to vector<16xi32>
      %max3A_695 = arith.maxsi %add3A_692, %max3A_694 : vector<16xi32>
      %min3A_696 = arith.constant 511 : i32
      %min3A_697 = vector.broadcast %min3A_696 : i32 to vector<16xi32>
      %min3A_698 = arith.minsi %max3A_695, %min3A_697 : vector<16xi32>
      %add3A_699 = arith.addi %add3A_625, %min3A_698 : vector<16xi32>
      %add3A_700 = arith.constant 576 : i32
      %add3A_701 = arith.addi %mul3A_29, %add3A_700 : i32
      %swap3A_702 = arith.index_cast %add3A_701 : i32 to index
      %swap3A_703 = tpu.vector_load %arg11[%swap3A_702] {strides = array<i32>} : memref<4096xi32, #tpu.memory_space<vmem>>, vector<16xi32>,
      %swap3A_704 = vector.shape_cast %swap3A_703 : vector<16xi32> to vector<16xi32>
      %swap3A_705 = vector.shape_cast %add3A_699 : vector<16xi32> to vector<16xi32>
      tpu.vector_store %arg11[%swap3A_702], %swap3A_705 {strides = array<i32>} : memref<4096xi32, #tpu.memory_space<vmem>>, vector<16xi32>,
      %add3A_706 = arith.constant 2 : i32
      %add3A_707 = vector.broadcast %add3A_706 : i32 to vector<16xi32>
      %add3A_708 = arith.addi %convert_element_type3A, %add3A_707 : vector<16xi32>
      %max3A_709 = arith.constant 0 : i32
      %max3A_710 = vector.broadcast %max3A_709 : i32 to vector<16xi32>
      %max3A_711 = arith.maxsi %add3A_708, %max3A_710 : vector<16xi32>
      %min3A_712 = arith.constant 511 : i32
      %min3A_713 = vector.broadcast %min3A_712 : i32 to vector<16xi32>
      %min3A_714 = arith.minsi %max3A_711, %min3A_713 : vector<16xi32>
      %add3A_715 = arith.addi %add3A_625, %min3A_714 : vector<16xi32>
      %add3A_716 = arith.constant 592 : i32
      %add3A_717 = arith.addi %mul3A_29, %add3A_716 : i32
      %swap3A_718 = arith.index_cast %add3A_717 : i32 to index
      %swap3A_719 = tpu.vector_load %arg11[%swap3A_718] {strides = array<i32>} : memref<4096xi32, #tpu.memory_space<vmem>>, vector<16xi32>,
      %swap3A_720 = vector.shape_cast %swap3A_719 : vector<16xi32> to vector<16xi32>
      %swap3A_721 = vector.shape_cast %add3A_715 : vector<16xi32> to vector<16xi32>
      tpu.vector_store %arg11[%swap3A_718], %swap3A_721 {strides = array<i32>} : memref<4096xi32, #tpu.memory_space<vmem>>, vector<16xi32>,
      %add3A_722 = arith.constant 3 : i32
      %add3A_723 = vector.broadcast %add3A_722 : i32 to vector<16xi32>
      %add3A_724 = arith.addi %convert_element_type3A, %add3A_723 : vector<16xi32>
      %max3A_725 = arith.constant 0 : i32
      %max3A_726 = vector.broadcast %max3A_725 : i32 to vector<16xi32>
      %max3A_727 = arith.maxsi %add3A_724, %max3A_726 : vector<16xi32>
      %min3A_728 = arith.constant 511 : i32
      %min3A_729 = vector.broadcast %min3A_728 : i32 to vector<16xi32>
      %min3A_730 = arith.minsi %max3A_727, %min3A_729 : vector<16xi32>
      %add3A_731 = arith.addi %add3A_625, %min3A_730 : vector<16xi32>
      %add3A_732 = arith.constant 608 : i32
      %add3A_733 = arith.addi %mul3A_29, %add3A_732 : i32
      %swap3A_734 = arith.index_cast %add3A_733 : i32 to index
      %swap3A_735 = tpu.vector_load %arg11[%swap3A_734] {strides = array<i32>} : memref<4096xi32, #tpu.memory_space<vmem>>, vector<16xi32>,
      %swap3A_736 = vector.shape_cast %swap3A_735 : vector<16xi32> to vector<16xi32>
      %swap3A_737 = vector.shape_cast %add3A_731 : vector<16xi32> to vector<16xi32>
      tpu.vector_store %arg11[%swap3A_734], %swap3A_737 {strides = array<i32>} : memref<4096xi32, #tpu.memory_space<vmem>>, vector<16xi32>,
      %add3A_738 = arith.constant 4 : i32
      %add3A_739 = vector.broadcast %add3A_738 : i32 to vector<16xi32>
      %add3A_740 = arith.addi %convert_element_type3A, %add3A_739 : vector<16xi32>
      %max3A_741 = arith.constant 0 : i32
      %max3A_742 = vector.broadcast %max3A_741 : i32 to vector<16xi32>
      %max3A_743 = arith.maxsi %add3A_740, %max3A_742 : vector<16xi32>
      %min3A_744 = arith.constant 511 : i32
      %min3A_745 = vector.broadcast %min3A_744 : i32 to vector<16xi32>
      %min3A_746 = arith.minsi %max3A_743, %min3A_745 : vector<16xi32>
      %add3A_747 = arith.addi %add3A_625, %min3A_746 : vector<16xi32>
      %add3A_748 = arith.constant 624 : i32
      %add3A_749 = arith.addi %mul3A_29, %add3A_748 : i32
      %swap3A_750 = arith.index_cast %add3A_749 : i32 to index
      %swap3A_751 = tpu.vector_load %arg11[%swap3A_750] {strides = array<i32>} : memref<4096xi32, #tpu.memory_space<vmem>>, vector<16xi32>,
      %swap3A_752 = vector.shape_cast %swap3A_751 : vector<16xi32> to vector<16xi32>
      %swap3A_753 = vector.shape_cast %add3A_747 : vector<16xi32> to vector<16xi32>
      tpu.vector_store %arg11[%swap3A_750], %swap3A_753 {strides = array<i32>} : memref<4096xi32, #tpu.memory_space<vmem>>, vector<16xi32>,
      %add3A_754 = arith.constant 2 : i32
      %add3A_755 = vector.broadcast %add3A_754 : i32 to vector<16xi32>
      %add3A_756 = arith.addi %sub3A, %add3A_755 : vector<16xi32>
      %max3A_757 = arith.constant 0 : i32
      %max3A_758 = vector.broadcast %max3A_757 : i32 to vector<16xi32>
      %max3A_759 = arith.maxsi %add3A_756, %max3A_758 : vector<16xi32>
      %min3A_760 = arith.constant 511 : i32
      %min3A_761 = vector.broadcast %min3A_760 : i32 to vector<16xi32>
      %min3A_762 = arith.minsi %max3A_759, %min3A_761 : vector<16xi32>
      %shift_left3A_763 = arith.constant 9 : i32
      %shift_left3A_764 = vector.broadcast %shift_left3A_763 : i32 to vector<16xi32>
      %shift_left3A_765 = arith.shli %min3A_762, %shift_left3A_764 : vector<16xi32>
      %add3A_766 = arith.addi %shift_left3A_44, %shift_left3A_765 : vector<16xi32>
      %add3A_767 = arith.constant -3 : i32
      %add3A_768 = vector.broadcast %add3A_767 : i32 to vector<16xi32>
      %add3A_769 = arith.addi %convert_element_type3A, %add3A_768 : vector<16xi32>
      %max3A_770 = arith.constant 0 : i32
      %max3A_771 = vector.broadcast %max3A_770 : i32 to vector<16xi32>
      %max3A_772 = arith.maxsi %add3A_769, %max3A_771 : vector<16xi32>
      %min3A_773 = arith.constant 511 : i32
      %min3A_774 = vector.broadcast %min3A_773 : i32 to vector<16xi32>
      %min3A_775 = arith.minsi %max3A_772, %min3A_774 : vector<16xi32>
      %add3A_776 = arith.addi %add3A_766, %min3A_775 : vector<16xi32>
      %add3A_777 = arith.constant 640 : i32
      %add3A_778 = arith.addi %mul3A_29, %add3A_777 : i32
      %swap3A_779 = arith.index_cast %add3A_778 : i32 to index
      %swap3A_780 = tpu.vector_load %arg11[%swap3A_779] {strides = array<i32>} : memref<4096xi32, #tpu.memory_space<vmem>>, vector<16xi32>,
      %swap3A_781 = vector.shape_cast %swap3A_780 : vector<16xi32> to vector<16xi32>
      %swap3A_782 = vector.shape_cast %add3A_776 : vector<16xi32> to vector<16xi32>
      tpu.vector_store %arg11[%swap3A_779], %swap3A_782 {strides = array<i32>} : memref<4096xi32, #tpu.memory_space<vmem>>, vector<16xi32>,
      %add3A_783 = arith.constant -2 : i32
      %add3A_784 = vector.broadcast %add3A_783 : i32 to vector<16xi32>
      %add3A_785 = arith.addi %convert_element_type3A, %add3A_784 : vector<16xi32>
      %max3A_786 = arith.constant 0 : i32
      %max3A_787 = vector.broadcast %max3A_786 : i32 to vector<16xi32>
      %max3A_788 = arith.maxsi %add3A_785, %max3A_787 : vector<16xi32>
      %min3A_789 = arith.constant 511 : i32
      %min3A_790 = vector.broadcast %min3A_789 : i32 to vector<16xi32>
      %min3A_791 = arith.minsi %max3A_788, %min3A_790 : vector<16xi32>
      %add3A_792 = arith.addi %add3A_766, %min3A_791 : vector<16xi32>
      %add3A_793 = arith.constant 656 : i32
      %add3A_794 = arith.addi %mul3A_29, %add3A_793 : i32
      %swap3A_795 = arith.index_cast %add3A_794 : i32 to index
      %swap3A_796 = tpu.vector_load %arg11[%swap3A_795] {strides = array<i32>} : memref<4096xi32, #tpu.memory_space<vmem>>, vector<16xi32>,
      %swap3A_797 = vector.shape_cast %swap3A_796 : vector<16xi32> to vector<16xi32>
      %swap3A_798 = vector.shape_cast %add3A_792 : vector<16xi32> to vector<16xi32>
      tpu.vector_store %arg11[%swap3A_795], %swap3A_798 {strides = array<i32>} : memref<4096xi32, #tpu.memory_space<vmem>>, vector<16xi32>,
      %add3A_799 = arith.constant -1 : i32
      %add3A_800 = vector.broadcast %add3A_799 : i32 to vector<16xi32>
      %add3A_801 = arith.addi %convert_element_type3A, %add3A_800 : vector<16xi32>
      %max3A_802 = arith.constant 0 : i32
      %max3A_803 = vector.broadcast %max3A_802 : i32 to vector<16xi32>
      %max3A_804 = arith.maxsi %add3A_801, %max3A_803 : vector<16xi32>
      %min3A_805 = arith.constant 511 : i32
      %min3A_806 = vector.broadcast %min3A_805 : i32 to vector<16xi32>
      %min3A_807 = arith.minsi %max3A_804, %min3A_806 : vector<16xi32>
      %add3A_808 = arith.addi %add3A_766, %min3A_807 : vector<16xi32>
      %add3A_809 = arith.constant 672 : i32
      %add3A_810 = arith.addi %mul3A_29, %add3A_809 : i32
      %swap3A_811 = arith.index_cast %add3A_810 : i32 to index
      %swap3A_812 = tpu.vector_load %arg11[%swap3A_811] {strides = array<i32>} : memref<4096xi32, #tpu.memory_space<vmem>>, vector<16xi32>,
      %swap3A_813 = vector.shape_cast %swap3A_812 : vector<16xi32> to vector<16xi32>
      %swap3A_814 = vector.shape_cast %add3A_808 : vector<16xi32> to vector<16xi32>
      tpu.vector_store %arg11[%swap3A_811], %swap3A_814 {strides = array<i32>} : memref<4096xi32, #tpu.memory_space<vmem>>, vector<16xi32>,
      %add3A_815 = arith.constant 0 : i32
      %add3A_816 = vector.broadcast %add3A_815 : i32 to vector<16xi32>
      %add3A_817 = arith.addi %convert_element_type3A, %add3A_816 : vector<16xi32>
      %max3A_818 = arith.constant 0 : i32
      %max3A_819 = vector.broadcast %max3A_818 : i32 to vector<16xi32>
      %max3A_820 = arith.maxsi %add3A_817, %max3A_819 : vector<16xi32>
      %min3A_821 = arith.constant 511 : i32
      %min3A_822 = vector.broadcast %min3A_821 : i32 to vector<16xi32>
      %min3A_823 = arith.minsi %max3A_820, %min3A_822 : vector<16xi32>
      %add3A_824 = arith.addi %add3A_766, %min3A_823 : vector<16xi32>
      %add3A_825 = arith.constant 688 : i32
      %add3A_826 = arith.addi %mul3A_29, %add3A_825 : i32
      %swap3A_827 = arith.index_cast %add3A_826 : i32 to index
      %swap3A_828 = tpu.vector_load %arg11[%swap3A_827] {strides = array<i32>} : memref<4096xi32, #tpu.memory_space<vmem>>, vector<16xi32>,
      %swap3A_829 = vector.shape_cast %swap3A_828 : vector<16xi32> to vector<16xi32>
      %swap3A_830 = vector.shape_cast %add3A_824 : vector<16xi32> to vector<16xi32>
      tpu.vector_store %arg11[%swap3A_827], %swap3A_830 {strides = array<i32>} : memref<4096xi32, #tpu.memory_space<vmem>>, vector<16xi32>,
      %add3A_831 = arith.constant 1 : i32
      %add3A_832 = vector.broadcast %add3A_831 : i32 to vector<16xi32>
      %add3A_833 = arith.addi %convert_element_type3A, %add3A_832 : vector<16xi32>
      %max3A_834 = arith.constant 0 : i32
      %max3A_835 = vector.broadcast %max3A_834 : i32 to vector<16xi32>
      %max3A_836 = arith.maxsi %add3A_833, %max3A_835 : vector<16xi32>
      %min3A_837 = arith.constant 511 : i32
      %min3A_838 = vector.broadcast %min3A_837 : i32 to vector<16xi32>
      %min3A_839 = arith.minsi %max3A_836, %min3A_838 : vector<16xi32>
      %add3A_840 = arith.addi %add3A_766, %min3A_839 : vector<16xi32>
      %add3A_841 = arith.constant 704 : i32
      %add3A_842 = arith.addi %mul3A_29, %add3A_841 : i32
      %swap3A_843 = arith.index_cast %add3A_842 : i32 to index
      %swap3A_844 = tpu.vector_load %arg11[%swap3A_843] {strides = array<i32>} : memref<4096xi32, #tpu.memory_space<vmem>>, vector<16xi32>,
      %swap3A_845 = vector.shape_cast %swap3A_844 : vector<16xi32> to vector<16xi32>
      %swap3A_846 = vector.shape_cast %add3A_840 : vector<16xi32> to vector<16xi32>
      tpu.vector_store %arg11[%swap3A_843], %swap3A_846 {strides = array<i32>} : memref<4096xi32, #tpu.memory_space<vmem>>, vector<16xi32>,
      %add3A_847 = arith.constant 2 : i32
      %add3A_848 = vector.broadcast %add3A_847 : i32 to vector<16xi32>
      %add3A_849 = arith.addi %convert_element_type3A, %add3A_848 : vector<16xi32>
      %max3A_850 = arith.constant 0 : i32
      %max3A_851 = vector.broadcast %max3A_850 : i32 to vector<16xi32>
      %max3A_852 = arith.maxsi %add3A_849, %max3A_851 : vector<16xi32>
      %min3A_853 = arith.constant 511 : i32
      %min3A_854 = vector.broadcast %min3A_853 : i32 to vector<16xi32>
      %min3A_855 = arith.minsi %max3A_852, %min3A_854 : vector<16xi32>
      %add3A_856 = arith.addi %add3A_766, %min3A_855 : vector<16xi32>
      %add3A_857 = arith.constant 720 : i32
      %add3A_858 = arith.addi %mul3A_29, %add3A_857 : i32
      %swap3A_859 = arith.index_cast %add3A_858 : i32 to index
      %swap3A_860 = tpu.vector_load %arg11[%swap3A_859] {strides = array<i32>} : memref<4096xi32, #tpu.memory_space<vmem>>, vector<16xi32>,
      %swap3A_861 = vector.shape_cast %swap3A_860 : vector<16xi32> to vector<16xi32>
      %swap3A_862 = vector.shape_cast %add3A_856 : vector<16xi32> to vector<16xi32>
      tpu.vector_store %arg11[%swap3A_859], %swap3A_862 {strides = array<i32>} : memref<4096xi32, #tpu.memory_space<vmem>>, vector<16xi32>,
      %add3A_863 = arith.constant 3 : i32
      %add3A_864 = vector.broadcast %add3A_863 : i32 to vector<16xi32>
      %add3A_865 = arith.addi %convert_element_type3A, %add3A_864 : vector<16xi32>
      %max3A_866 = arith.constant 0 : i32
      %max3A_867 = vector.broadcast %max3A_866 : i32 to vector<16xi32>
      %max3A_868 = arith.maxsi %add3A_865, %max3A_867 : vector<16xi32>
      %min3A_869 = arith.constant 511 : i32
      %min3A_870 = vector.broadcast %min3A_869 : i32 to vector<16xi32>
      %min3A_871 = arith.minsi %max3A_868, %min3A_870 : vector<16xi32>
      %add3A_872 = arith.addi %add3A_766, %min3A_871 : vector<16xi32>
      %add3A_873 = arith.constant 736 : i32
      %add3A_874 = arith.addi %mul3A_29, %add3A_873 : i32
      %swap3A_875 = arith.index_cast %add3A_874 : i32 to index
      %swap3A_876 = tpu.vector_load %arg11[%swap3A_875] {strides = array<i32>} : memref<4096xi32, #tpu.memory_space<vmem>>, vector<16xi32>,
      %swap3A_877 = vector.shape_cast %swap3A_876 : vector<16xi32> to vector<16xi32>
      %swap3A_878 = vector.shape_cast %add3A_872 : vector<16xi32> to vector<16xi32>
      tpu.vector_store %arg11[%swap3A_875], %swap3A_878 {strides = array<i32>} : memref<4096xi32, #tpu.memory_space<vmem>>, vector<16xi32>,
      %add3A_879 = arith.constant 4 : i32
      %add3A_880 = vector.broadcast %add3A_879 : i32 to vector<16xi32>
      %add3A_881 = arith.addi %convert_element_type3A, %add3A_880 : vector<16xi32>
      %max3A_882 = arith.constant 0 : i32
      %max3A_883 = vector.broadcast %max3A_882 : i32 to vector<16xi32>
      %max3A_884 = arith.maxsi %add3A_881, %max3A_883 : vector<16xi32>
      %min3A_885 = arith.constant 511 : i32
      %min3A_886 = vector.broadcast %min3A_885 : i32 to vector<16xi32>
      %min3A_887 = arith.minsi %max3A_884, %min3A_886 : vector<16xi32>
      %add3A_888 = arith.addi %add3A_766, %min3A_887 : vector<16xi32>
      %add3A_889 = arith.constant 752 : i32
      %add3A_890 = arith.addi %mul3A_29, %add3A_889 : i32
      %swap3A_891 = arith.index_cast %add3A_890 : i32 to index
      %swap3A_892 = tpu.vector_load %arg11[%swap3A_891] {strides = array<i32>} : memref<4096xi32, #tpu.memory_space<vmem>>, vector<16xi32>,
      %swap3A_893 = vector.shape_cast %swap3A_892 : vector<16xi32> to vector<16xi32>
      %swap3A_894 = vector.shape_cast %add3A_888 : vector<16xi32> to vector<16xi32>
      tpu.vector_store %arg11[%swap3A_891], %swap3A_894 {strides = array<i32>} : memref<4096xi32, #tpu.memory_space<vmem>>, vector<16xi32>,
      %add3A_895 = arith.constant 3 : i32
      %add3A_896 = vector.broadcast %add3A_895 : i32 to vector<16xi32>
      %add3A_897 = arith.addi %sub3A, %add3A_896 : vector<16xi32>
      %max3A_898 = arith.constant 0 : i32
      %max3A_899 = vector.broadcast %max3A_898 : i32 to vector<16xi32>
      %max3A_900 = arith.maxsi %add3A_897, %max3A_899 : vector<16xi32>
      %min3A_901 = arith.constant 511 : i32
      %min3A_902 = vector.broadcast %min3A_901 : i32 to vector<16xi32>
      %min3A_903 = arith.minsi %max3A_900, %min3A_902 : vector<16xi32>
      %shift_left3A_904 = arith.constant 9 : i32
      %shift_left3A_905 = vector.broadcast %shift_left3A_904 : i32 to vector<16xi32>
      %shift_left3A_906 = arith.shli %min3A_903, %shift_left3A_905 : vector<16xi32>
      %add3A_907 = arith.addi %shift_left3A_44, %shift_left3A_906 : vector<16xi32>
      %add3A_908 = arith.constant -3 : i32
      %add3A_909 = vector.broadcast %add3A_908 : i32 to vector<16xi32>
      %add3A_910 = arith.addi %convert_element_type3A, %add3A_909 : vector<16xi32>
      %max3A_911 = arith.constant 0 : i32
      %max3A_912 = vector.broadcast %max3A_911 : i32 to vector<16xi32>
      %max3A_913 = arith.maxsi %add3A_910, %max3A_912 : vector<16xi32>
      %min3A_914 = arith.constant 511 : i32
      %min3A_915 = vector.broadcast %min3A_914 : i32 to vector<16xi32>
      %min3A_916 = arith.minsi %max3A_913, %min3A_915 : vector<16xi32>
      %add3A_917 = arith.addi %add3A_907, %min3A_916 : vector<16xi32>
      %add3A_918 = arith.constant 768 : i32
      %add3A_919 = arith.addi %mul3A_29, %add3A_918 : i32
      %swap3A_920 = arith.index_cast %add3A_919 : i32 to index
      %swap3A_921 = tpu.vector_load %arg11[%swap3A_920] {strides = array<i32>} : memref<4096xi32, #tpu.memory_space<vmem>>, vector<16xi32>,
      %swap3A_922 = vector.shape_cast %swap3A_921 : vector<16xi32> to vector<16xi32>
      %swap3A_923 = vector.shape_cast %add3A_917 : vector<16xi32> to vector<16xi32>
      tpu.vector_store %arg11[%swap3A_920], %swap3A_923 {strides = array<i32>} : memref<4096xi32, #tpu.memory_space<vmem>>, vector<16xi32>,
      %add3A_924 = arith.constant -2 : i32
      %add3A_925 = vector.broadcast %add3A_924 : i32 to vector<16xi32>
      %add3A_926 = arith.addi %convert_element_type3A, %add3A_925 : vector<16xi32>
      %max3A_927 = arith.constant 0 : i32
      %max3A_928 = vector.broadcast %max3A_927 : i32 to vector<16xi32>
      %max3A_929 = arith.maxsi %add3A_926, %max3A_928 : vector<16xi32>
      %min3A_930 = arith.constant 511 : i32
      %min3A_931 = vector.broadcast %min3A_930 : i32 to vector<16xi32>
      %min3A_932 = arith.minsi %max3A_929, %min3A_931 : vector<16xi32>
      %add3A_933 = arith.addi %add3A_907, %min3A_932 : vector<16xi32>
      %add3A_934 = arith.constant 784 : i32
      %add3A_935 = arith.addi %mul3A_29, %add3A_934 : i32
      %swap3A_936 = arith.index_cast %add3A_935 : i32 to index
      %swap3A_937 = tpu.vector_load %arg11[%swap3A_936] {strides = array<i32>} : memref<4096xi32, #tpu.memory_space<vmem>>, vector<16xi32>,
      %swap3A_938 = vector.shape_cast %swap3A_937 : vector<16xi32> to vector<16xi32>
      %swap3A_939 = vector.shape_cast %add3A_933 : vector<16xi32> to vector<16xi32>
      tpu.vector_store %arg11[%swap3A_936], %swap3A_939 {strides = array<i32>} : memref<4096xi32, #tpu.memory_space<vmem>>, vector<16xi32>,
      %add3A_940 = arith.constant -1 : i32
      %add3A_941 = vector.broadcast %add3A_940 : i32 to vector<16xi32>
      %add3A_942 = arith.addi %convert_element_type3A, %add3A_941 : vector<16xi32>
      %max3A_943 = arith.constant 0 : i32
      %max3A_944 = vector.broadcast %max3A_943 : i32 to vector<16xi32>
      %max3A_945 = arith.maxsi %add3A_942, %max3A_944 : vector<16xi32>
      %min3A_946 = arith.constant 511 : i32
      %min3A_947 = vector.broadcast %min3A_946 : i32 to vector<16xi32>
      %min3A_948 = arith.minsi %max3A_945, %min3A_947 : vector<16xi32>
      %add3A_949 = arith.addi %add3A_907, %min3A_948 : vector<16xi32>
      %add3A_950 = arith.constant 800 : i32
      %add3A_951 = arith.addi %mul3A_29, %add3A_950 : i32
      %swap3A_952 = arith.index_cast %add3A_951 : i32 to index
      %swap3A_953 = tpu.vector_load %arg11[%swap3A_952] {strides = array<i32>} : memref<4096xi32, #tpu.memory_space<vmem>>, vector<16xi32>,
      %swap3A_954 = vector.shape_cast %swap3A_953 : vector<16xi32> to vector<16xi32>
      %swap3A_955 = vector.shape_cast %add3A_949 : vector<16xi32> to vector<16xi32>
      tpu.vector_store %arg11[%swap3A_952], %swap3A_955 {strides = array<i32>} : memref<4096xi32, #tpu.memory_space<vmem>>, vector<16xi32>,
      %add3A_956 = arith.constant 0 : i32
      %add3A_957 = vector.broadcast %add3A_956 : i32 to vector<16xi32>
      %add3A_958 = arith.addi %convert_element_type3A, %add3A_957 : vector<16xi32>
      %max3A_959 = arith.constant 0 : i32
      %max3A_960 = vector.broadcast %max3A_959 : i32 to vector<16xi32>
      %max3A_961 = arith.maxsi %add3A_958, %max3A_960 : vector<16xi32>
      %min3A_962 = arith.constant 511 : i32
      %min3A_963 = vector.broadcast %min3A_962 : i32 to vector<16xi32>
      %min3A_964 = arith.minsi %max3A_961, %min3A_963 : vector<16xi32>
      %add3A_965 = arith.addi %add3A_907, %min3A_964 : vector<16xi32>
      %add3A_966 = arith.constant 816 : i32
      %add3A_967 = arith.addi %mul3A_29, %add3A_966 : i32
      %swap3A_968 = arith.index_cast %add3A_967 : i32 to index
      %swap3A_969 = tpu.vector_load %arg11[%swap3A_968] {strides = array<i32>} : memref<4096xi32, #tpu.memory_space<vmem>>, vector<16xi32>,
      %swap3A_970 = vector.shape_cast %swap3A_969 : vector<16xi32> to vector<16xi32>
      %swap3A_971 = vector.shape_cast %add3A_965 : vector<16xi32> to vector<16xi32>
      tpu.vector_store %arg11[%swap3A_968], %swap3A_971 {strides = array<i32>} : memref<4096xi32, #tpu.memory_space<vmem>>, vector<16xi32>,
      %add3A_972 = arith.constant 1 : i32
      %add3A_973 = vector.broadcast %add3A_972 : i32 to vector<16xi32>
      %add3A_974 = arith.addi %convert_element_type3A, %add3A_973 : vector<16xi32>
      %max3A_975 = arith.constant 0 : i32
      %max3A_976 = vector.broadcast %max3A_975 : i32 to vector<16xi32>
      %max3A_977 = arith.maxsi %add3A_974, %max3A_976 : vector<16xi32>
      %min3A_978 = arith.constant 511 : i32
      %min3A_979 = vector.broadcast %min3A_978 : i32 to vector<16xi32>
      %min3A_980 = arith.minsi %max3A_977, %min3A_979 : vector<16xi32>
      %add3A_981 = arith.addi %add3A_907, %min3A_980 : vector<16xi32>
      %add3A_982 = arith.constant 832 : i32
      %add3A_983 = arith.addi %mul3A_29, %add3A_982 : i32
      %swap3A_984 = arith.index_cast %add3A_983 : i32 to index
      %swap3A_985 = tpu.vector_load %arg11[%swap3A_984] {strides = array<i32>} : memref<4096xi32, #tpu.memory_space<vmem>>, vector<16xi32>,
      %swap3A_986 = vector.shape_cast %swap3A_985 : vector<16xi32> to vector<16xi32>
      %swap3A_987 = vector.shape_cast %add3A_981 : vector<16xi32> to vector<16xi32>
      tpu.vector_store %arg11[%swap3A_984], %swap3A_987 {strides = array<i32>} : memref<4096xi32, #tpu.memory_space<vmem>>, vector<16xi32>,
      %add3A_988 = arith.constant 2 : i32
      %add3A_989 = vector.broadcast %add3A_988 : i32 to vector<16xi32>
      %add3A_990 = arith.addi %convert_element_type3A, %add3A_989 : vector<16xi32>
      %max3A_991 = arith.constant 0 : i32
      %max3A_992 = vector.broadcast %max3A_991 : i32 to vector<16xi32>
      %max3A_993 = arith.maxsi %add3A_990, %max3A_992 : vector<16xi32>
      %min3A_994 = arith.constant 511 : i32
      %min3A_995 = vector.broadcast %min3A_994 : i32 to vector<16xi32>
      %min3A_996 = arith.minsi %max3A_993, %min3A_995 : vector<16xi32>
      %add3A_997 = arith.addi %add3A_907, %min3A_996 : vector<16xi32>
      %add3A_998 = arith.constant 848 : i32
      %add3A_999 = arith.addi %mul3A_29, %add3A_998 : i32
      %swap3A_1000 = arith.index_cast %add3A_999 : i32 to index
      %swap3A_1001 = tpu.vector_load %arg11[%swap3A_1000] {strides = array<i32>} : memref<4096xi32, #tpu.memory_space<vmem>>, vector<16xi32>,
      %swap3A_1002 = vector.shape_cast %swap3A_1001 : vector<16xi32> to vector<16xi32>
      %swap3A_1003 = vector.shape_cast %add3A_997 : vector<16xi32> to vector<16xi32>
      tpu.vector_store %arg11[%swap3A_1000], %swap3A_1003 {strides = array<i32>} : memref<4096xi32, #tpu.memory_space<vmem>>, vector<16xi32>,
      %add3A_1004 = arith.constant 3 : i32
      %add3A_1005 = vector.broadcast %add3A_1004 : i32 to vector<16xi32>
      %add3A_1006 = arith.addi %convert_element_type3A, %add3A_1005 : vector<16xi32>
      %max3A_1007 = arith.constant 0 : i32
      %max3A_1008 = vector.broadcast %max3A_1007 : i32 to vector<16xi32>
      %max3A_1009 = arith.maxsi %add3A_1006, %max3A_1008 : vector<16xi32>
      %min3A_1010 = arith.constant 511 : i32
      %min3A_1011 = vector.broadcast %min3A_1010 : i32 to vector<16xi32>
      %min3A_1012 = arith.minsi %max3A_1009, %min3A_1011 : vector<16xi32>
      %add3A_1013 = arith.addi %add3A_907, %min3A_1012 : vector<16xi32>
      %add3A_1014 = arith.constant 864 : i32
      %add3A_1015 = arith.addi %mul3A_29, %add3A_1014 : i32
      %swap3A_1016 = arith.index_cast %add3A_1015 : i32 to index
      %swap3A_1017 = tpu.vector_load %arg11[%swap3A_1016] {strides = array<i32>} : memref<4096xi32, #tpu.memory_space<vmem>>, vector<16xi32>,
      %swap3A_1018 = vector.shape_cast %swap3A_1017 : vector<16xi32> to vector<16xi32>
      %swap3A_1019 = vector.shape_cast %add3A_1013 : vector<16xi32> to vector<16xi32>
      tpu.vector_store %arg11[%swap3A_1016], %swap3A_1019 {strides = array<i32>} : memref<4096xi32, #tpu.memory_space<vmem>>, vector<16xi32>,
      %add3A_1020 = arith.constant 4 : i32
      %add3A_1021 = vector.broadcast %add3A_1020 : i32 to vector<16xi32>
      %add3A_1022 = arith.addi %convert_element_type3A, %add3A_1021 : vector<16xi32>
      %max3A_1023 = arith.constant 0 : i32
      %max3A_1024 = vector.broadcast %max3A_1023 : i32 to vector<16xi32>
      %max3A_1025 = arith.maxsi %add3A_1022, %max3A_1024 : vector<16xi32>
      %min3A_1026 = arith.constant 511 : i32
      %min3A_1027 = vector.broadcast %min3A_1026 : i32 to vector<16xi32>
      %min3A_1028 = arith.minsi %max3A_1025, %min3A_1027 : vector<16xi32>
      %add3A_1029 = arith.addi %add3A_907, %min3A_1028 : vector<16xi32>
      %add3A_1030 = arith.constant 880 : i32
      %add3A_1031 = arith.addi %mul3A_29, %add3A_1030 : i32
      %swap3A_1032 = arith.index_cast %add3A_1031 : i32 to index
      %swap3A_1033 = tpu.vector_load %arg11[%swap3A_1032] {strides = array<i32>} : memref<4096xi32, #tpu.memory_space<vmem>>, vector<16xi32>,
      %swap3A_1034 = vector.shape_cast %swap3A_1033 : vector<16xi32> to vector<16xi32>
      %swap3A_1035 = vector.shape_cast %add3A_1029 : vector<16xi32> to vector<16xi32>
      tpu.vector_store %arg11[%swap3A_1032], %swap3A_1035 {strides = array<i32>} : memref<4096xi32, #tpu.memory_space<vmem>>, vector<16xi32>,
      %add3A_1036 = arith.constant 4 : i32
      %add3A_1037 = vector.broadcast %add3A_1036 : i32 to vector<16xi32>
      %add3A_1038 = arith.addi %sub3A, %add3A_1037 : vector<16xi32>
      %max3A_1039 = arith.constant 0 : i32
      %max3A_1040 = vector.broadcast %max3A_1039 : i32 to vector<16xi32>
      %max3A_1041 = arith.maxsi %add3A_1038, %max3A_1040 : vector<16xi32>
      %min3A_1042 = arith.constant 511 : i32
      %min3A_1043 = vector.broadcast %min3A_1042 : i32 to vector<16xi32>
      %min3A_1044 = arith.minsi %max3A_1041, %min3A_1043 : vector<16xi32>
      %shift_left3A_1045 = arith.constant 9 : i32
      %shift_left3A_1046 = vector.broadcast %shift_left3A_1045 : i32 to vector<16xi32>
      %shift_left3A_1047 = arith.shli %min3A_1044, %shift_left3A_1046 : vector<16xi32>
      %add3A_1048 = arith.addi %shift_left3A_44, %shift_left3A_1047 : vector<16xi32>
      %add3A_1049 = arith.constant -3 : i32
      %add3A_1050 = vector.broadcast %add3A_1049 : i32 to vector<16xi32>
      %add3A_1051 = arith.addi %convert_element_type3A, %add3A_1050 : vector<16xi32>
      %max3A_1052 = arith.constant 0 : i32
      %max3A_1053 = vector.broadcast %max3A_1052 : i32 to vector<16xi32>
      %max3A_1054 = arith.maxsi %add3A_1051, %max3A_1053 : vector<16xi32>
      %min3A_1055 = arith.constant 511 : i32
      %min3A_1056 = vector.broadcast %min3A_1055 : i32 to vector<16xi32>
      %min3A_1057 = arith.minsi %max3A_1054, %min3A_1056 : vector<16xi32>
      %add3A_1058 = arith.addi %add3A_1048, %min3A_1057 : vector<16xi32>
      %add3A_1059 = arith.constant 896 : i32
      %add3A_1060 = arith.addi %mul3A_29, %add3A_1059 : i32
      %swap3A_1061 = arith.index_cast %add3A_1060 : i32 to index
      %swap3A_1062 = tpu.vector_load %arg11[%swap3A_1061] {strides = array<i32>} : memref<4096xi32, #tpu.memory_space<vmem>>, vector<16xi32>,
      %swap3A_1063 = vector.shape_cast %swap3A_1062 : vector<16xi32> to vector<16xi32>
      %swap3A_1064 = vector.shape_cast %add3A_1058 : vector<16xi32> to vector<16xi32>
      tpu.vector_store %arg11[%swap3A_1061], %swap3A_1064 {strides = array<i32>} : memref<4096xi32, #tpu.memory_space<vmem>>, vector<16xi32>,
      %add3A_1065 = arith.constant -2 : i32
      %add3A_1066 = vector.broadcast %add3A_1065 : i32 to vector<16xi32>
      %add3A_1067 = arith.addi %convert_element_type3A, %add3A_1066 : vector<16xi32>
      %max3A_1068 = arith.constant 0 : i32
      %max3A_1069 = vector.broadcast %max3A_1068 : i32 to vector<16xi32>
      %max3A_1070 = arith.maxsi %add3A_1067, %max3A_1069 : vector<16xi32>
      %min3A_1071 = arith.constant 511 : i32
      %min3A_1072 = vector.broadcast %min3A_1071 : i32 to vector<16xi32>
      %min3A_1073 = arith.minsi %max3A_1070, %min3A_1072 : vector<16xi32>
      %add3A_1074 = arith.addi %add3A_1048, %min3A_1073 : vector<16xi32>
      %add3A_1075 = arith.constant 912 : i32
      %add3A_1076 = arith.addi %mul3A_29, %add3A_1075 : i32
      %swap3A_1077 = arith.index_cast %add3A_1076 : i32 to index
      %swap3A_1078 = tpu.vector_load %arg11[%swap3A_1077] {strides = array<i32>} : memref<4096xi32, #tpu.memory_space<vmem>>, vector<16xi32>,
      %swap3A_1079 = vector.shape_cast %swap3A_1078 : vector<16xi32> to vector<16xi32>
      %swap3A_1080 = vector.shape_cast %add3A_1074 : vector<16xi32> to vector<16xi32>
      tpu.vector_store %arg11[%swap3A_1077], %swap3A_1080 {strides = array<i32>} : memref<4096xi32, #tpu.memory_space<vmem>>, vector<16xi32>,
      %add3A_1081 = arith.constant -1 : i32
      %add3A_1082 = vector.broadcast %add3A_1081 : i32 to vector<16xi32>
      %add3A_1083 = arith.addi %convert_element_type3A, %add3A_1082 : vector<16xi32>
      %max3A_1084 = arith.constant 0 : i32
      %max3A_1085 = vector.broadcast %max3A_1084 : i32 to vector<16xi32>
      %max3A_1086 = arith.maxsi %add3A_1083, %max3A_1085 : vector<16xi32>
      %min3A_1087 = arith.constant 511 : i32
      %min3A_1088 = vector.broadcast %min3A_1087 : i32 to vector<16xi32>
      %min3A_1089 = arith.minsi %max3A_1086, %min3A_1088 : vector<16xi32>
      %add3A_1090 = arith.addi %add3A_1048, %min3A_1089 : vector<16xi32>
      %add3A_1091 = arith.constant 928 : i32
      %add3A_1092 = arith.addi %mul3A_29, %add3A_1091 : i32
      %swap3A_1093 = arith.index_cast %add3A_1092 : i32 to index
      %swap3A_1094 = tpu.vector_load %arg11[%swap3A_1093] {strides = array<i32>} : memref<4096xi32, #tpu.memory_space<vmem>>, vector<16xi32>,
      %swap3A_1095 = vector.shape_cast %swap3A_1094 : vector<16xi32> to vector<16xi32>
      %swap3A_1096 = vector.shape_cast %add3A_1090 : vector<16xi32> to vector<16xi32>
      tpu.vector_store %arg11[%swap3A_1093], %swap3A_1096 {strides = array<i32>} : memref<4096xi32, #tpu.memory_space<vmem>>, vector<16xi32>,
      %add3A_1097 = arith.constant 0 : i32
      %add3A_1098 = vector.broadcast %add3A_1097 : i32 to vector<16xi32>
      %add3A_1099 = arith.addi %convert_element_type3A, %add3A_1098 : vector<16xi32>
      %max3A_1100 = arith.constant 0 : i32
      %max3A_1101 = vector.broadcast %max3A_1100 : i32 to vector<16xi32>
      %max3A_1102 = arith.maxsi %add3A_1099, %max3A_1101 : vector<16xi32>
      %min3A_1103 = arith.constant 511 : i32
      %min3A_1104 = vector.broadcast %min3A_1103 : i32 to vector<16xi32>
      %min3A_1105 = arith.minsi %max3A_1102, %min3A_1104 : vector<16xi32>
      %add3A_1106 = arith.addi %add3A_1048, %min3A_1105 : vector<16xi32>
      %add3A_1107 = arith.constant 944 : i32
      %add3A_1108 = arith.addi %mul3A_29, %add3A_1107 : i32
      %swap3A_1109 = arith.index_cast %add3A_1108 : i32 to index
      %swap3A_1110 = tpu.vector_load %arg11[%swap3A_1109] {strides = array<i32>} : memref<4096xi32, #tpu.memory_space<vmem>>, vector<16xi32>,
      %swap3A_1111 = vector.shape_cast %swap3A_1110 : vector<16xi32> to vector<16xi32>
      %swap3A_1112 = vector.shape_cast %add3A_1106 : vector<16xi32> to vector<16xi32>
      tpu.vector_store %arg11[%swap3A_1109], %swap3A_1112 {strides = array<i32>} : memref<4096xi32, #tpu.memory_space<vmem>>, vector<16xi32>,
      %add3A_1113 = arith.constant 1 : i32
      %add3A_1114 = vector.broadcast %add3A_1113 : i32 to vector<16xi32>
      %add3A_1115 = arith.addi %convert_element_type3A, %add3A_1114 : vector<16xi32>
      %max3A_1116 = arith.constant 0 : i32
      %max3A_1117 = vector.broadcast %max3A_1116 : i32 to vector<16xi32>
      %max3A_1118 = arith.maxsi %add3A_1115, %max3A_1117 : vector<16xi32>
      %min3A_1119 = arith.constant 511 : i32
      %min3A_1120 = vector.broadcast %min3A_1119 : i32 to vector<16xi32>
      %min3A_1121 = arith.minsi %max3A_1118, %min3A_1120 : vector<16xi32>
      %add3A_1122 = arith.addi %add3A_1048, %min3A_1121 : vector<16xi32>
      %add3A_1123 = arith.constant 960 : i32
      %add3A_1124 = arith.addi %mul3A_29, %add3A_1123 : i32
      %swap3A_1125 = arith.index_cast %add3A_1124 : i32 to index
      %swap3A_1126 = tpu.vector_load %arg11[%swap3A_1125] {strides = array<i32>} : memref<4096xi32, #tpu.memory_space<vmem>>, vector<16xi32>,
      %swap3A_1127 = vector.shape_cast %swap3A_1126 : vector<16xi32> to vector<16xi32>
      %swap3A_1128 = vector.shape_cast %add3A_1122 : vector<16xi32> to vector<16xi32>
      tpu.vector_store %arg11[%swap3A_1125], %swap3A_1128 {strides = array<i32>} : memref<4096xi32, #tpu.memory_space<vmem>>, vector<16xi32>,
      %add3A_1129 = arith.constant 2 : i32
      %add3A_1130 = vector.broadcast %add3A_1129 : i32 to vector<16xi32>
      %add3A_1131 = arith.addi %convert_element_type3A, %add3A_1130 : vector<16xi32>
      %max3A_1132 = arith.constant 0 : i32
      %max3A_1133 = vector.broadcast %max3A_1132 : i32 to vector<16xi32>
      %max3A_1134 = arith.maxsi %add3A_1131, %max3A_1133 : vector<16xi32>
      %min3A_1135 = arith.constant 511 : i32
      %min3A_1136 = vector.broadcast %min3A_1135 : i32 to vector<16xi32>
      %min3A_1137 = arith.minsi %max3A_1134, %min3A_1136 : vector<16xi32>
      %add3A_1138 = arith.addi %add3A_1048, %min3A_1137 : vector<16xi32>
      %add3A_1139 = arith.constant 976 : i32
      %add3A_1140 = arith.addi %mul3A_29, %add3A_1139 : i32
      %swap3A_1141 = arith.index_cast %add3A_1140 : i32 to index
      %swap3A_1142 = tpu.vector_load %arg11[%swap3A_1141] {strides = array<i32>} : memref<4096xi32, #tpu.memory_space<vmem>>, vector<16xi32>,
      %swap3A_1143 = vector.shape_cast %swap3A_1142 : vector<16xi32> to vector<16xi32>
      %swap3A_1144 = vector.shape_cast %add3A_1138 : vector<16xi32> to vector<16xi32>
      tpu.vector_store %arg11[%swap3A_1141], %swap3A_1144 {strides = array<i32>} : memref<4096xi32, #tpu.memory_space<vmem>>, vector<16xi32>,
      %add3A_1145 = arith.constant 3 : i32
      %add3A_1146 = vector.broadcast %add3A_1145 : i32 to vector<16xi32>
      %add3A_1147 = arith.addi %convert_element_type3A, %add3A_1146 : vector<16xi32>
      %max3A_1148 = arith.constant 0 : i32
      %max3A_1149 = vector.broadcast %max3A_1148 : i32 to vector<16xi32>
      %max3A_1150 = arith.maxsi %add3A_1147, %max3A_1149 : vector<16xi32>
      %min3A_1151 = arith.constant 511 : i32
      %min3A_1152 = vector.broadcast %min3A_1151 : i32 to vector<16xi32>
      %min3A_1153 = arith.minsi %max3A_1150, %min3A_1152 : vector<16xi32>
      %add3A_1154 = arith.addi %add3A_1048, %min3A_1153 : vector<16xi32>
      %add3A_1155 = arith.constant 992 : i32
      %add3A_1156 = arith.addi %mul3A_29, %add3A_1155 : i32
      %swap3A_1157 = arith.index_cast %add3A_1156 : i32 to index
      %swap3A_1158 = tpu.vector_load %arg11[%swap3A_1157] {strides = array<i32>} : memref<4096xi32, #tpu.memory_space<vmem>>, vector<16xi32>,
      %swap3A_1159 = vector.shape_cast %swap3A_1158 : vector<16xi32> to vector<16xi32>
      %swap3A_1160 = vector.shape_cast %add3A_1154 : vector<16xi32> to vector<16xi32>
      tpu.vector_store %arg11[%swap3A_1157], %swap3A_1160 {strides = array<i32>} : memref<4096xi32, #tpu.memory_space<vmem>>, vector<16xi32>,
      %add3A_1161 = arith.constant 4 : i32
      %add3A_1162 = vector.broadcast %add3A_1161 : i32 to vector<16xi32>
      %add3A_1163 = arith.addi %convert_element_type3A, %add3A_1162 : vector<16xi32>
      %max3A_1164 = arith.constant 0 : i32
      %max3A_1165 = vector.broadcast %max3A_1164 : i32 to vector<16xi32>
      %max3A_1166 = arith.maxsi %add3A_1163, %max3A_1165 : vector<16xi32>
      %min3A_1167 = arith.constant 511 : i32
      %min3A_1168 = vector.broadcast %min3A_1167 : i32 to vector<16xi32>
      %min3A_1169 = arith.minsi %max3A_1166, %min3A_1168 : vector<16xi32>
      %add3A_1170 = arith.addi %add3A_1048, %min3A_1169 : vector<16xi32>
      %add3A_1171 = arith.constant 1008 : i32
      %add3A_1172 = arith.addi %mul3A_29, %add3A_1171 : i32
      %swap3A_1173 = arith.index_cast %add3A_1172 : i32 to index
      %swap3A_1174 = tpu.vector_load %arg11[%swap3A_1173] {strides = array<i32>} : memref<4096xi32, #tpu.memory_space<vmem>>, vector<16xi32>,
      %swap3A_1175 = vector.shape_cast %swap3A_1174 : vector<16xi32> to vector<16xi32>
      %swap3A_1176 = vector.shape_cast %add3A_1170 : vector<16xi32> to vector<16xi32>
      tpu.vector_store %arg11[%swap3A_1173], %swap3A_1176 {strides = array<i32>} : memref<4096xi32, #tpu.memory_space<vmem>>, vector<16xi32>,
      %jit3A_1177 = arith.constant 4 : i32
      %eq3A_1178 = arith.constant 0 : i32
      %eq3A_1179 = arith.cmpi eq, %jit3A_1177, %eq3A_1178 : i32
      %jit3A_1180 = arith.constant 1 : i32
      %select_n3A_1181 = arith.select %eq3A_1179, %jit3A_1180, %jit3A_1177 : i32
      %rem3A_1182 = arith.remsi %scan3A_16, %select_n3A_1181 : i32
      %ne3A_1183 = arith.constant 0 : i32
      %ne3A_1184 = arith.cmpi ne, %rem3A_1182, %ne3A_1183 : i32
      %lt3A_1185 = arith.constant 0 : i32
      %lt3A_1186 = arith.cmpi slt, %rem3A_1182, %lt3A_1185 : i32
      %lt3A_1187 = arith.constant 0 : i32
      %lt3A_1188 = arith.cmpi slt, %select_n3A_1181, %lt3A_1187 : i32
      %ne3A_1189 = arith.xori %lt3A_1186, %lt3A_1188 : i1
      %and3A_1190 = arith.andi %ne3A_1189, %ne3A_1184 : i1
      %add3A_1191 = arith.addi %rem3A_1182, %select_n3A_1181 : i32
      %select_n3A_1192 = arith.select %and3A_1190, %add3A_1191, %rem3A_1182 : i32
      %eq3A_1193 = arith.constant 3 : i32
      %eq3A_1194 = arith.cmpi eq, %select_n3A_1192, %eq3A_1193 : i32
      %convert_element_type3A_1195 = arith.extui %eq3A_1194 : i1 to i32
      %cond3A = arith.constant 0 : i32
      %cond3A_1196 = arith.cmpi ne, %convert_element_type3A_1195, %cond3A : i32
      scf.if %cond3A_1196 {
        %dma_start3A = arith.constant 0 : i32
        %dma_start3A_1197 = tpu.memref_slice %arg2[%dma_start3A] : memref<4194304xf32, #tpu.memory_space<hbm>> -> memref<4194304xf32, #tpu.memory_space<hbm>>
        tpu.enqueue_indirect_dma source(%dma_start3A_1197 : memref<4194304xf32, #tpu.memory_space<hbm>>) target(%arg12 : memref<4096xf32, #tpu.memory_space<vmem>>) offsets(%arg11 : memref<4096xi32, #tpu.memory_space<vmem>>) semaphore(%arg13 : memref<!tpu.dma_semaphore, #tpu.memory_space<semaphore_mem>>)
        %dma_wait3A = arith.constant 0 : i32
        %dma_wait3A_1198 = tpu.memref_slice %arg2[%dma_wait3A] : memref<4194304xf32, #tpu.memory_space<hbm>> -> memref<4194304xf32, #tpu.memory_space<hbm>>
        tpu.wait_indirect_dma semaphore(%arg13 : memref<!tpu.dma_semaphore, #tpu.memory_space<semaphore_mem>>) src(%dma_wait3A_1198 : memref<4194304xf32, #tpu.memory_space<hbm>>) dst(%arg12 : memref<4096xf32, #tpu.memory_space<vmem>>)
        %add3A_1199 = arith.addi %mul3A_9, %mul3A_18 : i32
        %mul3A_1200 = arith.constant 64 : i32
        %mul3A_1201 = arith.muli %add3A_1199, %mul3A_1200 : i32
        %sub3A_1202 = arith.constant 3072 : i32
        %sub3A_1203 = arith.subi %mul3A_1201, %sub3A_1202 : i32
        "tpu.region"() ({
          %run_scoped3A = tpu.sem_alloc : memref<!tpu.dma_semaphore, #tpu.memory_space<semaphore_mem>>
          %dma_start3A_1204 = tpu.memref_slice %arg8[%sub3A_1203] : memref<1048576xf32, #tpu.memory_space<hbm>> -> memref<4096xf32, #tpu.memory_space<hbm>>
          %dma_start3A_1205 = tpu.memref_slice %arg8[%sub3A_1203] : memref<1048576xf32, #tpu.memory_space<hbm>> -> memref<4096xf32, #tpu.memory_space<hbm>>
          tpu.enqueue_dma source(%arg12 : memref<4096xf32, #tpu.memory_space<vmem>>) target(%dma_start3A_1205 : memref<4096xf32, #tpu.memory_space<hbm>>) target_semaphore(%run_scoped3A : memref<!tpu.dma_semaphore, #tpu.memory_space<semaphore_mem>>)
          %dma_wait3A_1206 = tpu.memref_slice %arg8[%sub3A_1203] : memref<1048576xf32, #tpu.memory_space<hbm>> -> memref<4096xf32, #tpu.memory_space<hbm>>
          %dma_wait3A_1207 = tpu.memref_slice %arg8[%sub3A_1203] : memref<1048576xf32, #tpu.memory_space<hbm>> -> memref<4096xf32, #tpu.memory_space<hbm>>
          tpu.wait_dma2 semaphore(%run_scoped3A : memref<!tpu.dma_semaphore, #tpu.memory_space<semaphore_mem>>) src(%arg12 : memref<4096xf32, #tpu.memory_space<vmem>>) dst(%dma_wait3A_1207 : memref<4096xf32, #tpu.memory_space<hbm>>)
          tpu.yield
        }) : () -> ()
      } else {
      }
    }
    %scan3A_15 = arith.constant 32 : i32
    return
  }
}

module attributes {stable_mosaic.version = 14 : i64} {
  func.func @_cdist_body(%arg0: i32, %arg1: i32, %arg2: memref<1x4x4xf32, #tpu.memory_space<smem>>, %arg3: memref<1x1x2048xf32, #tpu.memory_space<vmem>>, %arg4: memref<1x1x2048xf32, #tpu.memory_space<vmem>>, %arg5: memref<1x1x2048xf32, #tpu.memory_space<vmem>>, %arg6: memref<1x1x2048xf32, #tpu.memory_space<vmem>>, %arg7: memref<256x1xf32, #tpu.memory_space<vmem>>, %arg8: memref<256x1xf32, #tpu.memory_space<vmem>>, %arg9: memref<256x1xf32, #tpu.memory_space<vmem>>, %arg10: memref<256x1xf32, #tpu.memory_space<vmem>>, %arg11: memref<1x1x128xf32, #tpu.memory_space<vmem>>) attributes {dimension_semantics = [#tpu.dimension_semantics<arbitrary>, #tpu.dimension_semantics<arbitrary>], iteration_bounds = array<i64: 8, 8>, scalar_prefetch = 0 : i64, scratch_operands = 0 : i64, tpu.core_type = #tpu.core_type<tc>, window_params = [{transform_indices = @transform_0, window_bounds = array<i64: 1, 4, 4>}, {transform_indices = @transform_1, window_bounds = array<i64: 1, 1, 2048>}, {transform_indices = @transform_2, window_bounds = array<i64: 1, 1, 2048>}, {transform_indices = @transform_3, window_bounds = array<i64: 1, 1, 2048>}, {transform_indices = @transform_4, window_bounds = array<i64: 1, 1, 2048>}, {transform_indices = @transform_5, window_bounds = array<i64: 256, 1>}, {transform_indices = @transform_6, window_bounds = array<i64: 256, 1>}, {transform_indices = @transform_7, window_bounds = array<i64: 256, 1>}, {transform_indices = @transform_8, window_bounds = array<i64: 256, 1>}, {transform_indices = @transform_9, window_bounds = array<i64: 1, 1, 128>}]} {
    %get3A = arith.constant 0 : index
    %get3A_0 = arith.constant 0 : index
    %get3A_1 = arith.constant 0 : index
    %get3A_2 = memref.load %arg2[%get3A, %get3A_0, %get3A_1] : memref<1x4x4xf32, #tpu.memory_space<smem>>
    %get3A_3 = arith.constant 0 : index
    %get3A_4 = arith.constant 0 : index
    %get3A_5 = arith.constant 1 : index
    %get3A_6 = memref.load %arg2[%get3A_3, %get3A_4, %get3A_5] : memref<1x4x4xf32, #tpu.memory_space<smem>>
    %get3A_7 = arith.constant 0 : index
    %get3A_8 = arith.constant 0 : index
    %get3A_9 = arith.constant 2 : index
    %get3A_10 = memref.load %arg2[%get3A_7, %get3A_8, %get3A_9] : memref<1x4x4xf32, #tpu.memory_space<smem>>
    %get3A_11 = arith.constant 0 : index
    %get3A_12 = arith.constant 0 : index
    %get3A_13 = arith.constant 3 : index
    %get3A_14 = memref.load %arg2[%get3A_11, %get3A_12, %get3A_13] : memref<1x4x4xf32, #tpu.memory_space<smem>>
    %get3A_15 = arith.constant 0 : index
    %get3A_16 = arith.constant 1 : index
    %get3A_17 = arith.constant 0 : index
    %get3A_18 = memref.load %arg2[%get3A_15, %get3A_16, %get3A_17] : memref<1x4x4xf32, #tpu.memory_space<smem>>
    %get3A_19 = arith.constant 0 : index
    %get3A_20 = arith.constant 1 : index
    %get3A_21 = arith.constant 1 : index
    %get3A_22 = memref.load %arg2[%get3A_19, %get3A_20, %get3A_21] : memref<1x4x4xf32, #tpu.memory_space<smem>>
    %get3A_23 = arith.constant 0 : index
    %get3A_24 = arith.constant 1 : index
    %get3A_25 = arith.constant 2 : index
    %get3A_26 = memref.load %arg2[%get3A_23, %get3A_24, %get3A_25] : memref<1x4x4xf32, #tpu.memory_space<smem>>
    %get3A_27 = arith.constant 0 : index
    %get3A_28 = arith.constant 1 : index
    %get3A_29 = arith.constant 3 : index
    %get3A_30 = memref.load %arg2[%get3A_27, %get3A_28, %get3A_29] : memref<1x4x4xf32, #tpu.memory_space<smem>>
    %get3A_31 = arith.constant 0 : index
    %get3A_32 = arith.constant 2 : index
    %get3A_33 = arith.constant 0 : index
    %get3A_34 = memref.load %arg2[%get3A_31, %get3A_32, %get3A_33] : memref<1x4x4xf32, #tpu.memory_space<smem>>
    %get3A_35 = arith.constant 0 : index
    %get3A_36 = arith.constant 2 : index
    %get3A_37 = arith.constant 1 : index
    %get3A_38 = memref.load %arg2[%get3A_35, %get3A_36, %get3A_37] : memref<1x4x4xf32, #tpu.memory_space<smem>>
    %get3A_39 = arith.constant 0 : index
    %get3A_40 = arith.constant 2 : index
    %get3A_41 = arith.constant 2 : index
    %get3A_42 = memref.load %arg2[%get3A_39, %get3A_40, %get3A_41] : memref<1x4x4xf32, #tpu.memory_space<smem>>
    %get3A_43 = arith.constant 0 : index
    %get3A_44 = arith.constant 2 : index
    %get3A_45 = arith.constant 3 : index
    %get3A_46 = memref.load %arg2[%get3A_43, %get3A_44, %get3A_45] : memref<1x4x4xf32, #tpu.memory_space<smem>>
    %get3A_47 = arith.constant 0 : index
    %get3A_48 = arith.constant 3 : index
    %get3A_49 = arith.constant 0 : index
    %get3A_50 = memref.load %arg2[%get3A_47, %get3A_48, %get3A_49] : memref<1x4x4xf32, #tpu.memory_space<smem>>
    %get3A_51 = arith.constant 0 : index
    %get3A_52 = arith.constant 3 : index
    %get3A_53 = arith.constant 1 : index
    %get3A_54 = memref.load %arg2[%get3A_51, %get3A_52, %get3A_53] : memref<1x4x4xf32, #tpu.memory_space<smem>>
    %get3A_55 = arith.constant 0 : index
    %get3A_56 = arith.constant 3 : index
    %get3A_57 = arith.constant 2 : index
    %get3A_58 = memref.load %arg2[%get3A_55, %get3A_56, %get3A_57] : memref<1x4x4xf32, #tpu.memory_space<smem>>
    %get3A_59 = arith.constant 0 : index
    %get3A_60 = arith.constant 3 : index
    %get3A_61 = arith.constant 3 : index
    %get3A_62 = memref.load %arg2[%get3A_59, %get3A_60, %get3A_61] : memref<1x4x4xf32, #tpu.memory_space<smem>>
    %get3A_63 = arith.constant 0 : index
    %get3A_64 = arith.constant 0 : index
    %get3A_65 = arith.constant 0 : index
    %get3A_66 = vector.load %arg3[%get3A_63, %get3A_64, %get3A_65] : memref<1x1x2048xf32, #tpu.memory_space<vmem>>, vector<1x1x2048xf32>
    %reshape3A = vector.shape_cast %get3A_66 : vector<1x1x2048xf32> to vector<1x2048xf32>
    %get3A_67 = arith.constant 0 : index
    %get3A_68 = arith.constant 0 : index
    %get3A_69 = arith.constant 0 : index
    %get3A_70 = vector.load %arg4[%get3A_67, %get3A_68, %get3A_69] : memref<1x1x2048xf32, #tpu.memory_space<vmem>>, vector<1x1x2048xf32>
    %reshape3A_71 = vector.shape_cast %get3A_70 : vector<1x1x2048xf32> to vector<1x2048xf32>
    %get3A_72 = arith.constant 0 : index
    %get3A_73 = arith.constant 0 : index
    %get3A_74 = arith.constant 0 : index
    %get3A_75 = vector.load %arg5[%get3A_72, %get3A_73, %get3A_74] : memref<1x1x2048xf32, #tpu.memory_space<vmem>>, vector<1x1x2048xf32>
    %reshape3A_76 = vector.shape_cast %get3A_75 : vector<1x1x2048xf32> to vector<1x2048xf32>
    %get3A_77 = arith.constant 0 : index
    %get3A_78 = arith.constant 0 : index
    %get3A_79 = arith.constant 0 : index
    %get3A_80 = vector.load %arg6[%get3A_77, %get3A_78, %get3A_79] : memref<1x1x2048xf32, #tpu.memory_space<vmem>>, vector<1x1x2048xf32>
    %reshape3A_81 = vector.shape_cast %get3A_80 : vector<1x1x2048xf32> to vector<1x2048xf32>
    %sub3A = arith.subf %reshape3A, %reshape3A_76 : vector<1x2048xf32>
    %convert_element_type3A = arith.truncf %reshape3A : vector<1x2048xf32> to vector<1x2048xbf16>
    %convert_element_type3A_82 = arith.extf %convert_element_type3A : vector<1x2048xbf16> to vector<1x2048xf32>
    %convert_element_type3A_83 = arith.truncf %reshape3A_71 : vector<1x2048xf32> to vector<1x2048xbf16>
    %convert_element_type3A_84 = arith.extf %convert_element_type3A_83 : vector<1x2048xbf16> to vector<1x2048xf32>
    %convert_element_type3A_85 = arith.truncf %sub3A : vector<1x2048xf32> to vector<1x2048xbf16>
    %convert_element_type3A_86 = arith.extf %convert_element_type3A_85 : vector<1x2048xbf16> to vector<1x2048xf32>
    %convert_element_type3A_87 = arith.truncf %get3A_2 : f32 to bf16
    %convert_element_type3A_88 = arith.extf %convert_element_type3A_87 : bf16 to f32
    %mul3A = vector.broadcast %convert_element_type3A_88 : f32 to vector<1x2048xf32>
    %mul3A_89 = arith.mulf %convert_element_type3A_82, %mul3A : vector<1x2048xf32>
    %convert_element_type3A_90 = arith.truncf %get3A_6 : f32 to bf16
    %convert_element_type3A_91 = arith.extf %convert_element_type3A_90 : bf16 to f32
    %mul3A_92 = vector.broadcast %convert_element_type3A_91 : f32 to vector<1x2048xf32>
    %mul3A_93 = arith.mulf %convert_element_type3A_84, %mul3A_92 : vector<1x2048xf32>
    %add3A = arith.addf %mul3A_89, %mul3A_93 : vector<1x2048xf32>
    %convert_element_type3A_94 = arith.truncf %get3A_10 : f32 to bf16
    %convert_element_type3A_95 = arith.extf %convert_element_type3A_94 : bf16 to f32
    %mul3A_96 = vector.broadcast %convert_element_type3A_95 : f32 to vector<1x2048xf32>
    %mul3A_97 = arith.mulf %convert_element_type3A_86, %mul3A_96 : vector<1x2048xf32>
    %add3A_98 = arith.addf %add3A, %mul3A_97 : vector<1x2048xf32>
    %convert_element_type3A_99 = arith.truncf %get3A_14 : f32 to bf16
    %convert_element_type3A_100 = arith.extf %convert_element_type3A_99 : bf16 to f32
    %add3A_101 = vector.broadcast %convert_element_type3A_100 : f32 to vector<1x2048xf32>
    %add3A_102 = arith.addf %add3A_98, %add3A_101 : vector<1x2048xf32>
    %convert_element_type3A_103 = arith.truncf %get3A_18 : f32 to bf16
    %convert_element_type3A_104 = arith.extf %convert_element_type3A_103 : bf16 to f32
    %mul3A_105 = vector.broadcast %convert_element_type3A_104 : f32 to vector<1x2048xf32>
    %mul3A_106 = arith.mulf %convert_element_type3A_82, %mul3A_105 : vector<1x2048xf32>
    %convert_element_type3A_107 = arith.truncf %get3A_22 : f32 to bf16
    %convert_element_type3A_108 = arith.extf %convert_element_type3A_107 : bf16 to f32
    %mul3A_109 = vector.broadcast %convert_element_type3A_108 : f32 to vector<1x2048xf32>
    %mul3A_110 = arith.mulf %convert_element_type3A_84, %mul3A_109 : vector<1x2048xf32>
    %add3A_111 = arith.addf %mul3A_106, %mul3A_110 : vector<1x2048xf32>
    %convert_element_type3A_112 = arith.truncf %get3A_26 : f32 to bf16
    %convert_element_type3A_113 = arith.extf %convert_element_type3A_112 : bf16 to f32
    %mul3A_114 = vector.broadcast %convert_element_type3A_113 : f32 to vector<1x2048xf32>
    %mul3A_115 = arith.mulf %convert_element_type3A_86, %mul3A_114 : vector<1x2048xf32>
    %add3A_116 = arith.addf %add3A_111, %mul3A_115 : vector<1x2048xf32>
    %convert_element_type3A_117 = arith.truncf %get3A_30 : f32 to bf16
    %convert_element_type3A_118 = arith.extf %convert_element_type3A_117 : bf16 to f32
    %add3A_119 = vector.broadcast %convert_element_type3A_118 : f32 to vector<1x2048xf32>
    %add3A_120 = arith.addf %add3A_116, %add3A_119 : vector<1x2048xf32>
    %convert_element_type3A_121 = arith.truncf %get3A_34 : f32 to bf16
    %convert_element_type3A_122 = arith.extf %convert_element_type3A_121 : bf16 to f32
    %mul3A_123 = vector.broadcast %convert_element_type3A_122 : f32 to vector<1x2048xf32>
    %mul3A_124 = arith.mulf %convert_element_type3A_82, %mul3A_123 : vector<1x2048xf32>
    %convert_element_type3A_125 = arith.truncf %get3A_38 : f32 to bf16
    %convert_element_type3A_126 = arith.extf %convert_element_type3A_125 : bf16 to f32
    %mul3A_127 = vector.broadcast %convert_element_type3A_126 : f32 to vector<1x2048xf32>
    %mul3A_128 = arith.mulf %convert_element_type3A_84, %mul3A_127 : vector<1x2048xf32>
    %add3A_129 = arith.addf %mul3A_124, %mul3A_128 : vector<1x2048xf32>
    %convert_element_type3A_130 = arith.truncf %get3A_42 : f32 to bf16
    %convert_element_type3A_131 = arith.extf %convert_element_type3A_130 : bf16 to f32
    %mul3A_132 = vector.broadcast %convert_element_type3A_131 : f32 to vector<1x2048xf32>
    %mul3A_133 = arith.mulf %convert_element_type3A_86, %mul3A_132 : vector<1x2048xf32>
    %add3A_134 = arith.addf %add3A_129, %mul3A_133 : vector<1x2048xf32>
    %convert_element_type3A_135 = arith.truncf %get3A_46 : f32 to bf16
    %convert_element_type3A_136 = arith.extf %convert_element_type3A_135 : bf16 to f32
    %add3A_137 = vector.broadcast %convert_element_type3A_136 : f32 to vector<1x2048xf32>
    %add3A_138 = arith.addf %add3A_134, %add3A_137 : vector<1x2048xf32>
    %convert_element_type3A_139 = arith.truncf %get3A_50 : f32 to bf16
    %convert_element_type3A_140 = arith.extf %convert_element_type3A_139 : bf16 to f32
    %mul3A_141 = vector.broadcast %convert_element_type3A_140 : f32 to vector<1x2048xf32>
    %mul3A_142 = arith.mulf %convert_element_type3A_82, %mul3A_141 : vector<1x2048xf32>
    %convert_element_type3A_143 = arith.truncf %get3A_54 : f32 to bf16
    %convert_element_type3A_144 = arith.extf %convert_element_type3A_143 : bf16 to f32
    %mul3A_145 = vector.broadcast %convert_element_type3A_144 : f32 to vector<1x2048xf32>
    %mul3A_146 = arith.mulf %convert_element_type3A_84, %mul3A_145 : vector<1x2048xf32>
    %add3A_147 = arith.addf %mul3A_142, %mul3A_146 : vector<1x2048xf32>
    %convert_element_type3A_148 = arith.truncf %get3A_58 : f32 to bf16
    %convert_element_type3A_149 = arith.extf %convert_element_type3A_148 : bf16 to f32
    %mul3A_150 = vector.broadcast %convert_element_type3A_149 : f32 to vector<1x2048xf32>
    %mul3A_151 = arith.mulf %convert_element_type3A_86, %mul3A_150 : vector<1x2048xf32>
    %add3A_152 = arith.addf %add3A_147, %mul3A_151 : vector<1x2048xf32>
    %convert_element_type3A_153 = arith.truncf %get3A_62 : f32 to bf16
    %convert_element_type3A_154 = arith.extf %convert_element_type3A_153 : bf16 to f32
    %add3A_155 = vector.broadcast %convert_element_type3A_154 : f32 to vector<1x2048xf32>
    %add3A_156 = arith.addf %add3A_152, %add3A_155 : vector<1x2048xf32>
    %max3A = arith.constant 9.99999997E-7 : f32
    %max3A_157 = vector.broadcast %max3A : f32 to vector<1x2048xf32>
    %max3A_158 = arith.maximumf %add3A_156, %max3A_157 : vector<1x2048xf32>
    %div3A = arith.divf %add3A_102, %max3A_158 : vector<1x2048xf32>
    %div3A_159 = arith.divf %add3A_120, %max3A_158 : vector<1x2048xf32>
    %div3A_160 = arith.divf %add3A_138, %max3A_158 : vector<1x2048xf32>
    %gt3A = arith.constant 1.000000e+02 : f32
    %gt3A_161 = vector.broadcast %gt3A : f32 to vector<1x2048xf32>
    %gt3A_162 = arith.cmpf ogt, %div3A_160, %gt3A_161 : vector<1x2048xf32>
    %lt3A = arith.constant 3.000000e+04 : f32
    %lt3A_163 = vector.broadcast %lt3A : f32 to vector<1x2048xf32>
    %lt3A_164 = arith.cmpf olt, %div3A_160, %lt3A_163 : vector<1x2048xf32>
    %and3A = arith.andi %gt3A_162, %lt3A_164 : vector<1x2048xi1>
    %gt3A_165 = arith.constant 1.000000e-01 : f32
    %gt3A_166 = vector.broadcast %gt3A_165 : f32 to vector<1x2048xf32>
    %gt3A_167 = arith.cmpf ogt, %reshape3A_81, %gt3A_166 : vector<1x2048xf32>
    %and3A_168 = arith.andi %and3A, %gt3A_167 : vector<1x2048xi1>
    %convert_element_type3A_169 = arith.extui %and3A_168 : vector<1x2048xi1> to vector<1x2048xi32>
    %convert_element_type3A_170 = arith.sitofp %convert_element_type3A_169 : vector<1x2048xi32> to vector<1x2048xf32>
    %div3A_171 = arith.constant 1.000000e+03 : f32
    %div3A_172 = vector.broadcast %div3A_171 : f32 to vector<1x2048xf32>
    %div3A_173 = arith.divf %div3A, %div3A_172 : vector<1x2048xf32>
    %div3A_174 = arith.constant 1.000000e+03 : f32
    %div3A_175 = vector.broadcast %div3A_174 : f32 to vector<1x2048xf32>
    %div3A_176 = arith.divf %div3A_160, %div3A_175 : vector<1x2048xf32>
    %div3A_177 = arith.constant 1.000000e+03 : f32
    %div3A_178 = vector.broadcast %div3A_177 : f32 to vector<1x2048xf32>
    %div3A_179 = arith.divf %div3A_159, %div3A_178 : vector<1x2048xf32>
    %get3A_180 = arith.constant 0 : index
    %get3A_181 = arith.constant 0 : index
    %get3A_182 = vector.load %arg7[%get3A_180, %get3A_181] : memref<256x1xf32, #tpu.memory_space<vmem>>, vector<256x1xf32>
    %get3A_183 = arith.constant 0 : index
    %get3A_184 = arith.constant 0 : index
    %get3A_185 = vector.load %arg8[%get3A_183, %get3A_184] : memref<256x1xf32, #tpu.memory_space<vmem>>, vector<256x1xf32>
    %get3A_186 = arith.constant 0 : index
    %get3A_187 = arith.constant 0 : index
    %get3A_188 = vector.load %arg9[%get3A_186, %get3A_187] : memref<256x1xf32, #tpu.memory_space<vmem>>, vector<256x1xf32>
    %get3A_189 = arith.constant 0 : index
    %get3A_190 = arith.constant 0 : index
    %get3A_191 = vector.load %arg10[%get3A_189, %get3A_190] : memref<256x1xf32, #tpu.memory_space<vmem>>, vector<256x1xf32>
    %sub3A_192 = arith.subf %get3A_182, %get3A_188 : vector<256x1xf32>
    %convert_element_type3A_193 = arith.truncf %get3A_182 : vector<256x1xf32> to vector<256x1xbf16>
    %convert_element_type3A_194 = arith.extf %convert_element_type3A_193 : vector<256x1xbf16> to vector<256x1xf32>
    %convert_element_type3A_195 = arith.truncf %get3A_185 : vector<256x1xf32> to vector<256x1xbf16>
    %convert_element_type3A_196 = arith.extf %convert_element_type3A_195 : vector<256x1xbf16> to vector<256x1xf32>
    %convert_element_type3A_197 = arith.truncf %sub3A_192 : vector<256x1xf32> to vector<256x1xbf16>
    %convert_element_type3A_198 = arith.extf %convert_element_type3A_197 : vector<256x1xbf16> to vector<256x1xf32>
    %convert_element_type3A_199 = arith.truncf %get3A_2 : f32 to bf16
    %convert_element_type3A_200 = arith.extf %convert_element_type3A_199 : bf16 to f32
    %mul3A_201 = vector.broadcast %convert_element_type3A_200 : f32 to vector<256x1xf32>
    %mul3A_202 = arith.mulf %convert_element_type3A_194, %mul3A_201 : vector<256x1xf32>
    %convert_element_type3A_203 = arith.truncf %get3A_6 : f32 to bf16
    %convert_element_type3A_204 = arith.extf %convert_element_type3A_203 : bf16 to f32
    %mul3A_205 = vector.broadcast %convert_element_type3A_204 : f32 to vector<256x1xf32>
    %mul3A_206 = arith.mulf %convert_element_type3A_196, %mul3A_205 : vector<256x1xf32>
    %add3A_207 = arith.addf %mul3A_202, %mul3A_206 : vector<256x1xf32>
    %convert_element_type3A_208 = arith.truncf %get3A_10 : f32 to bf16
    %convert_element_type3A_209 = arith.extf %convert_element_type3A_208 : bf16 to f32
    %mul3A_210 = vector.broadcast %convert_element_type3A_209 : f32 to vector<256x1xf32>
    %mul3A_211 = arith.mulf %convert_element_type3A_198, %mul3A_210 : vector<256x1xf32>
    %add3A_212 = arith.addf %add3A_207, %mul3A_211 : vector<256x1xf32>
    %convert_element_type3A_213 = arith.truncf %get3A_14 : f32 to bf16
    %convert_element_type3A_214 = arith.extf %convert_element_type3A_213 : bf16 to f32
    %add3A_215 = vector.broadcast %convert_element_type3A_214 : f32 to vector<256x1xf32>
    %add3A_216 = arith.addf %add3A_212, %add3A_215 : vector<256x1xf32>
    %convert_element_type3A_217 = arith.truncf %get3A_18 : f32 to bf16
    %convert_element_type3A_218 = arith.extf %convert_element_type3A_217 : bf16 to f32
    %mul3A_219 = vector.broadcast %convert_element_type3A_218 : f32 to vector<256x1xf32>
    %mul3A_220 = arith.mulf %convert_element_type3A_194, %mul3A_219 : vector<256x1xf32>
    %convert_element_type3A_221 = arith.truncf %get3A_22 : f32 to bf16
    %convert_element_type3A_222 = arith.extf %convert_element_type3A_221 : bf16 to f32
    %mul3A_223 = vector.broadcast %convert_element_type3A_222 : f32 to vector<256x1xf32>
    %mul3A_224 = arith.mulf %convert_element_type3A_196, %mul3A_223 : vector<256x1xf32>
    %add3A_225 = arith.addf %mul3A_220, %mul3A_224 : vector<256x1xf32>
    %convert_element_type3A_226 = arith.truncf %get3A_26 : f32 to bf16
    %convert_element_type3A_227 = arith.extf %convert_element_type3A_226 : bf16 to f32
    %mul3A_228 = vector.broadcast %convert_element_type3A_227 : f32 to vector<256x1xf32>
    %mul3A_229 = arith.mulf %convert_element_type3A_198, %mul3A_228 : vector<256x1xf32>
    %add3A_230 = arith.addf %add3A_225, %mul3A_229 : vector<256x1xf32>
    %convert_element_type3A_231 = arith.truncf %get3A_30 : f32 to bf16
    %convert_element_type3A_232 = arith.extf %convert_element_type3A_231 : bf16 to f32
    %add3A_233 = vector.broadcast %convert_element_type3A_232 : f32 to vector<256x1xf32>
    %add3A_234 = arith.addf %add3A_230, %add3A_233 : vector<256x1xf32>
    %convert_element_type3A_235 = arith.truncf %get3A_34 : f32 to bf16
    %convert_element_type3A_236 = arith.extf %convert_element_type3A_235 : bf16 to f32
    %mul3A_237 = vector.broadcast %convert_element_type3A_236 : f32 to vector<256x1xf32>
    %mul3A_238 = arith.mulf %convert_element_type3A_194, %mul3A_237 : vector<256x1xf32>
    %convert_element_type3A_239 = arith.truncf %get3A_38 : f32 to bf16
    %convert_element_type3A_240 = arith.extf %convert_element_type3A_239 : bf16 to f32
    %mul3A_241 = vector.broadcast %convert_element_type3A_240 : f32 to vector<256x1xf32>
    %mul3A_242 = arith.mulf %convert_element_type3A_196, %mul3A_241 : vector<256x1xf32>
    %add3A_243 = arith.addf %mul3A_238, %mul3A_242 : vector<256x1xf32>
    %convert_element_type3A_244 = arith.truncf %get3A_42 : f32 to bf16
    %convert_element_type3A_245 = arith.extf %convert_element_type3A_244 : bf16 to f32
    %mul3A_246 = vector.broadcast %convert_element_type3A_245 : f32 to vector<256x1xf32>
    %mul3A_247 = arith.mulf %convert_element_type3A_198, %mul3A_246 : vector<256x1xf32>
    %add3A_248 = arith.addf %add3A_243, %mul3A_247 : vector<256x1xf32>
    %convert_element_type3A_249 = arith.truncf %get3A_46 : f32 to bf16
    %convert_element_type3A_250 = arith.extf %convert_element_type3A_249 : bf16 to f32
    %add3A_251 = vector.broadcast %convert_element_type3A_250 : f32 to vector<256x1xf32>
    %add3A_252 = arith.addf %add3A_248, %add3A_251 : vector<256x1xf32>
    %convert_element_type3A_253 = arith.truncf %get3A_50 : f32 to bf16
    %convert_element_type3A_254 = arith.extf %convert_element_type3A_253 : bf16 to f32
    %mul3A_255 = vector.broadcast %convert_element_type3A_254 : f32 to vector<256x1xf32>
    %mul3A_256 = arith.mulf %convert_element_type3A_194, %mul3A_255 : vector<256x1xf32>
    %convert_element_type3A_257 = arith.truncf %get3A_54 : f32 to bf16
    %convert_element_type3A_258 = arith.extf %convert_element_type3A_257 : bf16 to f32
    %mul3A_259 = vector.broadcast %convert_element_type3A_258 : f32 to vector<256x1xf32>
    %mul3A_260 = arith.mulf %convert_element_type3A_196, %mul3A_259 : vector<256x1xf32>
    %add3A_261 = arith.addf %mul3A_256, %mul3A_260 : vector<256x1xf32>
    %convert_element_type3A_262 = arith.truncf %get3A_58 : f32 to bf16
    %convert_element_type3A_263 = arith.extf %convert_element_type3A_262 : bf16 to f32
    %mul3A_264 = vector.broadcast %convert_element_type3A_263 : f32 to vector<256x1xf32>
    %mul3A_265 = arith.mulf %convert_element_type3A_198, %mul3A_264 : vector<256x1xf32>
    %add3A_266 = arith.addf %add3A_261, %mul3A_265 : vector<256x1xf32>
    %convert_element_type3A_267 = arith.truncf %get3A_62 : f32 to bf16
    %convert_element_type3A_268 = arith.extf %convert_element_type3A_267 : bf16 to f32
    %add3A_269 = vector.broadcast %convert_element_type3A_268 : f32 to vector<256x1xf32>
    %add3A_270 = arith.addf %add3A_266, %add3A_269 : vector<256x1xf32>
    %max3A_271 = arith.constant 9.99999997E-7 : f32
    %max3A_272 = vector.broadcast %max3A_271 : f32 to vector<256x1xf32>
    %max3A_273 = arith.maximumf %add3A_270, %max3A_272 : vector<256x1xf32>
    %div3A_274 = arith.divf %add3A_216, %max3A_273 : vector<256x1xf32>
    %div3A_275 = arith.divf %add3A_234, %max3A_273 : vector<256x1xf32>
    %div3A_276 = arith.divf %add3A_252, %max3A_273 : vector<256x1xf32>
    %gt3A_277 = arith.constant 1.000000e+02 : f32
    %gt3A_278 = vector.broadcast %gt3A_277 : f32 to vector<256x1xf32>
    %gt3A_279 = arith.cmpf ogt, %div3A_276, %gt3A_278 : vector<256x1xf32>
    %lt3A_280 = arith.constant 3.000000e+04 : f32
    %lt3A_281 = vector.broadcast %lt3A_280 : f32 to vector<256x1xf32>
    %lt3A_282 = arith.cmpf olt, %div3A_276, %lt3A_281 : vector<256x1xf32>
    %and3A_283 = arith.andi %gt3A_279, %lt3A_282 : vector<256x1xi1>
    %gt3A_284 = arith.constant 1.000000e-01 : f32
    %gt3A_285 = vector.broadcast %gt3A_284 : f32 to vector<256x1xf32>
    %gt3A_286 = arith.cmpf ogt, %get3A_191, %gt3A_285 : vector<256x1xf32>
    %and3A_287 = arith.andi %and3A_283, %gt3A_286 : vector<256x1xi1>
    %convert_element_type3A_288 = arith.extui %and3A_287 : vector<256x1xi1> to vector<256x1xi32>
    %convert_element_type3A_289 = arith.sitofp %convert_element_type3A_288 : vector<256x1xi32> to vector<256x1xf32>
    %div3A_290 = arith.constant 1.000000e+03 : f32
    %div3A_291 = vector.broadcast %div3A_290 : f32 to vector<256x1xf32>
    %div3A_292 = arith.divf %div3A_274, %div3A_291 : vector<256x1xf32>
    %div3A_293 = arith.constant 1.000000e+03 : f32
    %div3A_294 = vector.broadcast %div3A_293 : f32 to vector<256x1xf32>
    %div3A_295 = arith.divf %div3A_276, %div3A_294 : vector<256x1xf32>
    %div3A_296 = arith.constant 1.000000e+03 : f32
    %div3A_297 = vector.broadcast %div3A_296 : f32 to vector<256x1xf32>
    %div3A_298 = arith.divf %div3A_275, %div3A_297 : vector<256x1xf32>
    %gt3A_299 = arith.constant 5.000000e-01 : f32
    %gt3A_300 = vector.broadcast %gt3A_299 : f32 to vector<1x2048xf32>
    %gt3A_301 = arith.cmpf ogt, %convert_element_type3A_170, %gt3A_300 : vector<1x2048xf32>
    %jit3A = arith.constant 1.000000e+10 : f32
    %broadcast_in_dim3A = vector.broadcast %jit3A : f32 to vector<1x2048xf32>
    %select_n3A = arith.select %gt3A_301, %div3A_173, %broadcast_in_dim3A : vector<1x2048xi1>, vector<1x2048xf32>
    %gt3A_302 = arith.constant 5.000000e-01 : f32
    %gt3A_303 = vector.broadcast %gt3A_302 : f32 to vector<1x2048xf32>
    %gt3A_304 = arith.cmpf ogt, %convert_element_type3A_170, %gt3A_303 : vector<1x2048xf32>
    %jit3A_305 = arith.constant 1.000000e+10 : f32
    %broadcast_in_dim3A_306 = vector.broadcast %jit3A_305 : f32 to vector<1x2048xf32>
    %select_n3A_307 = arith.select %gt3A_304, %div3A_176, %broadcast_in_dim3A_306 : vector<1x2048xi1>, vector<1x2048xf32>
    %sub3A_308 = vector.broadcast %div3A_292 : vector<256x1xf32> to vector<256x2048xf32>
    %sub3A_309 = vector.broadcast %select_n3A : vector<1x2048xf32> to vector<256x2048xf32>
    %sub3A_310 = arith.subf %sub3A_308, %sub3A_309 : vector<256x2048xf32>
    %integer_pow3A = arith.mulf %sub3A_310, %sub3A_310 : vector<256x2048xf32>
    %sub3A_311 = vector.broadcast %div3A_295 : vector<256x1xf32> to vector<256x2048xf32>
    %sub3A_312 = vector.broadcast %select_n3A_307 : vector<1x2048xf32> to vector<256x2048xf32>
    %sub3A_313 = arith.subf %sub3A_311, %sub3A_312 : vector<256x2048xf32>
    %integer_pow3A_314 = arith.mulf %sub3A_313, %sub3A_313 : vector<256x2048xf32>
    %add3A_315 = arith.addf %integer_pow3A, %integer_pow3A_314 : vector<256x2048xf32>
    %max3A_316 = arith.constant 1.000000e-24 : f32
    %max3A_317 = vector.broadcast %max3A_316 : f32 to vector<256x2048xf32>
    %max3A_318 = arith.maximumf %add3A_315, %max3A_317 : vector<256x2048xf32>
    %iota3A = tpu.iota {dimensions = array<i32: 1>} : vector<256x2048xi32>
    %convert_element_type3A_319 = arith.sitofp %iota3A : vector<256x2048xi32> to vector<256x2048xf32>
    %reduce_min3A = arith.constant dense<0x7F800000> : vector<256xf32>
    %reduce_min3A_320 = vector.multi_reduction <minimumf>, %max3A_318, %reduce_min3A [1] : vector<256x2048xf32> to vector<256xf32>
    %broadcast_in_dim3A_321 = vector.shape_cast %reduce_min3A_320 : vector<256xf32> to vector<256x1xf32>
    %eq3A = vector.broadcast %broadcast_in_dim3A_321 : vector<256x1xf32> to vector<256x2048xf32>
    %eq3A_322 = arith.cmpf oeq, %max3A_318, %eq3A : vector<256x2048xf32>
    %jit3A_323 = arith.constant 2.048000e+03 : f32
    %broadcast_in_dim3A_324 = vector.broadcast %jit3A_323 : f32 to vector<256x2048xf32>
    %select_n3A_325 = arith.select %eq3A_322, %convert_element_type3A_319, %broadcast_in_dim3A_324 : vector<256x2048xi1>, vector<256x2048xf32>
    %reduce_min3A_326 = arith.constant dense<0x7F800000> : vector<256xf32>
    %reduce_min3A_327 = vector.multi_reduction <minimumf>, %select_n3A_325, %reduce_min3A_326 [1] : vector<256x2048xf32> to vector<256xf32>
    %broadcast_in_dim3A_328 = vector.shape_cast %reduce_min3A_327 : vector<256xf32> to vector<256x1xf32>
    %eq3A_329 = vector.broadcast %broadcast_in_dim3A_328 : vector<256x1xf32> to vector<256x2048xf32>
    %eq3A_330 = arith.cmpf oeq, %select_n3A_325, %eq3A_329 : vector<256x2048xf32>
    %jit3A_331 = arith.constant 1.000000e+20 : f32
    %broadcast_in_dim3A_332 = vector.broadcast %jit3A_331 : f32 to vector<256x2048xf32>
    %select_n3A_333 = arith.select %eq3A_330, %broadcast_in_dim3A_332, %max3A_318 : vector<256x2048xi1>, vector<256x2048xf32>
    %reduce_min3A_334 = arith.constant dense<0x7F800000> : vector<256xf32>
    %reduce_min3A_335 = vector.multi_reduction <minimumf>, %select_n3A_333, %reduce_min3A_334 [1] : vector<256x2048xf32> to vector<256xf32>
    %broadcast_in_dim3A_336 = vector.shape_cast %reduce_min3A_335 : vector<256xf32> to vector<256x1xf32>
    %eq3A_337 = vector.broadcast %broadcast_in_dim3A_336 : vector<256x1xf32> to vector<256x2048xf32>
    %eq3A_338 = arith.cmpf oeq, %select_n3A_333, %eq3A_337 : vector<256x2048xf32>
    %jit3A_339 = arith.constant 2.048000e+03 : f32
    %broadcast_in_dim3A_340 = vector.broadcast %jit3A_339 : f32 to vector<256x2048xf32>
    %select_n3A_341 = arith.select %eq3A_338, %convert_element_type3A_319, %broadcast_in_dim3A_340 : vector<256x2048xi1>, vector<256x2048xf32>
    %reduce_min3A_342 = arith.constant dense<0x7F800000> : vector<256xf32>
    %reduce_min3A_343 = vector.multi_reduction <minimumf>, %select_n3A_341, %reduce_min3A_342 [1] : vector<256x2048xf32> to vector<256xf32>
    %broadcast_in_dim3A_344 = vector.shape_cast %reduce_min3A_343 : vector<256xf32> to vector<256x1xf32>
    %eq3A_345 = vector.broadcast %broadcast_in_dim3A_344 : vector<256x1xf32> to vector<256x2048xf32>
    %eq3A_346 = arith.cmpf oeq, %select_n3A_341, %eq3A_345 : vector<256x2048xf32>
    %jit3A_347 = arith.constant 0.000000e+00 : f32
    %broadcast_in_dim3A_348 = vector.shape_cast %div3A_179 : vector<1x2048xf32> to vector<1x2048xf32>
    %broadcast_in_dim3A_349 = vector.broadcast %broadcast_in_dim3A_348 : vector<1x2048xf32> to vector<256x2048xf32>
    %broadcast_in_dim3A_350 = vector.broadcast %jit3A_347 : f32 to vector<256x2048xf32>
    %select_n3A_351 = arith.select %eq3A_346, %broadcast_in_dim3A_349, %broadcast_in_dim3A_350 : vector<256x2048xi1>, vector<256x2048xf32>
    %reduce_sum3A = arith.constant dense<0.000000e+00> : vector<256xf32>
    %reduce_sum3A_352 = vector.multi_reduction <add>, %select_n3A_351, %reduce_sum3A [1] : vector<256x2048xf32> to vector<256xf32>
    %broadcast_in_dim3A_353 = vector.shape_cast %reduce_sum3A_352 : vector<256xf32> to vector<256x1xf32>
    %jit3A_354 = arith.constant 1.000000e+20 : f32
    %broadcast_in_dim3A_355 = vector.broadcast %jit3A_354 : f32 to vector<256x2048xf32>
    %select_n3A_356 = arith.select %eq3A_346, %broadcast_in_dim3A_355, %select_n3A_333 : vector<256x2048xi1>, vector<256x2048xf32>
    %reduce_min3A_357 = arith.constant dense<0x7F800000> : vector<256xf32>
    %reduce_min3A_358 = vector.multi_reduction <minimumf>, %select_n3A_356, %reduce_min3A_357 [1] : vector<256x2048xf32> to vector<256xf32>
    %broadcast_in_dim3A_359 = vector.shape_cast %reduce_min3A_358 : vector<256xf32> to vector<256x1xf32>
    %eq3A_360 = vector.broadcast %broadcast_in_dim3A_359 : vector<256x1xf32> to vector<256x2048xf32>
    %eq3A_361 = arith.cmpf oeq, %select_n3A_356, %eq3A_360 : vector<256x2048xf32>
    %jit3A_362 = arith.constant 2.048000e+03 : f32
    %broadcast_in_dim3A_363 = vector.broadcast %jit3A_362 : f32 to vector<256x2048xf32>
    %select_n3A_364 = arith.select %eq3A_361, %convert_element_type3A_319, %broadcast_in_dim3A_363 : vector<256x2048xi1>, vector<256x2048xf32>
    %reduce_min3A_365 = arith.constant dense<0x7F800000> : vector<256xf32>
    %reduce_min3A_366 = vector.multi_reduction <minimumf>, %select_n3A_364, %reduce_min3A_365 [1] : vector<256x2048xf32> to vector<256xf32>
    %broadcast_in_dim3A_367 = vector.shape_cast %reduce_min3A_366 : vector<256xf32> to vector<256x1xf32>
    %eq3A_368 = vector.broadcast %broadcast_in_dim3A_367 : vector<256x1xf32> to vector<256x2048xf32>
    %eq3A_369 = arith.cmpf oeq, %select_n3A_364, %eq3A_368 : vector<256x2048xf32>
    %jit3A_370 = arith.constant 0.000000e+00 : f32
    %broadcast_in_dim3A_371 = vector.shape_cast %div3A_179 : vector<1x2048xf32> to vector<1x2048xf32>
    %broadcast_in_dim3A_372 = vector.broadcast %broadcast_in_dim3A_371 : vector<1x2048xf32> to vector<256x2048xf32>
    %broadcast_in_dim3A_373 = vector.broadcast %jit3A_370 : f32 to vector<256x2048xf32>
    %select_n3A_374 = arith.select %eq3A_369, %broadcast_in_dim3A_372, %broadcast_in_dim3A_373 : vector<256x2048xi1>, vector<256x2048xf32>
    %reduce_sum3A_375 = arith.constant dense<0.000000e+00> : vector<256xf32>
    %reduce_sum3A_376 = vector.multi_reduction <add>, %select_n3A_374, %reduce_sum3A_375 [1] : vector<256x2048xf32> to vector<256xf32>
    %broadcast_in_dim3A_377 = vector.shape_cast %reduce_sum3A_376 : vector<256xf32> to vector<256x1xf32>
    %jit3A_378 = arith.constant 1.000000e+20 : f32
    %broadcast_in_dim3A_379 = vector.broadcast %jit3A_378 : f32 to vector<256x2048xf32>
    %select_n3A_380 = arith.select %eq3A_369, %broadcast_in_dim3A_379, %select_n3A_356 : vector<256x2048xi1>, vector<256x2048xf32>
    %reduce_min3A_381 = arith.constant dense<0x7F800000> : vector<256xf32>
    %reduce_min3A_382 = vector.multi_reduction <minimumf>, %select_n3A_380, %reduce_min3A_381 [1] : vector<256x2048xf32> to vector<256xf32>
    %broadcast_in_dim3A_383 = vector.shape_cast %reduce_min3A_382 : vector<256xf32> to vector<256x1xf32>
    %eq3A_384 = vector.broadcast %broadcast_in_dim3A_383 : vector<256x1xf32> to vector<256x2048xf32>
    %eq3A_385 = arith.cmpf oeq, %select_n3A_380, %eq3A_384 : vector<256x2048xf32>
    %jit3A_386 = arith.constant 2.048000e+03 : f32
    %broadcast_in_dim3A_387 = vector.broadcast %jit3A_386 : f32 to vector<256x2048xf32>
    %select_n3A_388 = arith.select %eq3A_385, %convert_element_type3A_319, %broadcast_in_dim3A_387 : vector<256x2048xi1>, vector<256x2048xf32>
    %reduce_min3A_389 = arith.constant dense<0x7F800000> : vector<256xf32>
    %reduce_min3A_390 = vector.multi_reduction <minimumf>, %select_n3A_388, %reduce_min3A_389 [1] : vector<256x2048xf32> to vector<256xf32>
    %broadcast_in_dim3A_391 = vector.shape_cast %reduce_min3A_390 : vector<256xf32> to vector<256x1xf32>
    %eq3A_392 = vector.broadcast %broadcast_in_dim3A_391 : vector<256x1xf32> to vector<256x2048xf32>
    %eq3A_393 = arith.cmpf oeq, %select_n3A_388, %eq3A_392 : vector<256x2048xf32>
    %jit3A_394 = arith.constant 0.000000e+00 : f32
    %broadcast_in_dim3A_395 = vector.shape_cast %div3A_179 : vector<1x2048xf32> to vector<1x2048xf32>
    %broadcast_in_dim3A_396 = vector.broadcast %broadcast_in_dim3A_395 : vector<1x2048xf32> to vector<256x2048xf32>
    %broadcast_in_dim3A_397 = vector.broadcast %jit3A_394 : f32 to vector<256x2048xf32>
    %select_n3A_398 = arith.select %eq3A_393, %broadcast_in_dim3A_396, %broadcast_in_dim3A_397 : vector<256x2048xi1>, vector<256x2048xf32>
    %reduce_sum3A_399 = arith.constant dense<0.000000e+00> : vector<256xf32>
    %reduce_sum3A_400 = vector.multi_reduction <add>, %select_n3A_398, %reduce_sum3A_399 [1] : vector<256x2048xf32> to vector<256xf32>
    %broadcast_in_dim3A_401 = vector.shape_cast %reduce_sum3A_400 : vector<256xf32> to vector<256x1xf32>
    %jit3A_402 = arith.constant 1.000000e+20 : f32
    %broadcast_in_dim3A_403 = vector.broadcast %jit3A_402 : f32 to vector<256x2048xf32>
    %select_n3A_404 = arith.select %eq3A_393, %broadcast_in_dim3A_403, %select_n3A_380 : vector<256x2048xi1>, vector<256x2048xf32>
    %reduce_min3A_405 = arith.constant dense<0x7F800000> : vector<256xf32>
    %reduce_min3A_406 = vector.multi_reduction <minimumf>, %select_n3A_404, %reduce_min3A_405 [1] : vector<256x2048xf32> to vector<256xf32>
    %broadcast_in_dim3A_407 = vector.shape_cast %reduce_min3A_406 : vector<256xf32> to vector<256x1xf32>
    %eq3A_408 = vector.broadcast %broadcast_in_dim3A_407 : vector<256x1xf32> to vector<256x2048xf32>
    %eq3A_409 = arith.cmpf oeq, %select_n3A_404, %eq3A_408 : vector<256x2048xf32>
    %jit3A_410 = arith.constant 2.048000e+03 : f32
    %broadcast_in_dim3A_411 = vector.broadcast %jit3A_410 : f32 to vector<256x2048xf32>
    %select_n3A_412 = arith.select %eq3A_409, %convert_element_type3A_319, %broadcast_in_dim3A_411 : vector<256x2048xi1>, vector<256x2048xf32>
    %reduce_min3A_413 = arith.constant dense<0x7F800000> : vector<256xf32>
    %reduce_min3A_414 = vector.multi_reduction <minimumf>, %select_n3A_412, %reduce_min3A_413 [1] : vector<256x2048xf32> to vector<256xf32>
    %broadcast_in_dim3A_415 = vector.shape_cast %reduce_min3A_414 : vector<256xf32> to vector<256x1xf32>
    %eq3A_416 = vector.broadcast %broadcast_in_dim3A_415 : vector<256x1xf32> to vector<256x2048xf32>
    %eq3A_417 = arith.cmpf oeq, %select_n3A_412, %eq3A_416 : vector<256x2048xf32>
    %jit3A_418 = arith.constant 0.000000e+00 : f32
    %broadcast_in_dim3A_419 = vector.shape_cast %div3A_179 : vector<1x2048xf32> to vector<1x2048xf32>
    %broadcast_in_dim3A_420 = vector.broadcast %broadcast_in_dim3A_419 : vector<1x2048xf32> to vector<256x2048xf32>
    %broadcast_in_dim3A_421 = vector.broadcast %jit3A_418 : f32 to vector<256x2048xf32>
    %select_n3A_422 = arith.select %eq3A_417, %broadcast_in_dim3A_420, %broadcast_in_dim3A_421 : vector<256x2048xi1>, vector<256x2048xf32>
    %reduce_sum3A_423 = arith.constant dense<0.000000e+00> : vector<256xf32>
    %reduce_sum3A_424 = vector.multi_reduction <add>, %select_n3A_422, %reduce_sum3A_423 [1] : vector<256x2048xf32> to vector<256xf32>
    %broadcast_in_dim3A_425 = vector.shape_cast %reduce_sum3A_424 : vector<256xf32> to vector<256x1xf32>
    %jit3A_426 = arith.constant 1.000000e+20 : f32
    %broadcast_in_dim3A_427 = vector.broadcast %jit3A_426 : f32 to vector<256x2048xf32>
    %select_n3A_428 = arith.select %eq3A_417, %broadcast_in_dim3A_427, %select_n3A_404 : vector<256x2048xi1>, vector<256x2048xf32>
    %reduce_min3A_429 = arith.constant dense<0x7F800000> : vector<256xf32>
    %reduce_min3A_430 = vector.multi_reduction <minimumf>, %select_n3A_428, %reduce_min3A_429 [1] : vector<256x2048xf32> to vector<256xf32>
    %broadcast_in_dim3A_431 = vector.shape_cast %reduce_min3A_430 : vector<256xf32> to vector<256x1xf32>
    %eq3A_432 = vector.broadcast %broadcast_in_dim3A_431 : vector<256x1xf32> to vector<256x2048xf32>
    %eq3A_433 = arith.cmpf oeq, %select_n3A_428, %eq3A_432 : vector<256x2048xf32>
    %jit3A_434 = arith.constant 2.048000e+03 : f32
    %broadcast_in_dim3A_435 = vector.broadcast %jit3A_434 : f32 to vector<256x2048xf32>
    %select_n3A_436 = arith.select %eq3A_433, %convert_element_type3A_319, %broadcast_in_dim3A_435 : vector<256x2048xi1>, vector<256x2048xf32>
    %reduce_min3A_437 = arith.constant dense<0x7F800000> : vector<256xf32>
    %reduce_min3A_438 = vector.multi_reduction <minimumf>, %select_n3A_436, %reduce_min3A_437 [1] : vector<256x2048xf32> to vector<256xf32>
    %broadcast_in_dim3A_439 = vector.shape_cast %reduce_min3A_438 : vector<256xf32> to vector<256x1xf32>
    %eq3A_440 = vector.broadcast %broadcast_in_dim3A_439 : vector<256x1xf32> to vector<256x2048xf32>
    %eq3A_441 = arith.cmpf oeq, %select_n3A_436, %eq3A_440 : vector<256x2048xf32>
    %jit3A_442 = arith.constant 0.000000e+00 : f32
    %broadcast_in_dim3A_443 = vector.shape_cast %div3A_179 : vector<1x2048xf32> to vector<1x2048xf32>
    %broadcast_in_dim3A_444 = vector.broadcast %broadcast_in_dim3A_443 : vector<1x2048xf32> to vector<256x2048xf32>
    %broadcast_in_dim3A_445 = vector.broadcast %jit3A_442 : f32 to vector<256x2048xf32>
    %select_n3A_446 = arith.select %eq3A_441, %broadcast_in_dim3A_444, %broadcast_in_dim3A_445 : vector<256x2048xi1>, vector<256x2048xf32>
    %reduce_sum3A_447 = arith.constant dense<0.000000e+00> : vector<256xf32>
    %reduce_sum3A_448 = vector.multi_reduction <add>, %select_n3A_446, %reduce_sum3A_447 [1] : vector<256x2048xf32> to vector<256xf32>
    %broadcast_in_dim3A_449 = vector.shape_cast %reduce_sum3A_448 : vector<256xf32> to vector<256x1xf32>
    %add3A_450 = arith.addf %broadcast_in_dim3A_353, %broadcast_in_dim3A_377 : vector<256x1xf32>
    %add3A_451 = arith.addf %add3A_450, %broadcast_in_dim3A_401 : vector<256x1xf32>
    %add3A_452 = arith.addf %add3A_451, %broadcast_in_dim3A_425 : vector<256x1xf32>
    %add3A_453 = arith.addf %add3A_452, %broadcast_in_dim3A_449 : vector<256x1xf32>
    %mul3A_454 = arith.constant 2.000000e-01 : f32
    %mul3A_455 = vector.broadcast %mul3A_454 : f32 to vector<256x1xf32>
    %mul3A_456 = arith.mulf %add3A_453, %mul3A_455 : vector<256x1xf32>
    %sub3A_457 = arith.subf %div3A_298, %mul3A_456 : vector<256x1xf32>
    %abs3A = math.absf %sub3A_457 : vector<256x1xf32>
    %lt3A_458 = arith.constant 0.00999999977 : f32
    %lt3A_459 = vector.broadcast %lt3A_458 : f32 to vector<256x1xf32>
    %lt3A_460 = arith.cmpf olt, %abs3A, %lt3A_459 : vector<256x1xf32>
    %mul3A_461 = arith.constant 5.000000e-01 : f32
    %mul3A_462 = vector.broadcast %mul3A_461 : f32 to vector<256x1xf32>
    %mul3A_463 = arith.mulf %mul3A_462, %abs3A : vector<256x1xf32>
    %mul3A_464 = arith.mulf %mul3A_463, %abs3A : vector<256x1xf32>
    %div3A_465 = arith.constant 0.00999999977 : f32
    %div3A_466 = vector.broadcast %div3A_465 : f32 to vector<256x1xf32>
    %div3A_467 = arith.divf %mul3A_464, %div3A_466 : vector<256x1xf32>
    %mul3A_468 = arith.constant 5.000000e-01 : f32
    %mul3A_469 = arith.constant 0.00999999977 : f32
    %mul3A_470 = arith.mulf %mul3A_468, %mul3A_469 : f32
    %sub3A_471 = vector.broadcast %mul3A_470 : f32 to vector<256x1xf32>
    %sub3A_472 = arith.subf %abs3A, %sub3A_471 : vector<256x1xf32>
    %select_n3A_473 = arith.select %lt3A_460, %div3A_467, %sub3A_472 : vector<256x1xi1>, vector<256x1xf32>
    %broadcast_in_dim3A_474 = arith.constant 0.000000e+00 : f32
    %broadcast_in_dim3A_475 = vector.broadcast %broadcast_in_dim3A_474 : f32 to vector<256x1xf32>
    %sqrt3A = math.sqrt %broadcast_in_dim3A_336 : vector<256x1xf32>
    %max3A_476 = arith.constant 1.000000e-03 : f32
    %max3A_477 = vector.broadcast %max3A_476 : f32 to vector<256x1xf32>
    %max3A_478 = arith.maximumf %sqrt3A, %max3A_477 : vector<256x1xf32>
    %sub3A_479 = arith.subf %broadcast_in_dim3A_353, %div3A_298 : vector<256x1xf32>
    %abs3A_480 = math.absf %sub3A_479 : vector<256x1xf32>
    %div3A_481 = arith.divf %abs3A_480, %max3A_478 : vector<256x1xf32>
    %sub3A_482 = arith.constant 4.000000e-01 : f32
    %sub3A_483 = vector.broadcast %sub3A_482 : f32 to vector<256x1xf32>
    %sub3A_484 = arith.subf %div3A_481, %sub3A_483 : vector<256x1xf32>
    %max3A_485 = arith.constant 0.000000e+00 : f32
    %max3A_486 = vector.broadcast %max3A_485 : f32 to vector<256x1xf32>
    %max3A_487 = arith.maximumf %sub3A_484, %max3A_486 : vector<256x1xf32>
    %add3A_488 = arith.addf %broadcast_in_dim3A_475, %max3A_487 : vector<256x1xf32>
    %sqrt3A_489 = math.sqrt %broadcast_in_dim3A_359 : vector<256x1xf32>
    %max3A_490 = arith.constant 1.000000e-03 : f32
    %max3A_491 = vector.broadcast %max3A_490 : f32 to vector<256x1xf32>
    %max3A_492 = arith.maximumf %sqrt3A_489, %max3A_491 : vector<256x1xf32>
    %sub3A_493 = arith.subf %broadcast_in_dim3A_377, %div3A_298 : vector<256x1xf32>
    %abs3A_494 = math.absf %sub3A_493 : vector<256x1xf32>
    %div3A_495 = arith.divf %abs3A_494, %max3A_492 : vector<256x1xf32>
    %sub3A_496 = arith.constant 4.000000e-01 : f32
    %sub3A_497 = vector.broadcast %sub3A_496 : f32 to vector<256x1xf32>
    %sub3A_498 = arith.subf %div3A_495, %sub3A_497 : vector<256x1xf32>
    %max3A_499 = arith.constant 0.000000e+00 : f32
    %max3A_500 = vector.broadcast %max3A_499 : f32 to vector<256x1xf32>
    %max3A_501 = arith.maximumf %sub3A_498, %max3A_500 : vector<256x1xf32>
    %add3A_502 = arith.addf %add3A_488, %max3A_501 : vector<256x1xf32>
    %sqrt3A_503 = math.sqrt %broadcast_in_dim3A_383 : vector<256x1xf32>
    %max3A_504 = arith.constant 1.000000e-03 : f32
    %max3A_505 = vector.broadcast %max3A_504 : f32 to vector<256x1xf32>
    %max3A_506 = arith.maximumf %sqrt3A_503, %max3A_505 : vector<256x1xf32>
    %sub3A_507 = arith.subf %broadcast_in_dim3A_401, %div3A_298 : vector<256x1xf32>
    %abs3A_508 = math.absf %sub3A_507 : vector<256x1xf32>
    %div3A_509 = arith.divf %abs3A_508, %max3A_506 : vector<256x1xf32>
    %sub3A_510 = arith.constant 4.000000e-01 : f32
    %sub3A_511 = vector.broadcast %sub3A_510 : f32 to vector<256x1xf32>
    %sub3A_512 = arith.subf %div3A_509, %sub3A_511 : vector<256x1xf32>
    %max3A_513 = arith.constant 0.000000e+00 : f32
    %max3A_514 = vector.broadcast %max3A_513 : f32 to vector<256x1xf32>
    %max3A_515 = arith.maximumf %sub3A_512, %max3A_514 : vector<256x1xf32>
    %add3A_516 = arith.addf %add3A_502, %max3A_515 : vector<256x1xf32>
    %sqrt3A_517 = math.sqrt %broadcast_in_dim3A_407 : vector<256x1xf32>
    %max3A_518 = arith.constant 1.000000e-03 : f32
    %max3A_519 = vector.broadcast %max3A_518 : f32 to vector<256x1xf32>
    %max3A_520 = arith.maximumf %sqrt3A_517, %max3A_519 : vector<256x1xf32>
    %sub3A_521 = arith.subf %broadcast_in_dim3A_425, %div3A_298 : vector<256x1xf32>
    %abs3A_522 = math.absf %sub3A_521 : vector<256x1xf32>
    %div3A_523 = arith.divf %abs3A_522, %max3A_520 : vector<256x1xf32>
    %sub3A_524 = arith.constant 4.000000e-01 : f32
    %sub3A_525 = vector.broadcast %sub3A_524 : f32 to vector<256x1xf32>
    %sub3A_526 = arith.subf %div3A_523, %sub3A_525 : vector<256x1xf32>
    %max3A_527 = arith.constant 0.000000e+00 : f32
    %max3A_528 = vector.broadcast %max3A_527 : f32 to vector<256x1xf32>
    %max3A_529 = arith.maximumf %sub3A_526, %max3A_528 : vector<256x1xf32>
    %add3A_530 = arith.addf %add3A_516, %max3A_529 : vector<256x1xf32>
    %sqrt3A_531 = math.sqrt %broadcast_in_dim3A_431 : vector<256x1xf32>
    %max3A_532 = arith.constant 1.000000e-03 : f32
    %max3A_533 = vector.broadcast %max3A_532 : f32 to vector<256x1xf32>
    %max3A_534 = arith.maximumf %sqrt3A_531, %max3A_533 : vector<256x1xf32>
    %sub3A_535 = arith.subf %broadcast_in_dim3A_449, %div3A_298 : vector<256x1xf32>
    %abs3A_536 = math.absf %sub3A_535 : vector<256x1xf32>
    %div3A_537 = arith.divf %abs3A_536, %max3A_534 : vector<256x1xf32>
    %sub3A_538 = arith.constant 4.000000e-01 : f32
    %sub3A_539 = vector.broadcast %sub3A_538 : f32 to vector<256x1xf32>
    %sub3A_540 = arith.subf %div3A_537, %sub3A_539 : vector<256x1xf32>
    %max3A_541 = arith.constant 0.000000e+00 : f32
    %max3A_542 = vector.broadcast %max3A_541 : f32 to vector<256x1xf32>
    %max3A_543 = arith.maximumf %sub3A_540, %max3A_542 : vector<256x1xf32>
    %add3A_544 = arith.addf %add3A_530, %max3A_543 : vector<256x1xf32>
    %mul3A_545 = arith.mulf %select_n3A_473, %convert_element_type3A_289 : vector<256x1xf32>
    %reduce_sum3A_546 = vector.shape_cast %mul3A_545 : vector<256x1xf32> to vector<1x256x1xf32>
    %reduce_sum3A_547 = arith.constant dense<0.000000e+00> : vector<1xf32>
    %reduce_sum3A_548 = vector.multi_reduction <add>, %reduce_sum3A_546, %reduce_sum3A_547 [1, 2] : vector<1x256x1xf32> to vector<1xf32>
    %reduce_sum3A_549 = vector.shape_cast %reduce_sum3A_548 : vector<1xf32> to vector<1x1x1xf32>
    %reduce_sum3A_550 = vector.extract %reduce_sum3A_549[0, 0, 0] : f32 from vector<1x1x1xf32>
    %mul3A_551 = arith.mulf %add3A_544, %convert_element_type3A_289 : vector<256x1xf32>
    %reduce_sum3A_552 = vector.shape_cast %mul3A_551 : vector<256x1xf32> to vector<1x256x1xf32>
    %reduce_sum3A_553 = arith.constant dense<0.000000e+00> : vector<1xf32>
    %reduce_sum3A_554 = vector.multi_reduction <add>, %reduce_sum3A_552, %reduce_sum3A_553 [1, 2] : vector<1x256x1xf32> to vector<1xf32>
    %reduce_sum3A_555 = vector.shape_cast %reduce_sum3A_554 : vector<1xf32> to vector<1x1x1xf32>
    %reduce_sum3A_556 = vector.extract %reduce_sum3A_555[0, 0, 0] : f32 from vector<1x1x1xf32>
    %mul3A_557 = arith.mulf %div3A_298, %convert_element_type3A_289 : vector<256x1xf32>
    %reduce_sum3A_558 = vector.shape_cast %mul3A_557 : vector<256x1xf32> to vector<1x256x1xf32>
    %reduce_sum3A_559 = arith.constant dense<0.000000e+00> : vector<1xf32>
    %reduce_sum3A_560 = vector.multi_reduction <add>, %reduce_sum3A_558, %reduce_sum3A_559 [1, 2] : vector<1x256x1xf32> to vector<1xf32>
    %reduce_sum3A_561 = vector.shape_cast %reduce_sum3A_560 : vector<1xf32> to vector<1x1x1xf32>
    %reduce_sum3A_562 = vector.extract %reduce_sum3A_561[0, 0, 0] : f32 from vector<1x1x1xf32>
    %reduce_sum3A_563 = vector.shape_cast %convert_element_type3A_289 : vector<256x1xf32> to vector<1x256x1xf32>
    %reduce_sum3A_564 = arith.constant dense<0.000000e+00> : vector<1xf32>
    %reduce_sum3A_565 = vector.multi_reduction <add>, %reduce_sum3A_563, %reduce_sum3A_564 [1, 2] : vector<1x256x1xf32> to vector<1xf32>
    %reduce_sum3A_566 = vector.shape_cast %reduce_sum3A_565 : vector<1xf32> to vector<1x1x1xf32>
    %reduce_sum3A_567 = vector.extract %reduce_sum3A_566[0, 0, 0] : f32 from vector<1x1x1xf32>
    %iota3A_568 = tpu.iota {dimensions = array<i32: 1>} : vector<1x128xi32>
    %eq3A_569 = arith.constant 0 : i32
    %eq3A_570 = vector.broadcast %eq3A_569 : i32 to vector<1x128xi32>
    %eq3A_571 = arith.cmpi eq, %iota3A_568, %eq3A_570 : vector<1x128xi32>
    %jit3A_572 = arith.constant 0.000000e+00 : f32
    %broadcast_in_dim3A_573 = vector.broadcast %reduce_sum3A_550 : f32 to vector<1x128xf32>
    %broadcast_in_dim3A_574 = vector.broadcast %jit3A_572 : f32 to vector<1x128xf32>
    %select_n3A_575 = arith.select %eq3A_571, %broadcast_in_dim3A_573, %broadcast_in_dim3A_574 : vector<1x128xi1>, vector<1x128xf32>
    %eq3A_576 = arith.constant 1 : i32
    %eq3A_577 = vector.broadcast %eq3A_576 : i32 to vector<1x128xi32>
    %eq3A_578 = arith.cmpi eq, %iota3A_568, %eq3A_577 : vector<1x128xi32>
    %jit3A_579 = arith.constant 0.000000e+00 : f32
    %broadcast_in_dim3A_580 = vector.broadcast %reduce_sum3A_556 : f32 to vector<1x128xf32>
    %broadcast_in_dim3A_581 = vector.broadcast %jit3A_579 : f32 to vector<1x128xf32>
    %select_n3A_582 = arith.select %eq3A_578, %broadcast_in_dim3A_580, %broadcast_in_dim3A_581 : vector<1x128xi1>, vector<1x128xf32>
    %add3A_583 = arith.addf %select_n3A_575, %select_n3A_582 : vector<1x128xf32>
    %eq3A_584 = arith.constant 2 : i32
    %eq3A_585 = vector.broadcast %eq3A_584 : i32 to vector<1x128xi32>
    %eq3A_586 = arith.cmpi eq, %iota3A_568, %eq3A_585 : vector<1x128xi32>
    %jit3A_587 = arith.constant 0.000000e+00 : f32
    %broadcast_in_dim3A_588 = vector.broadcast %reduce_sum3A_562 : f32 to vector<1x128xf32>
    %broadcast_in_dim3A_589 = vector.broadcast %jit3A_587 : f32 to vector<1x128xf32>
    %select_n3A_590 = arith.select %eq3A_586, %broadcast_in_dim3A_588, %broadcast_in_dim3A_589 : vector<1x128xi1>, vector<1x128xf32>
    %add3A_591 = arith.addf %add3A_583, %select_n3A_590 : vector<1x128xf32>
    %eq3A_592 = arith.constant 3 : i32
    %eq3A_593 = vector.broadcast %eq3A_592 : i32 to vector<1x128xi32>
    %eq3A_594 = arith.cmpi eq, %iota3A_568, %eq3A_593 : vector<1x128xi32>
    %jit3A_595 = arith.constant 0.000000e+00 : f32
    %broadcast_in_dim3A_596 = vector.broadcast %reduce_sum3A_567 : f32 to vector<1x128xf32>
    %broadcast_in_dim3A_597 = vector.broadcast %jit3A_595 : f32 to vector<1x128xf32>
    %select_n3A_598 = arith.select %eq3A_594, %broadcast_in_dim3A_596, %broadcast_in_dim3A_597 : vector<1x128xi1>, vector<1x128xf32>
    %add3A_599 = arith.addf %add3A_591, %select_n3A_598 : vector<1x128xf32>
    %eq3A_600 = arith.constant 0 : i32
    %eq3A_601 = arith.cmpi eq, %arg1, %eq3A_600 : i32
    %convert_element_type3A_602 = arith.extui %eq3A_601 : i1 to i32
    %cond3A = arith.constant 0 : i32
    %cond3A_603 = arith.cmpi ne, %convert_element_type3A_602, %cond3A : i32
    scf.if %cond3A_603 {
      %broadcast_in_dim3A_613 = arith.constant 0.000000e+00 : f32
      %broadcast_in_dim3A_614 = vector.broadcast %broadcast_in_dim3A_613 : f32 to vector<1x1x128xf32>
      %swap3A_615 = arith.constant 0 : index
      %swap3A_616 = arith.constant 0 : index
      %swap3A_617 = arith.constant 0 : index
      %swap3A_618 = vector.load %arg11[%swap3A_615, %swap3A_616, %swap3A_617] : memref<1x1x128xf32, #tpu.memory_space<vmem>>, vector<1x1x128xf32>
      tpu.vector_store %arg11[%swap3A_615, %swap3A_616, %swap3A_617], %broadcast_in_dim3A_614 {strides = array<i32>} : memref<1x1x128xf32, #tpu.memory_space<vmem>>, vector<1x1x128xf32>,
    } else {
    }
    %get3A_604 = arith.constant 0 : index
    %get3A_605 = arith.constant 0 : index
    %get3A_606 = arith.constant 0 : index
    %get3A_607 = vector.load %arg11[%get3A_604, %get3A_605, %get3A_606] : memref<1x1x128xf32, #tpu.memory_space<vmem>>, vector<1x1x128xf32>
    %reshape3A_608 = vector.shape_cast %add3A_599 : vector<1x128xf32> to vector<1x1x128xf32>
    %add3A_609 = arith.addf %get3A_607, %reshape3A_608 : vector<1x1x128xf32>
    %swap3A = arith.constant 0 : index
    %swap3A_610 = arith.constant 0 : index
    %swap3A_611 = arith.constant 0 : index
    %swap3A_612 = vector.load %arg11[%swap3A, %swap3A_610, %swap3A_611] : memref<1x1x128xf32, #tpu.memory_space<vmem>>, vector<1x1x128xf32>
    tpu.vector_store %arg11[%swap3A, %swap3A_610, %swap3A_611], %add3A_609 {strides = array<i32>} : memref<1x1x128xf32, #tpu.memory_space<vmem>>, vector<1x1x128xf32>,
    return
  }
  func.func @transform_0(%arg0: i32, %arg1: i32) -> (i32, i32, i32) {
    %c0_i32 = arith.constant 0 : i32
    %c0_i32_0 = arith.constant 0 : i32
    %c0_i32_1 = arith.constant 0 : i32
    return %arg0, %c0_i32, %c0_i32_0 : i32, i32, i32
  }
  func.func @transform_1(%arg0: i32, %arg1: i32) -> (i32, i32, i32) {
    %c0_i32 = arith.constant 0 : i32
    %c0_i32_0 = arith.constant 0 : i32
    %c0_i32_1 = arith.constant 0 : i32
    return %arg0, %c0_i32, %c0_i32_0 : i32, i32, i32
  }
  func.func @transform_2(%arg0: i32, %arg1: i32) -> (i32, i32, i32) {
    %c0_i32 = arith.constant 0 : i32
    %c0_i32_0 = arith.constant 0 : i32
    %c0_i32_1 = arith.constant 0 : i32
    return %arg0, %c0_i32, %c0_i32_0 : i32, i32, i32
  }
  func.func @transform_3(%arg0: i32, %arg1: i32) -> (i32, i32, i32) {
    %c0_i32 = arith.constant 0 : i32
    %c0_i32_0 = arith.constant 0 : i32
    %c0_i32_1 = arith.constant 0 : i32
    return %arg0, %c0_i32, %c0_i32_0 : i32, i32, i32
  }
  func.func @transform_4(%arg0: i32, %arg1: i32) -> (i32, i32, i32) {
    %c0_i32 = arith.constant 0 : i32
    %c0_i32_0 = arith.constant 0 : i32
    %c0_i32_1 = arith.constant 0 : i32
    return %arg0, %c0_i32, %c0_i32_0 : i32, i32, i32
  }
  func.func @transform_5(%arg0: i32, %arg1: i32) -> (i32, i32) {
    %mul3A = arith.constant 8 : i32
    %mul3A_0 = arith.muli %arg0, %mul3A : i32
    %add3A = arith.addi %mul3A_0, %arg1 : i32
    %c0_i32 = arith.constant 0 : i32
    %c0_i32_1 = arith.constant 0 : i32
    return %add3A, %c0_i32 : i32, i32
  }
  func.func @transform_6(%arg0: i32, %arg1: i32) -> (i32, i32) {
    %mul3A = arith.constant 8 : i32
    %mul3A_0 = arith.muli %arg0, %mul3A : i32
    %add3A = arith.addi %mul3A_0, %arg1 : i32
    %c0_i32 = arith.constant 0 : i32
    %c0_i32_1 = arith.constant 0 : i32
    return %add3A, %c0_i32 : i32, i32
  }
  func.func @transform_7(%arg0: i32, %arg1: i32) -> (i32, i32) {
    %mul3A = arith.constant 8 : i32
    %mul3A_0 = arith.muli %arg0, %mul3A : i32
    %add3A = arith.addi %mul3A_0, %arg1 : i32
    %c0_i32 = arith.constant 0 : i32
    %c0_i32_1 = arith.constant 0 : i32
    return %add3A, %c0_i32 : i32, i32
  }
  func.func @transform_8(%arg0: i32, %arg1: i32) -> (i32, i32) {
    %mul3A = arith.constant 8 : i32
    %mul3A_0 = arith.muli %arg0, %mul3A : i32
    %add3A = arith.addi %mul3A_0, %arg1 : i32
    %c0_i32 = arith.constant 0 : i32
    %c0_i32_1 = arith.constant 0 : i32
    return %add3A, %c0_i32 : i32, i32
  }
  func.func @transform_9(%arg0: i32, %arg1: i32) -> (i32, i32, i32) {
    %c0_i32 = arith.constant 0 : i32
    %c0_i32_0 = arith.constant 0 : i32
    %c0_i32_1 = arith.constant 0 : i32
    return %arg0, %c0_i32, %c0_i32_0 : i32, i32, i32
  }
}

module attributes {stable_mosaic.version = 14 : i64} {
  func.func @_photo_body(%arg0: i32, %arg1: memref<64x2048xf32, #tpu.memory_space<vmem>>, %arg2: memref<64x2048xf32, #tpu.memory_space<vmem>>, %arg3: memref<1x2048xf32, #tpu.memory_space<vmem>>, %arg4: memref<1x2048xf32, #tpu.memory_space<vmem>>, %arg5: memref<1x2048xf32, #tpu.memory_space<vmem>>, %arg6: memref<1x2048xf32, #tpu.memory_space<vmem>>, %arg7: memref<1x2048xf32, #tpu.memory_space<vmem>>, %arg8: memref<1x128xf32, #tpu.memory_space<vmem>>) attributes {dimension_semantics = [#tpu.dimension_semantics<arbitrary>], iteration_bounds = array<i64: 8>, scalar_prefetch = 0 : i64, scratch_operands = 0 : i64, tpu.core_type = #tpu.core_type<tc>, window_params = [{transform_indices = @transform_0, window_bounds = array<i64: 64, 2048>}, {transform_indices = @transform_1, window_bounds = array<i64: 64, 2048>}, {transform_indices = @transform_2, window_bounds = array<i64: 1, 2048>}, {transform_indices = @transform_3, window_bounds = array<i64: 1, 2048>}, {transform_indices = @transform_4, window_bounds = array<i64: 1, 2048>}, {transform_indices = @transform_5, window_bounds = array<i64: 1, 2048>}, {transform_indices = @transform_6, window_bounds = array<i64: 1, 2048>}, {pipeline_mode = #tpu.pipeline_mode<synchronous>, transform_indices = @transform_7, window_bounds = array<i64: 1, 128>}]} {
    %get3A = arith.constant 0 : index
    %get3A_0 = arith.constant 0 : index
    %get3A_1 = vector.load %arg7[%get3A, %get3A_0] : memref<1x2048xf32, #tpu.memory_space<vmem>>, vector<1x2048xf32>
    %get3A_2 = arith.constant 0 : index
    %get3A_3 = arith.constant 0 : index
    %get3A_4 = vector.load %arg3[%get3A_2, %get3A_3] : memref<1x2048xf32, #tpu.memory_space<vmem>>, vector<1x2048xf32>
    %get3A_5 = arith.constant 0 : index
    %get3A_6 = arith.constant 0 : index
    %get3A_7 = vector.load %arg4[%get3A_5, %get3A_6] : memref<1x2048xf32, #tpu.memory_space<vmem>>, vector<1x2048xf32>
    %floor3A = math.floor %get3A_4 : vector<1x2048xf32>
    %sub3A = arith.subf %get3A_4, %floor3A : vector<1x2048xf32>
    %floor3A_8 = math.floor %get3A_7 : vector<1x2048xf32>
    %sub3A_9 = arith.subf %get3A_7, %floor3A_8 : vector<1x2048xf32>
    %get3A_10 = arith.constant 0 : index
    %get3A_11 = arith.constant 0 : index
    %get3A_12 = vector.load %arg1[%get3A_10, %get3A_11] : memref<64x2048xf32, #tpu.memory_space<vmem>>, vector<56x2048xf32>
    %sub3A_13 = arith.constant 1.000000e+00 : f32
    %sub3A_14 = vector.broadcast %sub3A_13 : f32 to vector<1x2048xf32>
    %sub3A_15 = arith.subf %sub3A_14, %sub3A_9 : vector<1x2048xf32>
    %mul3A = vector.broadcast %sub3A_15 : vector<1x2048xf32> to vector<56x2048xf32>
    %mul3A_16 = arith.mulf %get3A_12, %mul3A : vector<56x2048xf32>
    %get3A_17 = arith.constant 8 : index
    %get3A_18 = arith.constant 0 : index
    %get3A_19 = vector.load %arg1[%get3A_17, %get3A_18] : memref<64x2048xf32, #tpu.memory_space<vmem>>, vector<56x2048xf32>
    %mul3A_20 = vector.broadcast %sub3A_9 : vector<1x2048xf32> to vector<56x2048xf32>
    %mul3A_21 = arith.mulf %get3A_19, %mul3A_20 : vector<56x2048xf32>
    %add3A = arith.addf %mul3A_16, %mul3A_21 : vector<56x2048xf32>
    %reshape3A = vector.shape_cast %add3A : vector<56x2048xf32> to vector<7x8x2048xf32>
    %slice3A = vector.extract_strided_slice %reshape3A {offsets = [0, 0, 0], sizes = [7, 7, 2048], strides = [1, 1, 1]} : vector<7x8x2048xf32> to vector<7x7x2048xf32>
    %sub3A_22 = arith.constant 1.000000e+00 : f32
    %sub3A_23 = vector.broadcast %sub3A_22 : f32 to vector<1x2048xf32>
    %sub3A_24 = arith.subf %sub3A_23, %sub3A : vector<1x2048xf32>
    %broadcast_in_dim3A = vector.shape_cast %sub3A_24 : vector<1x2048xf32> to vector<1x1x2048xf32>
    %mul3A_25 = vector.broadcast %broadcast_in_dim3A : vector<1x1x2048xf32> to vector<7x7x2048xf32>
    %mul3A_26 = arith.mulf %slice3A, %mul3A_25 : vector<7x7x2048xf32>
    %slice3A_27 = vector.extract_strided_slice %reshape3A {offsets = [0, 1, 0], sizes = [7, 7, 2048], strides = [1, 1, 1]} : vector<7x8x2048xf32> to vector<7x7x2048xf32>
    %broadcast_in_dim3A_28 = vector.shape_cast %sub3A : vector<1x2048xf32> to vector<1x1x2048xf32>
    %mul3A_29 = vector.broadcast %broadcast_in_dim3A_28 : vector<1x1x2048xf32> to vector<7x7x2048xf32>
    %mul3A_30 = arith.mulf %slice3A_27, %mul3A_29 : vector<7x7x2048xf32>
    %add3A_31 = arith.addf %mul3A_26, %mul3A_30 : vector<7x7x2048xf32>
    %slice3A_32 = vector.extract_strided_slice %add3A {offsets = [27, 0], sizes = [1, 2048], strides = [1, 1]} : vector<56x2048xf32> to vector<1x2048xf32>
    %sub3A_33 = arith.constant 1.000000e+00 : f32
    %sub3A_34 = vector.broadcast %sub3A_33 : f32 to vector<1x2048xf32>
    %sub3A_35 = arith.subf %sub3A_34, %sub3A : vector<1x2048xf32>
    %mul3A_36 = arith.mulf %slice3A_32, %sub3A_35 : vector<1x2048xf32>
    %slice3A_37 = vector.extract_strided_slice %add3A {offsets = [28, 0], sizes = [1, 2048], strides = [1, 1]} : vector<56x2048xf32> to vector<1x2048xf32>
    %mul3A_38 = arith.mulf %slice3A_37, %sub3A : vector<1x2048xf32>
    %add3A_39 = arith.addf %mul3A_36, %mul3A_38 : vector<1x2048xf32>
    %get3A_40 = arith.constant 0 : index
    %get3A_41 = arith.constant 0 : index
    %get3A_42 = vector.load %arg5[%get3A_40, %get3A_41] : memref<1x2048xf32, #tpu.memory_space<vmem>>, vector<1x2048xf32>
    %get3A_43 = arith.constant 0 : index
    %get3A_44 = arith.constant 0 : index
    %get3A_45 = vector.load %arg6[%get3A_43, %get3A_44] : memref<1x2048xf32, #tpu.memory_space<vmem>>, vector<1x2048xf32>
    %floor3A_46 = math.floor %get3A_42 : vector<1x2048xf32>
    %sub3A_47 = arith.subf %get3A_42, %floor3A_46 : vector<1x2048xf32>
    %floor3A_48 = math.floor %get3A_45 : vector<1x2048xf32>
    %sub3A_49 = arith.subf %get3A_45, %floor3A_48 : vector<1x2048xf32>
    %get3A_50 = arith.constant 0 : index
    %get3A_51 = arith.constant 0 : index
    %get3A_52 = vector.load %arg2[%get3A_50, %get3A_51] : memref<64x2048xf32, #tpu.memory_space<vmem>>, vector<56x2048xf32>
    %sub3A_53 = arith.constant 1.000000e+00 : f32
    %sub3A_54 = vector.broadcast %sub3A_53 : f32 to vector<1x2048xf32>
    %sub3A_55 = arith.subf %sub3A_54, %sub3A_49 : vector<1x2048xf32>
    %mul3A_56 = vector.broadcast %sub3A_55 : vector<1x2048xf32> to vector<56x2048xf32>
    %mul3A_57 = arith.mulf %get3A_52, %mul3A_56 : vector<56x2048xf32>
    %get3A_58 = arith.constant 8 : index
    %get3A_59 = arith.constant 0 : index
    %get3A_60 = vector.load %arg2[%get3A_58, %get3A_59] : memref<64x2048xf32, #tpu.memory_space<vmem>>, vector<56x2048xf32>
    %mul3A_61 = vector.broadcast %sub3A_49 : vector<1x2048xf32> to vector<56x2048xf32>
    %mul3A_62 = arith.mulf %get3A_60, %mul3A_61 : vector<56x2048xf32>
    %add3A_63 = arith.addf %mul3A_57, %mul3A_62 : vector<56x2048xf32>
    %reshape3A_64 = vector.shape_cast %add3A_63 : vector<56x2048xf32> to vector<7x8x2048xf32>
    %slice3A_65 = vector.extract_strided_slice %reshape3A_64 {offsets = [0, 0, 0], sizes = [7, 7, 2048], strides = [1, 1, 1]} : vector<7x8x2048xf32> to vector<7x7x2048xf32>
    %sub3A_66 = arith.constant 1.000000e+00 : f32
    %sub3A_67 = vector.broadcast %sub3A_66 : f32 to vector<1x2048xf32>
    %sub3A_68 = arith.subf %sub3A_67, %sub3A_47 : vector<1x2048xf32>
    %broadcast_in_dim3A_69 = vector.shape_cast %sub3A_68 : vector<1x2048xf32> to vector<1x1x2048xf32>
    %mul3A_70 = vector.broadcast %broadcast_in_dim3A_69 : vector<1x1x2048xf32> to vector<7x7x2048xf32>
    %mul3A_71 = arith.mulf %slice3A_65, %mul3A_70 : vector<7x7x2048xf32>
    %slice3A_72 = vector.extract_strided_slice %reshape3A_64 {offsets = [0, 1, 0], sizes = [7, 7, 2048], strides = [1, 1, 1]} : vector<7x8x2048xf32> to vector<7x7x2048xf32>
    %broadcast_in_dim3A_73 = vector.shape_cast %sub3A_47 : vector<1x2048xf32> to vector<1x1x2048xf32>
    %mul3A_74 = vector.broadcast %broadcast_in_dim3A_73 : vector<1x1x2048xf32> to vector<7x7x2048xf32>
    %mul3A_75 = arith.mulf %slice3A_72, %mul3A_74 : vector<7x7x2048xf32>
    %add3A_76 = arith.addf %mul3A_71, %mul3A_75 : vector<7x7x2048xf32>
    %slice3A_77 = vector.extract_strided_slice %add3A_63 {offsets = [27, 0], sizes = [1, 2048], strides = [1, 1]} : vector<56x2048xf32> to vector<1x2048xf32>
    %sub3A_78 = arith.constant 1.000000e+00 : f32
    %sub3A_79 = vector.broadcast %sub3A_78 : f32 to vector<1x2048xf32>
    %sub3A_80 = arith.subf %sub3A_79, %sub3A_47 : vector<1x2048xf32>
    %mul3A_81 = arith.mulf %slice3A_77, %sub3A_80 : vector<1x2048xf32>
    %slice3A_82 = vector.extract_strided_slice %add3A_63 {offsets = [28, 0], sizes = [1, 2048], strides = [1, 1]} : vector<56x2048xf32> to vector<1x2048xf32>
    %mul3A_83 = arith.mulf %slice3A_82, %sub3A_47 : vector<1x2048xf32>
    %add3A_84 = arith.addf %mul3A_81, %mul3A_83 : vector<1x2048xf32>
    %sub3A_85 = arith.subf %add3A_31, %add3A_76 : vector<7x7x2048xf32>
    %abs3A = math.absf %sub3A_85 : vector<7x7x2048xf32>
    %reduce_sum3A = arith.constant dense<0.000000e+00> : vector<7x2048xf32>
    %reduce_sum3A_86 = vector.multi_reduction <add>, %abs3A, %reduce_sum3A [1] : vector<7x7x2048xf32> to vector<7x2048xf32>
    %reduce_sum3A_87 = arith.constant dense<0.000000e+00> : vector<2048xf32>
    %reduce_sum3A_88 = vector.multi_reduction <add>, %reduce_sum3A_86, %reduce_sum3A_87 [0] : vector<7x2048xf32> to vector<2048xf32>
    %broadcast_in_dim3A_89 = vector.shape_cast %reduce_sum3A_88 : vector<2048xf32> to vector<1x2048xf32>
    %mul3A_90 = arith.constant 0.0204081628 : f32
    %mul3A_91 = vector.broadcast %mul3A_90 : f32 to vector<1x2048xf32>
    %mul3A_92 = arith.mulf %broadcast_in_dim3A_89, %mul3A_91 : vector<1x2048xf32>
    %gt3A = arith.constant 2.000000e-02 : f32
    %gt3A_93 = vector.broadcast %gt3A : f32 to vector<1x2048xf32>
    %gt3A_94 = arith.cmpf ogt, %add3A_39, %gt3A_93 : vector<1x2048xf32>
    %convert_element_type3A = arith.extui %gt3A_94 : vector<1x2048xi1> to vector<1x2048xi32>
    %convert_element_type3A_95 = arith.sitofp %convert_element_type3A : vector<1x2048xi32> to vector<1x2048xf32>
    %mul3A_96 = arith.mulf %get3A_1, %convert_element_type3A_95 : vector<1x2048xf32>
    %mul3A_97 = arith.mulf %mul3A_92, %mul3A_96 : vector<1x2048xf32>
    %reduce_sum3A_98 = vector.shape_cast %mul3A_97 : vector<1x2048xf32> to vector<1x1x2048xf32>
    %reduce_sum3A_99 = arith.constant dense<0.000000e+00> : vector<1xf32>
    %reduce_sum3A_100 = vector.multi_reduction <add>, %reduce_sum3A_98, %reduce_sum3A_99 [1, 2] : vector<1x1x2048xf32> to vector<1xf32>
    %reduce_sum3A_101 = vector.shape_cast %reduce_sum3A_100 : vector<1xf32> to vector<1x1x1xf32>
    %reduce_sum3A_102 = vector.extract %reduce_sum3A_101[0, 0, 0] : f32 from vector<1x1x1xf32>
    %reduce_sum3A_103 = vector.shape_cast %mul3A_96 : vector<1x2048xf32> to vector<1x1x2048xf32>
    %reduce_sum3A_104 = arith.constant dense<0.000000e+00> : vector<1xf32>
    %reduce_sum3A_105 = vector.multi_reduction <add>, %reduce_sum3A_103, %reduce_sum3A_104 [1, 2] : vector<1x1x2048xf32> to vector<1xf32>
    %reduce_sum3A_106 = vector.shape_cast %reduce_sum3A_105 : vector<1xf32> to vector<1x1x1xf32>
    %reduce_sum3A_107 = vector.extract %reduce_sum3A_106[0, 0, 0] : f32 from vector<1x1x1xf32>
    %sub3A_108 = arith.subf %add3A_39, %add3A_84 : vector<1x2048xf32>
    %abs3A_109 = math.absf %sub3A_108 : vector<1x2048xf32>
    %lt3A = arith.constant 1.000000e+00 : f32
    %lt3A_110 = vector.broadcast %lt3A : f32 to vector<1x2048xf32>
    %lt3A_111 = arith.cmpf olt, %abs3A_109, %lt3A_110 : vector<1x2048xf32>
    %mul3A_112 = arith.constant 5.000000e-01 : f32
    %mul3A_113 = vector.broadcast %mul3A_112 : f32 to vector<1x2048xf32>
    %mul3A_114 = arith.mulf %mul3A_113, %abs3A_109 : vector<1x2048xf32>
    %mul3A_115 = arith.mulf %mul3A_114, %abs3A_109 : vector<1x2048xf32>
    %div3A = arith.constant 1.000000e+00 : f32
    %div3A_116 = vector.broadcast %div3A : f32 to vector<1x2048xf32>
    %div3A_117 = arith.divf %mul3A_115, %div3A_116 : vector<1x2048xf32>
    %mul3A_118 = arith.constant 5.000000e-01 : f32
    %mul3A_119 = arith.constant 1.000000e+00 : f32
    %mul3A_120 = arith.mulf %mul3A_118, %mul3A_119 : f32
    %sub3A_121 = vector.broadcast %mul3A_120 : f32 to vector<1x2048xf32>
    %sub3A_122 = arith.subf %abs3A_109, %sub3A_121 : vector<1x2048xf32>
    %select_n3A = arith.select %lt3A_111, %div3A_117, %sub3A_122 : vector<1x2048xi1>, vector<1x2048xf32>
    %mul3A_123 = arith.mulf %select_n3A, %mul3A_96 : vector<1x2048xf32>
    %reduce_sum3A_124 = vector.shape_cast %mul3A_123 : vector<1x2048xf32> to vector<1x1x2048xf32>
    %reduce_sum3A_125 = arith.constant dense<0.000000e+00> : vector<1xf32>
    %reduce_sum3A_126 = vector.multi_reduction <add>, %reduce_sum3A_124, %reduce_sum3A_125 [1, 2] : vector<1x1x2048xf32> to vector<1xf32>
    %reduce_sum3A_127 = vector.shape_cast %reduce_sum3A_126 : vector<1xf32> to vector<1x1x1xf32>
    %reduce_sum3A_128 = vector.extract %reduce_sum3A_127[0, 0, 0] : f32 from vector<1x1x1xf32>
    %get3A_129 = arith.constant 0 : index
    %get3A_130 = arith.constant 0 : index
    %get3A_131 = vector.load %arg4[%get3A_129, %get3A_130] : memref<1x2048xf32, #tpu.memory_space<vmem>>, vector<1x2048xf32>
    %get3A_132 = arith.constant 0 : index
    %get3A_133 = arith.constant 0 : index
    %get3A_134 = vector.load %arg6[%get3A_132, %get3A_133] : memref<1x2048xf32, #tpu.memory_space<vmem>>, vector<1x2048xf32>
    %sub3A_135 = arith.subf %get3A_131, %get3A_134 : vector<1x2048xf32>
    %abs3A_136 = math.absf %sub3A_135 : vector<1x2048xf32>
    %mul3A_137 = arith.mulf %abs3A_136, %get3A_1 : vector<1x2048xf32>
    %reduce_sum3A_138 = vector.shape_cast %mul3A_137 : vector<1x2048xf32> to vector<1x1x2048xf32>
    %reduce_sum3A_139 = arith.constant dense<0.000000e+00> : vector<1xf32>
    %reduce_sum3A_140 = vector.multi_reduction <add>, %reduce_sum3A_138, %reduce_sum3A_139 [1, 2] : vector<1x1x2048xf32> to vector<1xf32>
    %reduce_sum3A_141 = vector.shape_cast %reduce_sum3A_140 : vector<1xf32> to vector<1x1x1xf32>
    %reduce_sum3A_142 = vector.extract %reduce_sum3A_141[0, 0, 0] : f32 from vector<1x1x1xf32>
    %reduce_sum3A_143 = vector.shape_cast %get3A_1 : vector<1x2048xf32> to vector<1x1x2048xf32>
    %reduce_sum3A_144 = arith.constant dense<0.000000e+00> : vector<1xf32>
    %reduce_sum3A_145 = vector.multi_reduction <add>, %reduce_sum3A_143, %reduce_sum3A_144 [1, 2] : vector<1x1x2048xf32> to vector<1xf32>
    %reduce_sum3A_146 = vector.shape_cast %reduce_sum3A_145 : vector<1xf32> to vector<1x1x1xf32>
    %reduce_sum3A_147 = vector.extract %reduce_sum3A_146[0, 0, 0] : f32 from vector<1x1x1xf32>
    %reduce_sum3A_148 = vector.shape_cast %abs3A_136 : vector<1x2048xf32> to vector<1x1x2048xf32>
    %reduce_sum3A_149 = arith.constant dense<0.000000e+00> : vector<1xf32>
    %reduce_sum3A_150 = vector.multi_reduction <add>, %reduce_sum3A_148, %reduce_sum3A_149 [1, 2] : vector<1x1x2048xf32> to vector<1xf32>
    %reduce_sum3A_151 = vector.shape_cast %reduce_sum3A_150 : vector<1xf32> to vector<1x1x1xf32>
    %reduce_sum3A_152 = vector.extract %reduce_sum3A_151[0, 0, 0] : f32 from vector<1x1x1xf32>
    %gt3A_153 = arith.constant 1.000000e-01 : f32
    %gt3A_154 = vector.broadcast %gt3A_153 : f32 to vector<1x2048xf32>
    %gt3A_155 = arith.cmpf ogt, %get3A_1, %gt3A_154 : vector<1x2048xf32>
    %convert_element_type3A_156 = arith.extui %gt3A_155 : vector<1x2048xi1> to vector<1x2048xi32>
    %convert_element_type3A_157 = arith.sitofp %convert_element_type3A_156 : vector<1x2048xi32> to vector<1x2048xf32>
    %reduce_sum3A_158 = vector.shape_cast %convert_element_type3A_157 : vector<1x2048xf32> to vector<1x1x2048xf32>
    %reduce_sum3A_159 = arith.constant dense<0.000000e+00> : vector<1xf32>
    %reduce_sum3A_160 = vector.multi_reduction <add>, %reduce_sum3A_158, %reduce_sum3A_159 [1, 2] : vector<1x1x2048xf32> to vector<1xf32>
    %reduce_sum3A_161 = vector.shape_cast %reduce_sum3A_160 : vector<1xf32> to vector<1x1x1xf32>
    %reduce_sum3A_162 = vector.extract %reduce_sum3A_161[0, 0, 0] : f32 from vector<1x1x1xf32>
    %iota3A = tpu.iota {dimensions = array<i32: 1>} : vector<1x128xi32>
    %eq3A = arith.constant 0 : i32
    %eq3A_163 = vector.broadcast %eq3A : i32 to vector<1x128xi32>
    %eq3A_164 = arith.cmpi eq, %iota3A, %eq3A_163 : vector<1x128xi32>
    %jit3A = arith.constant 0.000000e+00 : f32
    %broadcast_in_dim3A_165 = vector.broadcast %reduce_sum3A_102 : f32 to vector<1x128xf32>
    %broadcast_in_dim3A_166 = vector.broadcast %jit3A : f32 to vector<1x128xf32>
    %select_n3A_167 = arith.select %eq3A_164, %broadcast_in_dim3A_165, %broadcast_in_dim3A_166 : vector<1x128xi1>, vector<1x128xf32>
    %eq3A_168 = arith.constant 1 : i32
    %eq3A_169 = vector.broadcast %eq3A_168 : i32 to vector<1x128xi32>
    %eq3A_170 = arith.cmpi eq, %iota3A, %eq3A_169 : vector<1x128xi32>
    %jit3A_171 = arith.constant 0.000000e+00 : f32
    %broadcast_in_dim3A_172 = vector.broadcast %reduce_sum3A_107 : f32 to vector<1x128xf32>
    %broadcast_in_dim3A_173 = vector.broadcast %jit3A_171 : f32 to vector<1x128xf32>
    %select_n3A_174 = arith.select %eq3A_170, %broadcast_in_dim3A_172, %broadcast_in_dim3A_173 : vector<1x128xi1>, vector<1x128xf32>
    %add3A_175 = arith.addf %select_n3A_167, %select_n3A_174 : vector<1x128xf32>
    %eq3A_176 = arith.constant 2 : i32
    %eq3A_177 = vector.broadcast %eq3A_176 : i32 to vector<1x128xi32>
    %eq3A_178 = arith.cmpi eq, %iota3A, %eq3A_177 : vector<1x128xi32>
    %jit3A_179 = arith.constant 0.000000e+00 : f32
    %broadcast_in_dim3A_180 = vector.broadcast %reduce_sum3A_128 : f32 to vector<1x128xf32>
    %broadcast_in_dim3A_181 = vector.broadcast %jit3A_179 : f32 to vector<1x128xf32>
    %select_n3A_182 = arith.select %eq3A_178, %broadcast_in_dim3A_180, %broadcast_in_dim3A_181 : vector<1x128xi1>, vector<1x128xf32>
    %add3A_183 = arith.addf %add3A_175, %select_n3A_182 : vector<1x128xf32>
    %eq3A_184 = arith.constant 3 : i32
    %eq3A_185 = vector.broadcast %eq3A_184 : i32 to vector<1x128xi32>
    %eq3A_186 = arith.cmpi eq, %iota3A, %eq3A_185 : vector<1x128xi32>
    %jit3A_187 = arith.constant 0.000000e+00 : f32
    %broadcast_in_dim3A_188 = vector.broadcast %reduce_sum3A_142 : f32 to vector<1x128xf32>
    %broadcast_in_dim3A_189 = vector.broadcast %jit3A_187 : f32 to vector<1x128xf32>
    %select_n3A_190 = arith.select %eq3A_186, %broadcast_in_dim3A_188, %broadcast_in_dim3A_189 : vector<1x128xi1>, vector<1x128xf32>
    %add3A_191 = arith.addf %add3A_183, %select_n3A_190 : vector<1x128xf32>
    %eq3A_192 = arith.constant 4 : i32
    %eq3A_193 = vector.broadcast %eq3A_192 : i32 to vector<1x128xi32>
    %eq3A_194 = arith.cmpi eq, %iota3A, %eq3A_193 : vector<1x128xi32>
    %jit3A_195 = arith.constant 0.000000e+00 : f32
    %broadcast_in_dim3A_196 = vector.broadcast %reduce_sum3A_147 : f32 to vector<1x128xf32>
    %broadcast_in_dim3A_197 = vector.broadcast %jit3A_195 : f32 to vector<1x128xf32>
    %select_n3A_198 = arith.select %eq3A_194, %broadcast_in_dim3A_196, %broadcast_in_dim3A_197 : vector<1x128xi1>, vector<1x128xf32>
    %add3A_199 = arith.addf %add3A_191, %select_n3A_198 : vector<1x128xf32>
    %eq3A_200 = arith.constant 5 : i32
    %eq3A_201 = vector.broadcast %eq3A_200 : i32 to vector<1x128xi32>
    %eq3A_202 = arith.cmpi eq, %iota3A, %eq3A_201 : vector<1x128xi32>
    %jit3A_203 = arith.constant 0.000000e+00 : f32
    %broadcast_in_dim3A_204 = vector.broadcast %reduce_sum3A_152 : f32 to vector<1x128xf32>
    %broadcast_in_dim3A_205 = vector.broadcast %jit3A_203 : f32 to vector<1x128xf32>
    %select_n3A_206 = arith.select %eq3A_202, %broadcast_in_dim3A_204, %broadcast_in_dim3A_205 : vector<1x128xi1>, vector<1x128xf32>
    %add3A_207 = arith.addf %add3A_199, %select_n3A_206 : vector<1x128xf32>
    %eq3A_208 = arith.constant 6 : i32
    %eq3A_209 = vector.broadcast %eq3A_208 : i32 to vector<1x128xi32>
    %eq3A_210 = arith.cmpi eq, %iota3A, %eq3A_209 : vector<1x128xi32>
    %jit3A_211 = arith.constant 0.000000e+00 : f32
    %broadcast_in_dim3A_212 = vector.broadcast %reduce_sum3A_162 : f32 to vector<1x128xf32>
    %broadcast_in_dim3A_213 = vector.broadcast %jit3A_211 : f32 to vector<1x128xf32>
    %select_n3A_214 = arith.select %eq3A_210, %broadcast_in_dim3A_212, %broadcast_in_dim3A_213 : vector<1x128xi1>, vector<1x128xf32>
    %add3A_215 = arith.addf %add3A_207, %select_n3A_214 : vector<1x128xf32>
    %eq3A_216 = arith.constant 0 : i32
    %eq3A_217 = arith.cmpi eq, %arg0, %eq3A_216 : i32
    %convert_element_type3A_218 = arith.extui %eq3A_217 : i1 to i32
    %cond3A = arith.constant 0 : i32
    %cond3A_219 = arith.cmpi ne, %convert_element_type3A_218, %cond3A : i32
    scf.if %cond3A_219 {
      %broadcast_in_dim3A_226 = arith.constant 0.000000e+00 : f32
      %broadcast_in_dim3A_227 = vector.broadcast %broadcast_in_dim3A_226 : f32 to vector<1x128xf32>
      %swap3A_228 = arith.constant 0 : index
      %swap3A_229 = arith.constant 0 : index
      %swap3A_230 = vector.load %arg8[%swap3A_228, %swap3A_229] : memref<1x128xf32, #tpu.memory_space<vmem>>, vector<1x128xf32>
      tpu.vector_store %arg8[%swap3A_228, %swap3A_229], %broadcast_in_dim3A_227 {strides = array<i32>} : memref<1x128xf32, #tpu.memory_space<vmem>>, vector<1x128xf32>,
    } else {
    }
    %get3A_220 = arith.constant 0 : index
    %get3A_221 = arith.constant 0 : index
    %get3A_222 = vector.load %arg8[%get3A_220, %get3A_221] : memref<1x128xf32, #tpu.memory_space<vmem>>, vector<1x128xf32>
    %add3A_223 = arith.addf %get3A_222, %add3A_215 : vector<1x128xf32>
    %swap3A = arith.constant 0 : index
    %swap3A_224 = arith.constant 0 : index
    %swap3A_225 = vector.load %arg8[%swap3A, %swap3A_224] : memref<1x128xf32, #tpu.memory_space<vmem>>, vector<1x128xf32>
    tpu.vector_store %arg8[%swap3A, %swap3A_224], %add3A_223 {strides = array<i32>} : memref<1x128xf32, #tpu.memory_space<vmem>>, vector<1x128xf32>,
    return
  }
  func.func @transform_0(%arg0: i32) -> (i32, i32) {
    %c0_i32 = arith.constant 0 : i32
    %c0_i32_0 = arith.constant 0 : i32
    return %c0_i32, %arg0 : i32, i32
  }
  func.func @transform_1(%arg0: i32) -> (i32, i32) {
    %c0_i32 = arith.constant 0 : i32
    %c0_i32_0 = arith.constant 0 : i32
    return %c0_i32, %arg0 : i32, i32
  }
  func.func @transform_2(%arg0: i32) -> (i32, i32) {
    %c0_i32 = arith.constant 0 : i32
    %c0_i32_0 = arith.constant 0 : i32
    return %c0_i32, %arg0 : i32, i32
  }
  func.func @transform_3(%arg0: i32) -> (i32, i32) {
    %c0_i32 = arith.constant 0 : i32
    %c0_i32_0 = arith.constant 0 : i32
    return %c0_i32, %arg0 : i32, i32
  }
  func.func @transform_4(%arg0: i32) -> (i32, i32) {
    %c0_i32 = arith.constant 0 : i32
    %c0_i32_0 = arith.constant 0 : i32
    return %c0_i32, %arg0 : i32, i32
  }
  func.func @transform_5(%arg0: i32) -> (i32, i32) {
    %c0_i32 = arith.constant 0 : i32
    %c0_i32_0 = arith.constant 0 : i32
    return %c0_i32, %arg0 : i32, i32
  }
  func.func @transform_6(%arg0: i32) -> (i32, i32) {
    %c0_i32 = arith.constant 0 : i32
    %c0_i32_0 = arith.constant 0 : i32
    return %c0_i32, %arg0 : i32, i32
  }
  func.func @transform_7(%arg0: i32) -> (i32, i32) {
    %c0_i32 = arith.constant 0 : i32
    %c0_i32_0 = arith.constant 0 : i32
    %c0_i32_1 = arith.constant 0 : i32
    return %c0_i32, %c0_i32_0 : i32, i32
  }
}

</mosaic_0001>

<sc_bundles>
// kernel: kernel.5.cloned.1.call-start
scs
__scs_entry_jumppad:
0x0: {  	(pc) =	sbr.rel $0x88, $3  }
0x1: {  	(tag) =	ssettag $0x0;
	lr =	simm.s32 $0x1  }
0x2: {  	[smem:$0x3F9B] =	sst lr;
	_ =	strace $0xD0000000  }
0x3: {  	_ = 	snop  }
0x4: {  	_ = 	snop  }
0x5: {  	_ = 	snop  }
0x6: {  	_ = 	snop  }
0x7: {  	_ = 	snop  }
__scs_overlays_trampoline_lowered:
0x8: {  	[smem:$0x3FAA] =	sst s0  }
0x9: {  	[smem:$0x3FAB] =	sst s1  }
0xa: {  	[smem:$0x3FAC] =	sst s2  }
0xb: {  	[smem:$0x3FAD] =	sst s3  }
0xc: {  	[smem:$0x3FAE] =	sst s4  }
0xd: {  	[smem:$0x3FAF] =	sst s5  }
0xe: {  	[smem:$0x3FB0] =	sst s6  }
0xf: {  	[smem:$0x3FB1] =	sst s7  }
0x10: {  	[smem:$0x3FB2] =	sst s8  }
0x11: {  	[smem:$0x3FB3] =	sst s9;
	s0 =	simm.s32 @!p0 $0x0  }
0x12: {  	s1 =	sld [smem:$0x3F99];
	s0 =	simm.s32 @p0 $0x1  }
0x13: {  	[smem:$0x3FB4] =	sst s0;
	s0 =	simm.s32 @!p1 $0x0  }
0x14: {  	s2 =	sld [smem:$0x3F98];
	s0 =	simm.s32 @p1 $0x1  }
0x15: {  	[smem:$0x3FB5] =	sst s0;
	s0 =	simm.s32 @!p2 $0x0  }
0x16: {  	s3 =	sld [smem:$0x3FDB];
	s0 =	simm.s32 @p2 $0x1  }
0x17: {  	s4 =	simm.s32 $0x1BF5;
	[smem:$0x3FB7] =	sst s0  }
0x18: {  	s0 =	sld [smem:$0x3F9A];
	_ =	swait.ge [sflag:s4], $0x0  }
0x19: {  	s7 =	sld [smem:$0x3F9B]  }
0x1a: {  	s8 =	sadd.s32 $0xFFFFE003, lr  }
0x1b: {  	s9 =	sadd.s32 $0xFFFFFEF7, lr;
	s5 =	simm.s32 $0xFFFFFFFF;
	p2 =	slt.u32 s8, $0xFFFFF086  }
0x1c: {  	p1 =	slt.u32 s9, $0xF7A;
	s5 =	simm.s32 @!p2 $0x0  }
0x1d: {  	s5 =	simm.s32 @p1 $0x1;
	p0 =	seq.s32 s7, s2  }
0x1e: {  	s7 =	smul.u32 @!p0 $0xF7A, s2;
	p2 =	seq.s32 @!p0 s5, $0x0  }
0x1f: {  	s9 =	smul.u32 $0xF7A, s1;
	s8 =	simm.s32 @!p0 $0x1BF5;
	p2 =	por !p2, p0  }
0x20: {  	[sflag:s8] =	ssyncset.s32 @!p0 $0xFFFFF086;
	s6 =	sadd.s32 @!p0 s3, s7;
	s7 =	simm.s32 @!p0 $0x108  }
0x21: {  	s3 =	sadd.s32 s3, s9;
	s6 =	sadd.s32 @!p0 $0x88, s6;
	s7 =	simm.s32 @p2 $0x1082  }
0x22: {  	[simem:s7], [sflag:s8] =	dma.local @!p0 [hbm:s6], $0xF7A  }
0x23: {  	s9 =	sor.u32 $0xD0000000, s2;
	s6 =	simm.s32 $0x108;
	_ =	swait.ge @!p0 [sflag:s8], $0x0  }
0x24: {  	s3 =	sadd.s32 $0x88, s3;
	s6 =	simm.s32 @!p1 $0x1082;
	[sflag:s4] =	ssyncset.s32 $0xFFFFF086  }
0x25: {  	[simem:s6], [sflag:s4] =	dma.local [hbm:s3], $0xF7A  }
0x26: {  	[smem:$0x3F9B] =	sst s1;
	(tag) =	ssettag s2;
	_ =	strace s9  }
0x27: {  	s1 =	sld [smem:$0x3FAB]  }
0x28: {  	s2 =	sld [smem:$0x3FAC]  }
0x29: {  	s4 =	sld [smem:$0x3FAE]  }
0x2a: {  	p0 =	seq.s32 s5, $0x0;
	s5 =	sld [smem:$0x3FAF]  }
0x2b: {  	s6 =	sld [smem:$0x3FB0]  }
0x2c: {  	s7 =	sld [smem:$0x3FB1]  }
0x2d: {  	s3 =	simm.s32 $0x108;
	s8 =	sld [smem:$0x3FB2]  }
0x2e: {  	s3 =	simm.s32 @!p0 $0x1082;
	s9 =	sld [smem:$0x3FB3]  }
0x2f: {  	lr =	sadd.s32 s0, s3;
	s0 =	sld [smem:$0x3FAA]  }
0x30: {  	s3 =	sld [smem:$0x3FAD]  }
0x31: {  	[smem:$0x3FB6] =	sst s10  }
0x32: {  	s10 =	sld [smem:$0x3FB4];
	_ =	sdelay $0x3  }
0x33: {  	p0 =	seq.s32 s10, $0x1;
	s10 =	sld [smem:$0x3FB6];
	_ =	sdelay $0x3  }
0x34: {  	[smem:$0x3FB6] =	sst s10  }
0x35: {  	s10 =	sld [smem:$0x3FB5];
	_ =	sdelay $0x3  }
0x36: {  	p1 =	seq.s32 s10, $0x1;
	s10 =	sld [smem:$0x3FB6];
	_ =	sdelay $0x3  }
0x37: {  	[smem:$0x3FB6] =	sst s10  }
0x38: {  	s10 =	sld [smem:$0x3FB7]  }
0x39: {  	_ = 	snop;
	(pc) =	sbr.ind lr, $3  }
0x3a: {  	_ = 	snop  }
0x3b: {  	_ = 	snop  }
0x3c: {  	p2 =	seq.s32 s10, $0x1;
	s10 =	sld [smem:$0x3FB6]  }
0x3d: {  	_ =	shalt  }
0x3e: {  	_ =	shalt  }
0x3f: {  	_ =	shalt  }
0x40: {  	_ =	shalt  }
0x41: {  	_ =	shalt  }
0x42: {  	_ =	shalt  }
0x43: {  	_ =	shalt  }
0x44: {  	_ =	shalt  }
0x45: {  	_ =	shalt  }
0x46: {  	_ =	shalt  }
0x47: {  	_ =	shalt  }
0x48: {  	_ =	shalt  }
0x49: {  	_ =	shalt  }
0x4a: {  	_ =	shalt  }
0x4b: {  	_ =	shalt  }
0x4c: {  	_ =	shalt  }
0x4d: {  	_ =	shalt  }
0x4e: {  	_ =	shalt  }
0x4f: {  	_ =	shalt  }
0x50: {  	_ =	shalt  }
0x51: {  	_ =	shalt  }
0x52: {  	_ =	shalt  }
0x53: {  	_ =	shalt  }
0x54: {  	_ =	shalt  }
0x55: {  	_ =	shalt  }
0x56: {  	_ =	shalt  }
0x57: {  	_ =	shalt  }
0x58: {  	_ =	shalt  }
0x59: {  	_ =	shalt  }
0x5a: {  	_ =	shalt  }
0x5b: {  	_ =	shalt  }
0x5c: {  	_ =	shalt  }
0x5d: {  	_ =	shalt  }
0x5e: {  	_ =	shalt  }
0x5f: {  	_ =	shalt  }
0x60: {  	_ =	shalt  }
0x61: {  	_ =	shalt  }
0x62: {  	_ =	shalt  }
0x63: {  	_ =	shalt  }
0x64: {  	_ =	shalt  }
0x65: {  	_ =	shalt  }
0x66: {  	_ =	shalt  }
0x67: {  	_ =	shalt  }
0x68: {  	_ =	shalt  }
0x69: {  	_ =	shalt  }
0x6a: {  	_ =	shalt  }
0x6b: {  	_ =	shalt  }
0x6c: {  	_ =	shalt  }
0x6d: {  	_ =	shalt  }
0x6e: {  	_ =	shalt  }
0x6f: {  	_ =	shalt  }
0x70: {  	_ =	shalt  }
0x71: {  	_ =	shalt  }
0x72: {  	_ =	shalt  }
0x73: {  	_ =	shalt  }
0x74: {  	_ =	shalt  }
0x75: {  	_ =	shalt  }
0x76: {  	_ =	shalt  }
0x77: {  	_ =	shalt  }
0x78: {  	_ =	shalt  }
0x79: {  	_ =	shalt  }
0x7a: {  	_ =	shalt  }
0x7b: {  	_ =	shalt  }
0x7c: {  	_ =	shalt  }
0x7d: {  	_ =	shalt  }
0x7e: {  	_ =	shalt  }
0x7f: {  	_ =	shalt  }
0x80: {  	_ =	shalt  }
0x81: {  	_ =	shalt  }
0x82: {  	_ =	shalt  }
0x83: {  	_ =	shalt  }
0x84: {  	_ =	shalt  }
0x85: {  	_ =	shalt  }
0x86: {  	_ =	shalt  }
0x87: {  	_ =	shalt  }
.Lfunc_end0:
.L_simem_size_0:
called_computation_lowered:
.L_overlay_start_0:
0x88: {  	s2 =	sld [smem:$0x3FD9]  }
0x89: {  	s3 =	sld [smem:$0x3FFE];
	_ =	sdelay $0x1  }
0x8a: {  	s1 =	srdreg.scid  }
0x8b: {  	s0 =	sand.u32 $0x1, s1  }
0x8c: {  	s16 =	sshll.u32 s0, $0xA;
	s2 =	sadd.s32 s3, s2  }
0x8d: {  	s2 =	sadd.s32 s2, s16  }
0x8e: {  	[smem:$0x3FC2] =	sst s2  }
0x8f: {  	_ = 	snop  }
0x90: {  	(tm) =	ssettm $0x1  }
0x91: {  	s17 =	sld [smem:$0x3FFB];
	_ =	sdelay $0x3  }
0x92: {  	_ =	strace s17  }
0x93: {  	s2 =	sld [smem:$0x3FFC];
	_ =	sdelay $0x3  }
0x94: {  	_ =	strace s2  }
0x95: {  	s2 =	sld [smem:$0x3FFD];
	_ =	sdelay $0x3  }
0x96: {  	_ =	strace s2  }
0x97: {  	_ =	strace $0x8FFFFFFF  }
0x98: {  	s18 =	sld [smem:$0x3FDB];
	_ =	sdelay $0x1  }
0x99: {  	s19 =	simm.s32 $_scs_section_size  }
0x9a: {  	s4 =	simm.s32 $_size__tile_overlayer_lowered;
	s5 =	simm.s32 $_tile_overlayer_lowered  }
0x9b: {  	s22 =	simm.s32 $0x1BFF;
	s21 =	sshll.u32 s5, $0x1;
	s2 =	sadd.s32 s19, s18  }
0x9c: {  	s6 =	simm.s32 $0x0;
	s20 =	sshll.u32 s4, $0x1;
	s4 =	sadd.s32 s21, s2  }
0x9d: {  	[timem:s6], [sflag:s22] =	dma.local [hbm:s4], s20  }
0x9e: {  	_ =	swait.ge [sflag:s22], s20  }
0x9f: {  	s3 =	ssub.s32 $0x0, s20;
	[sflag:s22] =	ssyncset.done $0x0  }
0xa0: {  	[sflag:s22] =	ssyncadd.s32 s3;
	_ =	sdelay $0x1  }
0xa1: {  	s23 =	simm.s32 $0x1B8B  }
0xa2: {  	_ =	swait.ge [sflag:s23], $0x1  }
0xa3: {  	[sflag:s23] =	ssyncset.done $0x0  }
0xa4: {  	s25 =	simm.s32 $0x1B8E;
	s24 =	sld [smem:$0x3FFE];
	[sflag:s23] =	ssyncadd.s32 $0xFFFFFFFF  }
0xa5: {  	s26 =	simm.s32 $execute0_lowered;
	[smem:$0x3FD2] =	sst s25  }
0xa6: {  	s4 =	sshll.u32 s26, $0x1;
	_ =	strace $0x80000046;
	[dreg:$0x1] =	wrdreg $0xFFFFFFFF  }
0xa7: {  	s28 =	simm.s32 $_size_execute0_lowered;
	s2 =	sadd.s32 s2, s4;
	[dreg:$0x0] =	wrdreg $0x0  }
0xa8: {  	s4 =	sshll.u32 s28, $0x1;
	[dreg:$0x2] =	wrdreg s2  }
0xa9: {  	[dreg:$0x3] =	wrdreg s4  }
0xaa: {  	[dreg:$0x4] =	wrdreg $0xC0  }
0xab: {  	_ =	task [dreg:s6], $0x5FFFF  }
0xac: {  	[dreg:$0x1] =	wrdreg $0xFFFFFFFF  }
0xad: {  	[dreg:$0x0] =	wrdreg $0x60  }
0xae: {  	[dreg:$0x2] =	wrdreg s24  }
0xaf: {  	[dreg:$0x3] =	wrdreg $0x9  }
0xb0: {  	_ =	task.clear_ibuf [dreg:s6], $0x4FFFF;
	_ =	strace $0x90000046  }
0xb1: {  	s29 =	simm.s32 $0x9;
	_ =	strace $0x80000048  }
0xb2: {  	_ =	swait.ge [sflag:s29], $0x1  }
0xb3: {  	[sflag:s29] =	ssyncadd.s32 $0xFFFFFFFF  }
0xb4: {  	_ =	strace $0x90000048  }
0xb5: {  	_ =	sfence  }
0xb6: {  	s30 =	sld [smem:$0x0];
	_ =	sdelay $0x2  }
0xb7: {  	s31 =	sshll.u32 s1, $0xD;
	s1 =	sshrl.u32 s1, $0x2  }
0xb8: {  	s3 =	sand.u32 $0x4000, s31;
	s1 =	sadd.s32 s1, s30  }
0xb9: {  	s0 =	sor.u32 s3, s0;
	s1 =	sshll.u32 s1, $0x11  }
0xba: {  	s0 =	sor.u32 s1, s0  }
0xbb: {  	s0 =	sadd.s32 $0x8F2B, s0  }
0xbc: {  	[sflag:s0] =	ssyncadd.remote.s32 $0x1  }
0xbd: {  	_ =	sfence.sel $0xFFFF  }
0xbe: {  	[dreg:$0x0] =	wrdreg $0xFFFFFFFF;
	(pc) =	sbr.abs _section_cstart, $3  }
0xbf: {  	[dreg:$0x1] =	wrdreg $0xFFFFFFFF  }
0xc0: {  	_ =	task.clear_ibuf [dreg:s6], $0x2FFFF;
	_ =	strace $0x9FFFFFFF  }
0xc1: {  	(tm) =	ssettm $0x7FFFFFFF  }
tec
execute0_lowered:
.L_overlay_start_1:
0x0: {  	(tag) =	ssettag $0x1  }
0x1: {  	s7 =	rddreg [dreg:$0x0]  }
0x2: {  	s0 =	rddreg [dreg:$0x1]  }
0x3: {  	s3 =	srdreg.scid;
	s2 =	simm.s32 $0x0;
	s1 =	stileid.u32  }
0x4: {  	s14 =	simm.s32 $0x0;
	s10 =	sand.u32 $0x1, s3;
	[smem:$0x7FF] =	sst s2  }
0x5: {  	s31 =	sshll.u32 s1, $0xA;
	s5 =	sadd.s32 $0x82000, s7;
	s12 =	sshll.u32 s1, $0x10  }
0x6: {  	s4 =	sshll.u32 s10, $0x9;
	_ =	strace $0x80000047;
	s8 =	ssub.s32 $0x2, s10  }
0x7: {  	s13 =	sshll.u32 s10, $0xF;
	s3 =	sor.u32 s4, s31;
	s4 =	sadd.s32 $0x2000, s7  }
0x8: {  	s9 =	sshrl.u32 s8, $0x1;
	s12 =	sor.u32 s13, s12;
	s13 =	simm.s32 $0x2  }
0x9: {  	s6 =	sshrl.u32 s3, $0x3;
	s11 =	ssub.s32 s8, s9;
	s12 =	sadd.s32 $0xFFFFF400, s12  }
0xa: {  	v0 =	vimm.s32 $0x0;
	vm0 =	vcmask $0x300;
	s6 =	sadd.s32 s7, s6;
	s7 =	sadd.s32 $0xA2000, s7;
	s11 =	smax.u32 s11, $0x1  }
0xb: {  	v1 =	vsel vm0, $0x200000, v0;
	s8 =	sadd.s32 $0x1800, s6;
	s9 =	sadd.s32 $0x1000, s6;
	s10 =	sadd.s32 $0x800, s6  }
.LBB2_1:
0xc: {  	[tilespmem:s2], [sflag:$0x2] =	stream.linear.gather [hbm4b:s8+s2], $0x200, $0x38;
	[tilespmem:$0x2400] =	vst v63  }
0xd: {  	_ =	swait.ge [sflag:s13], $0x200  }
0xe: {  	[sflag:s13] =	ssyncset.done $0x0  }
0xf: {  	s15 =	simm.s32 $0x200;
	[sflag:s13] =	ssyncadd.s32 $0xFFFFFE00  }
0x10: {  	[tilespmem:s15], [sflag:$0x2] =	stream.linear.gather [hbm4b:s6+s2], $0x200, $0x38;
	[tilespmem:$0x2400] =	vst v63  }
0x11: {  	_ =	swait.ge [sflag:s13], $0x200  }
0x12: {  	s16 =	simm.s32 $0x0;
	s17 =	smov.u32 s3;
	[sflag:s13] =	ssyncset.done $0x0  }
0x13: {  	s18 =	smov.u32 s12;
	s19 =	simm.s32 $0x0;
	[sflag:s13] =	ssyncadd.s32 $0xFFFFFE00  }
.LBB2_2:
0x14: {  	v2 =	vld [tilespmem:s15+$0x0]  }
0x15: {  	v3 =	vld [tilespmem:s16+$0x0];
	_ =	sdelay $0x3  }
0x16: {  	v4 =	vtrunc.f32 v2  }
0x17: {  	v6 =	vtrunc.f32 v3;
	v5 =	vcvt.f32.s32 v4;
	vm0 =	vlt.f32 v2, v4  }
0x18: {  	v41 =	vmov s17;
	v10 =	vcvt.f32.s32 v6;
	v2 =	vsel vm0, $0xFFFFFFFF, v0  }
0x19: {  	v3 =	vadd.s32 v5, v2;
	v2 =	vshrl.u32 v41, $0xB  }
0x1a: {  	v43 =	vadd.s32 $0xFFFFFFFD, v10;
	v6 =	vadd.s32 $0xFFFFFFFE, v10;
	v45 =	vadd.s32 $0xFFFFFFFF, v10  }
0x1b: {  	vm4 =	vgt.s32 v10, $0x0;
	v8 =	vadd.s32 $0x1, v10;
	v14 =	vadd.s32 $0x2, v10  }
0x1c: {  	v47 =	vadd.s32 $0x3, v10;
	v50 =	vadd.s32 $0x4, v10;
	v42 =	vadd.s32 $0xFFFFFFFD, v3  }
0x1d: {  	v2 =	vshll.u32 v2, $0x12;
	vm13 =	vgt.s32 v43, $0x0;
	vm14 =	vgt.s32 v6, $0x0  }
0x1e: {  	vm15 =	vgt.s32 v45, $0x0;
	v7 =	vnsel vm4, $0x0, v10;
	vm5 =	vgt.s32 v8, $0x0  }
0x1f: {  	vm6 =	vgt.s32 v14, $0x0;
	vm7 =	vgt.s32 v47, $0x0;
	vm12 =	vgt.s32 v42, $0x0  }
0x20: {  	v59 =	vadd.s32 $0xFFFFFFFF, v3;
	v2 =	vbroadcast v2, $0x0;
	v4 =	vnsel vm12, $0x0, v42  }
0x21: {  	v5 =	vnsel vm13, $0x0, v43;
	v44 =	vnsel vm14, $0x0, v6;
	v4 =	vmin.u32 v4, $0x1FF  }
0x22: {  	v6 =	vnsel vm15, $0x0, v45;
	v7 =	vmin.u32 v7, $0x1FF;
	v4 =	vshll.u32 v4, $0x9  }
0x23: {  	s20 =	sand.u32 $0x3, s19;
	v8 =	vnsel vm5, $0x0, v8;
	v5 =	vmin.u32 v5, $0x1FF;
	v12 =	vor.u32 v2, v4  }
0x24: {  	s21 =	sshll.u32 s20, $0xA;
	v46 =	vnsel vm6, $0x0, v14;
	v4 =	vmin.u32 v44, $0x1FF;
	v9 =	vor.u32 v5, v12  }
0x25: {  	vm10 =	vgt.s32 v59, $0x0;
	v6 =	vmin.u32 v6, $0x1FF;
	v11 =	vor.u32 v4, v12;
	[tilespmem:s21+$0x400] =	vst v9  }
0x26: {  	v49 =	vnsel vm7, $0x0, v47;
	v14 =	vnsel vm10, $0x0, v59;
	v13 =	vor.u32 v6, v12;
	[tilespmem:s21+$0x410] =	vst v11  }
0x27: {  	v8 =	vmin.u32 v8, $0x1FF;
	v14 =	vmin.u32 v14, $0x1FF;
	v15 =	vor.u32 v7, v12;
	[tilespmem:s21+$0x420] =	vst v13  }
0x28: {  	v10 =	vmin.u32 v49, $0x1FF;
	v14 =	vshll.u32 v14, $0x9;
	v16 =	vor.u32 v8, v12;
	[tilespmem:s21+$0x430] =	vst v15  }
0x29: {  	v17 =	vor.u32 v2, v14;
	v54 =	vor.u32 v10, v12;
	[tilespmem:s21+$0x440] =	vst v16  }
0x2a: {  	v18 =	vor.u32 v5, v17;
	[tilespmem:s21+$0x460] =	vst v54  }
0x2b: {  	v19 =	vor.u32 v4, v17;
	[tilespmem:s21+$0x500] =	vst v18  }
0x2c: {  	v20 =	vor.u32 v6, v17;
	[tilespmem:s21+$0x510] =	vst v19  }
0x2d: {  	vm11 =	vgt.s32 v3, $0x0;
	v21 =	vor.u32 v7, v17;
	[tilespmem:s21+$0x520] =	vst v20  }
0x2e: {  	v23 =	vnsel vm11, $0x0, v3;
	v22 =	vor.u32 v8, v17;
	[tilespmem:s21+$0x530] =	vst v21  }
0x2f: {  	v14 =	vmin.u32 v23, $0x1FF;
	v25 =	vor.u32 v10, v17;
	v9 =	vmin.u32 v46, $0x1FF;
	[tilespmem:s21+$0x540] =	vst v22  }
0x30: {  	v14 =	vshll.u32 v14, $0x9;
	[tilespmem:s21+$0x560] =	vst v25;
	v51 =	vor.u32 v9, v12  }
0x31: {  	v27 =	vor.u32 v2, v14;
	v24 =	vor.u32 v9, v17;
	[tilespmem:s21+$0x450] =	vst v51  }
0x32: {  	v28 =	vor.u32 v5, v27;
	[tilespmem:s21+$0x550] =	vst v24  }
0x33: {  	v29 =	vor.u32 v4, v27;
	[tilespmem:s21+$0x580] =	vst v28  }
0x34: {  	v30 =	vor.u32 v6, v27;
	[tilespmem:s21+$0x590] =	vst v29  }
0x35: {  	v48 =	vadd.s32 $0xFFFFFFFE, v3;
	v32 =	vor.u32 v7, v27;
	[tilespmem:s21+$0x5A0] =	vst v30  }
0x36: {  	vm9 =	vgt.s32 v50, $0x0;
	vm8 =	vgt.s32 v48, $0x0;
	v33 =	vor.u32 v8, v27;
	[tilespmem:s21+$0x5B0] =	vst v32  }
0x37: {  	v52 =	vnsel vm9, $0x0, v50;
	v11 =	vnsel vm8, $0x0, v48;
	v34 =	vor.u32 v9, v27;
	[tilespmem:s21+$0x5C0] =	vst v33  }
0x38: {  	v53 =	vmin.u32 v11, $0x1FF;
	v11 =	vmin.u32 v52, $0x1FF;
	v35 =	vor.u32 v10, v27;
	[tilespmem:s21+$0x5D0] =	vst v34  }
0x39: {  	v12 =	vor.u32 v11, v12;
	[tilespmem:s21+$0x5E0] =	vst v35  }
0x3a: {  	v55 =	vshll.u32 v53, $0x9;
	v26 =	vor.u32 v11, v17;
	[tilespmem:s21+$0x470] =	vst v12  }
0x3b: {  	v36 =	vor.u32 v11, v27;
	v13 =	vor.u32 v2, v55;
	[tilespmem:s21+$0x570] =	vst v26  }
0x3c: {  	[tilespmem:s21+$0x5F0] =	vst v36;
	v56 =	vor.u32 v5, v13  }
0x3d: {  	v57 =	vor.u32 v4, v13;
	[tilespmem:s21+$0x480] =	vst v56  }
0x3e: {  	v31 =	vadd.s32 $0x1, v3;
	v58 =	vor.u32 v6, v13;
	[tilespmem:s21+$0x490] =	vst v57  }
0x3f: {  	vm12 =	vgt.s32 v31, $0x0;
	v60 =	vor.u32 v7, v13;
	[tilespmem:s21+$0x4A0] =	vst v58  }
0x40: {  	v14 =	vnsel vm12, $0x0, v31;
	v61 =	vor.u32 v8, v13;
	[tilespmem:s21+$0x4B0] =	vst v60  }
0x41: {  	v14 =	vmin.u32 v14, $0x1FF;
	v62 =	vor.u32 v9, v13;
	[tilespmem:s21+$0x4C0] =	vst v61  }
0x42: {  	v14 =	vshll.u32 v14, $0x9;
	v63 =	vor.u32 v10, v13;
	[tilespmem:s21+$0x4D0] =	vst v62  }
0x43: {  	v37 =	vor.u32 v2, v14;
	v16 =	vor.u32 v11, v13;
	[tilespmem:s21+$0x4E0] =	vst v63  }
0x44: {  	v38 =	vor.u32 v5, v37;
	[tilespmem:s21+$0x4F0] =	vst v16  }
0x45: {  	v39 =	vor.u32 v4, v37;
	[tilespmem:s21+$0x600] =	vst v38  }
0x46: {  	v41 =	vadd.s32 $0x2, v3;
	v40 =	vor.u32 v6, v37;
	[tilespmem:s21+$0x610] =	vst v39  }
0x47: {  	vm13 =	vgt.s32 v41, $0x0;
	v42 =	vor.u32 v7, v37;
	[tilespmem:s21+$0x620] =	vst v40  }
0x48: {  	v14 =	vnsel vm13, $0x0, v41;
	v43 =	vor.u32 v8, v37;
	[tilespmem:s21+$0x630] =	vst v42  }
0x49: {  	v44 =	vor.u32 v9, v37;
	v14 =	vmin.u32 v14, $0x1FF;
	[tilespmem:s21+$0x640] =	vst v43  }
0x4a: {  	v45 =	vor.u32 v10, v37;
	[tilespmem:s21+$0x650] =	vst v44;
	v14 =	vshll.u32 v14, $0x9  }
0x4b: {  	v46 =	vor.u32 v11, v37;
	[tilespmem:s21+$0x660] =	vst v45;
	v47 =	vor.u32 v2, v14  }
0x4c: {  	[tilespmem:s21+$0x670] =	vst v46;
	v48 =	vor.u32 v5, v47  }
0x4d: {  	v49 =	vor.u32 v4, v47;
	[tilespmem:s21+$0x680] =	vst v48  }
0x4e: {  	v51 =	vadd.s32 $0x3, v3;
	v50 =	vor.u32 v6, v47;
	[tilespmem:s21+$0x690] =	vst v49  }
0x4f: {  	vm14 =	vgt.s32 v51, $0x0;
	v52 =	vor.u32 v7, v47;
	[tilespmem:s21+$0x6A0] =	vst v50  }
0x50: {  	v53 =	vnsel vm14, $0x0, v51;
	v54 =	vor.u32 v8, v47;
	[tilespmem:s21+$0x6B0] =	vst v52  }
0x51: {  	v12 =	vmin.u32 v53, $0x1FF;
	v55 =	vor.u32 v9, v47;
	[tilespmem:s21+$0x6C0] =	vst v54  }
0x52: {  	v12 =	vshll.u32 v12, $0x9;
	v56 =	vor.u32 v10, v47;
	[tilespmem:s21+$0x6D0] =	vst v55  }
0x53: {  	v13 =	vor.u32 v11, v47;
	v12 =	vor.u32 v2, v12;
	[tilespmem:s21+$0x6E0] =	vst v56  }
0x54: {  	[tilespmem:s21+$0x6F0] =	vst v13;
	v57 =	vor.u32 v5, v12  }
0x55: {  	v58 =	vor.u32 v4, v12;
	[tilespmem:s21+$0x700] =	vst v57  }
0x56: {  	v3 =	vadd.s32 $0x4, v3;
	v59 =	vor.u32 v6, v12;
	[tilespmem:s21+$0x710] =	vst v58  }
0x57: {  	vm15 =	vgt.s32 v3, $0x0;
	v60 =	vor.u32 v7, v12;
	[tilespmem:s21+$0x720] =	vst v59  }
0x58: {  	v3 =	vnsel vm15, $0x0, v3;
	v61 =	vor.u32 v8, v12;
	[tilespmem:s21+$0x730] =	vst v60  }
0x59: {  	v3 =	vmin.u32 v3, $0x1FF;
	v62 =	vor.u32 v9, v12;
	[tilespmem:s21+$0x740] =	vst v61  }
0x5a: {  	v3 =	vshll.u32 v3, $0x9;
	v63 =	vor.u32 v10, v12;
	[tilespmem:s21+$0x750] =	vst v62  }
0x5b: {  	v2 =	vor.u32 v2, v3;
	v12 =	vor.u32 v11, v12;
	[tilespmem:s21+$0x760] =	vst v63  }
0x5c: {  	v3 =	vor.u32 v5, v2;
	[tilespmem:s21+$0x770] =	vst v12  }
0x5d: {  	[tilespmem:s21+$0x780] =	vst v3;
	v3 =	vor.u32 v4, v2  }
0x5e: {  	[tilespmem:s21+$0x790] =	vst v3;
	v3 =	vor.u32 v6, v2  }
0x5f: {  	[tilespmem:s21+$0x7A0] =	vst v3;
	v3 =	vor.u32 v7, v2  }
0x60: {  	[tilespmem:s21+$0x7B0] =	vst v3;
	v3 =	vor.u32 v8, v2  }
0x61: {  	[tilespmem:s21+$0x7C0] =	vst v3;
	v3 =	vor.u32 v9, v2  }
0x62: {  	[tilespmem:s21+$0x7D0] =	vst v3;
	v3 =	vor.u32 v10, v2  }
0x63: {  	p0 =	sne.s32 s20, $0x3;
	v2 =	vor.u32 v11, v2;
	[tilespmem:s21+$0x7E0] =	vst v3  }
0x64: {  	s20 =	simm.s32 @!p0 $0x1000;
	s22 =	simm.s32 @!p0 $0x1400;
	[tilespmem:s21+$0x7F0] =	vst v2;
	s21 =	simm.s32 @!p0 $0x400  }
0x65: {  	[tilespmem:s22], [sflag:$0x1] =	stream.indirect.gather @!p0 [hbm4b:s4+s20], $0x1, s21, s20, $0xb8;
	[tilespmem:$0x2400] =	vst v63  }
0x66: {  	s20 =	simm.s32 @!p0 $0x1  }
0x67: {  	_ =	swait.ge @!p0 [sflag:s20], $0x1000  }
0x68: {  	s21 =	sshrl.u32 @!p0 s18, $0x3;
	[sflag:s20] =	ssyncset.done @!p0 $0x0  }
0x69: {  	[sflag:s20] =	ssyncadd.s32 @!p0 $0xFFFFF000;
	s20 =	sadd.s32 @!p0 s5, s21;
	s21 =	simm.s32 @!p0 $0x0  }
0x6a: {  	[hbm4b:s20+s21] =	stream.linear.scatter @!p0 [tilespmem:s22], [sflag:$0x2], $0x1000, $0x38;
	[tilespmem:$0x2400] =	vst v63  }
0x6b: {  	s20 =	simm.s32 @!p0 $0x2  }
0x6c: {  	_ =	swait.ge @!p0 [sflag:s20], $0x1000  }
0x6d: {  	s19 =	sadd.s32 $0x1, s19;
	[sflag:s20] =	ssyncset.done @!p0 $0x0  }
0x6e: {  	[sflag:s20] =	ssyncadd.s32 @!p0 $0xFFFFF000;
	p0 =	sne.s32 s19, $0x20  }
.Ltmp0:
0x6f: {  	_ = 	snop;
	(pc) =	sbr.rel @p0 .LBB2_2-.Ltmp0, $3  }
0x70: {  	_ =	sdelay $0x1  }
0x71: {  	s17 =	sadd.s32 $0x10, s17  }
0x72: {  	s16 =	sadd.s32 $0x10, s16;
	s15 =	sadd.s32 $0x10, s15;
	s18 =	sadd.s32 $0x400, s18  }
0x73: {  	s15 =	simm.s32 $0x0  }
0x74: {  	[tilespmem:s15], [sflag:$0x2] =	stream.linear.gather [hbm4b:s9+s15], $0x200, $0x38;
	[tilespmem:$0x2400] =	vst v63  }
0x75: {  	_ =	swait.ge [sflag:s13], $0x200  }
0x76: {  	[sflag:s13] =	ssyncset.done $0x0  }
0x77: {  	s16 =	simm.s32 $0x200;
	[sflag:s13] =	ssyncadd.s32 $0xFFFFFE00  }
0x78: {  	[tilespmem:s16], [sflag:$0x2] =	stream.linear.gather [hbm4b:s10+s15], $0x200, $0x38;
	[tilespmem:$0x2400] =	vst v63  }
0x79: {  	_ =	swait.ge [sflag:s13], $0x200  }
0x7a: {  	s17 =	smov.u32 s3;
	[sflag:s13] =	ssyncset.done $0x0  }
0x7b: {  	s18 =	smov.u32 s12;
	s19 =	simm.s32 $0x0;
	[sflag:s13] =	ssyncadd.s32 $0xFFFFFE00  }
.LBB2_4:
0x7c: {  	v2 =	vld [tilespmem:s16+$0x0]  }
0x7d: {  	v3 =	vld [tilespmem:s15+$0x0];
	_ =	sdelay $0x4  }
0x7e: {  	v4 =	vtrunc.f32 v2;
	v6 =	vtrunc.f32 v3  }
0x7f: {  	v5 =	vcvt.f32.s32 v4;
	vm0 =	vlt.f32 v2, v4;
	v2 =	vmov s17  }
0x80: {  	v10 =	vcvt.f32.s32 v6;
	v4 =	vsel vm0, $0xFFFFFFFF, v0;
	v2 =	vshrl.u32 v2, $0xB  }
0x81: {  	v3 =	vadd.s32 v5, v4;
	v2 =	vshll.u32 v2, $0x12  }
0x82: {  	v43 =	vadd.s32 $0xFFFFFFFD, v10;
	v6 =	vadd.s32 $0xFFFFFFFE, v10;
	v45 =	vadd.s32 $0xFFFFFFFF, v10  }
0x83: {  	vm4 =	vgt.s32 v10, $0x0;
	v8 =	vadd.s32 $0x1, v10;
	v14 =	vadd.s32 $0x2, v10  }
0x84: {  	v47 =	vadd.s32 $0x3, v10;
	v50 =	vadd.s32 $0x4, v10;
	v4 =	vadd.s32 $0xFFFFFFFD, v3  }
0x85: {  	v2 =	vadd.s32 v1, v2;
	vm13 =	vgt.s32 v43, $0x0;
	vm14 =	vgt.s32 v6, $0x0  }
0x86: {  	vm15 =	vgt.s32 v45, $0x0;
	v7 =	vnsel vm4, $0x0, v10;
	vm5 =	vgt.s32 v8, $0x0  }
0x87: {  	vm6 =	vgt.s32 v14, $0x0;
	vm7 =	vgt.s32 v47, $0x0;
	vm12 =	vgt.s32 v4, $0x0  }
0x88: {  	v59 =	vadd.s32 $0xFFFFFFFF, v3;
	v2 =	vbroadcast v2, $0x0;
	v4 =	vnsel vm12, $0x0, v4  }
0x89: {  	v5 =	vnsel vm13, $0x0, v43;
	v44 =	vnsel vm14, $0x0, v6;
	v4 =	vmin.u32 v4, $0x1FF  }
0x8a: {  	v6 =	vnsel vm15, $0x0, v45;
	v7 =	vmin.u32 v7, $0x1FF;
	v4 =	vshll.u32 v4, $0x9  }
0x8b: {  	s20 =	sand.u32 $0x3, s19;
	v8 =	vnsel vm5, $0x0, v8;
	v5 =	vmin.u32 v5, $0x1FF;
	v12 =	vor.u32 v2, v4  }
0x8c: {  	s21 =	sshll.u32 s20, $0xA;
	v46 =	vnsel vm6, $0x0, v14;
	v4 =	vmin.u32 v44, $0x1FF;
	v9 =	vor.u32 v5, v12  }
0x8d: {  	vm10 =	vgt.s32 v59, $0x0;
	v6 =	vmin.u32 v6, $0x1FF;
	v11 =	vor.u32 v4, v12;
	[tilespmem:s21+$0x400] =	vst v9  }
0x8e: {  	v49 =	vnsel vm7, $0x0, v47;
	v14 =	vnsel vm10, $0x0, v59;
	v13 =	vor.u32 v6, v12;
	[tilespmem:s21+$0x410] =	vst v11  }
0x8f: {  	v8 =	vmin.u32 v8, $0x1FF;
	v14 =	vmin.u32 v14, $0x1FF;
	v15 =	vor.u32 v7, v12;
	[tilespmem:s21+$0x420] =	vst v13  }
0x90: {  	v10 =	vmin.u32 v49, $0x1FF;
	v14 =	vshll.u32 v14, $0x9;
	v16 =	vor.u32 v8, v12;
	[tilespmem:s21+$0x430] =	vst v15  }
0x91: {  	v17 =	vor.u32 v2, v14;
	v54 =	vor.u32 v10, v12;
	[tilespmem:s21+$0x440] =	vst v16  }
0x92: {  	v18 =	vor.u32 v5, v17;
	[tilespmem:s21+$0x460] =	vst v54  }
0x93: {  	v19 =	vor.u32 v4, v17;
	[tilespmem:s21+$0x500] =	vst v18  }
0x94: {  	v20 =	vor.u32 v6, v17;
	[tilespmem:s21+$0x510] =	vst v19  }
0x95: {  	vm11 =	vgt.s32 v3, $0x0;
	v21 =	vor.u32 v7, v17;
	[tilespmem:s21+$0x520] =	vst v20  }
0x96: {  	v23 =	vnsel vm11, $0x0, v3;
	v22 =	vor.u32 v8, v17;
	[tilespmem:s21+$0x530] =	vst v21  }
0x97: {  	v14 =	vmin.u32 v23, $0x1FF;
	v25 =	vor.u32 v10, v17;
	v9 =	vmin.u32 v46, $0x1FF;
	[tilespmem:s21+$0x540] =	vst v22  }
0x98: {  	v14 =	vshll.u32 v14, $0x9;
	[tilespmem:s21+$0x560] =	vst v25;
	v51 =	vor.u32 v9, v12  }
0x99: {  	v27 =	vor.u32 v2, v14;
	v24 =	vor.u32 v9, v17;
	[tilespmem:s21+$0x450] =	vst v51  }
0x9a: {  	v28 =	vor.u32 v5, v27;
	[tilespmem:s21+$0x550] =	vst v24  }
0x9b: {  	v29 =	vor.u32 v4, v27;
	[tilespmem:s21+$0x580] =	vst v28  }
0x9c: {  	v30 =	vor.u32 v6, v27;
	[tilespmem:s21+$0x590] =	vst v29  }
0x9d: {  	v48 =	vadd.s32 $0xFFFFFFFE, v3;
	v32 =	vor.u32 v7, v27;
	[tilespmem:s21+$0x5A0] =	vst v30  }
0x9e: {  	vm9 =	vgt.s32 v50, $0x0;
	vm8 =	vgt.s32 v48, $0x0;
	v33 =	vor.u32 v8, v27;
	[tilespmem:s21+$0x5B0] =	vst v32  }
0x9f: {  	v52 =	vnsel vm9, $0x0, v50;
	v11 =	vnsel vm8, $0x0, v48;
	v34 =	vor.u32 v9, v27;
	[tilespmem:s21+$0x5C0] =	vst v33  }
0xa0: {  	v53 =	vmin.u32 v11, $0x1FF;
	v11 =	vmin.u32 v52, $0x1FF;
	v35 =	vor.u32 v10, v27;
	[tilespmem:s21+$0x5D0] =	vst v34  }
0xa1: {  	v12 =	vor.u32 v11, v12;
	[tilespmem:s21+$0x5E0] =	vst v35  }
0xa2: {  	v55 =	vshll.u32 v53, $0x9;
	v26 =	vor.u32 v11, v17;
	[tilespmem:s21+$0x470] =	vst v12  }
0xa3: {  	v36 =	vor.u32 v11, v27;
	v13 =	vor.u32 v2, v55;
	[tilespmem:s21+$0x570] =	vst v26  }
0xa4: {  	[tilespmem:s21+$0x5F0] =	vst v36;
	v56 =	vor.u32 v5, v13  }
0xa5: {  	v57 =	vor.u32 v4, v13;
	[tilespmem:s21+$0x480] =	vst v56  }
0xa6: {  	v31 =	vadd.s32 $0x1, v3;
	v58 =	vor.u32 v6, v13;
	[tilespmem:s21+$0x490] =	vst v57  }
0xa7: {  	vm12 =	vgt.s32 v31, $0x0;
	v60 =	vor.u32 v7, v13;
	[tilespmem:s21+$0x4A0] =	vst v58  }
0xa8: {  	v14 =	vnsel vm12, $0x0, v31;
	v61 =	vor.u32 v8, v13;
	[tilespmem:s21+$0x4B0] =	vst v60  }
0xa9: {  	v14 =	vmin.u32 v14, $0x1FF;
	v62 =	vor.u32 v9, v13;
	[tilespmem:s21+$0x4C0] =	vst v61  }
0xaa: {  	v14 =	vshll.u32 v14, $0x9;
	v63 =	vor.u32 v10, v13;
	[tilespmem:s21+$0x4D0] =	vst v62  }
0xab: {  	v37 =	vor.u32 v2, v14;
	v16 =	vor.u32 v11, v13;
	[tilespmem:s21+$0x4E0] =	vst v63  }
0xac: {  	v38 =	vor.u32 v5, v37;
	[tilespmem:s21+$0x4F0] =	vst v16  }
0xad: {  	v39 =	vor.u32 v4, v37;
	[tilespmem:s21+$0x600] =	vst v38  }
0xae: {  	v41 =	vadd.s32 $0x2, v3;
	v40 =	vor.u32 v6, v37;
	[tilespmem:s21+$0x610] =	vst v39  }
0xaf: {  	vm13 =	vgt.s32 v41, $0x0;
	v42 =	vor.u32 v7, v37;
	[tilespmem:s21+$0x620] =	vst v40  }
0xb0: {  	v14 =	vnsel vm13, $0x0, v41;
	v43 =	vor.u32 v8, v37;
	[tilespmem:s21+$0x630] =	vst v42  }
0xb1: {  	v44 =	vor.u32 v9, v37;
	v14 =	vmin.u32 v14, $0x1FF;
	[tilespmem:s21+$0x640] =	vst v43  }
0xb2: {  	v45 =	vor.u32 v10, v37;
	[tilespmem:s21+$0x650] =	vst v44;
	v14 =	vshll.u32 v14, $0x9  }
0xb3: {  	v46 =	vor.u32 v11, v37;
	[tilespmem:s21+$0x660] =	vst v45;
	v47 =	vor.u32 v2, v14  }
0xb4: {  	[tilespmem:s21+$0x670] =	vst v46;
	v48 =	vor.u32 v5, v47  }
0xb5: {  	v49 =	vor.u32 v4, v47;
	[tilespmem:s21+$0x680] =	vst v48  }
0xb6: {  	v51 =	vadd.s32 $0x3, v3;
	v50 =	vor.u32 v6, v47;
	[tilespmem:s21+$0x690] =	vst v49  }
0xb7: {  	vm14 =	vgt.s32 v51, $0x0;
	v52 =	vor.u32 v7, v47;
	[tilespmem:s21+$0x6A0] =	vst v50  }
0xb8: {  	v53 =	vnsel vm14, $0x0, v51;
	v54 =	vor.u32 v8, v47;
	[tilespmem:s21+$0x6B0] =	vst v52  }
0xb9: {  	v12 =	vmin.u32 v53, $0x1FF;
	v55 =	vor.u32 v9, v47;
	[tilespmem:s21+$0x6C0] =	vst v54  }
0xba: {  	v12 =	vshll.u32 v12, $0x9;
	v56 =	vor.u32 v10, v47;
	[tilespmem:s21+$0x6D0] =	vst v55  }
0xbb: {  	v13 =	vor.u32 v11, v47;
	v12 =	vor.u32 v2, v12;
	[tilespmem:s21+$0x6E0] =	vst v56  }
0xbc: {  	[tilespmem:s21+$0x6F0] =	vst v13;
	v57 =	vor.u32 v5, v12  }
0xbd: {  	v58 =	vor.u32 v4, v12;
	[tilespmem:s21+$0x700] =	vst v57  }
0xbe: {  	v3 =	vadd.s32 $0x4, v3;
	v59 =	vor.u32 v6, v12;
	[tilespmem:s21+$0x710] =	vst v58  }
0xbf: {  	vm15 =	vgt.s32 v3, $0x0;
	v60 =	vor.u32 v7, v12;
	[tilespmem:s21+$0x720] =	vst v59  }
0xc0: {  	v3 =	vnsel vm15, $0x0, v3;
	v61 =	vor.u32 v8, v12;
	[tilespmem:s21+$0x730] =	vst v60  }
0xc1: {  	v3 =	vmin.u32 v3, $0x1FF;
	v62 =	vor.u32 v9, v12;
	[tilespmem:s21+$0x740] =	vst v61  }
0xc2: {  	v3 =	vshll.u32 v3, $0x9;
	v63 =	vor.u32 v10, v12;
	[tilespmem:s21+$0x750] =	vst v62  }
0xc3: {  	v2 =	vor.u32 v2, v3;
	v12 =	vor.u32 v11, v12;
	[tilespmem:s21+$0x760] =	vst v63  }
0xc4: {  	v3 =	vor.u32 v5, v2;
	[tilespmem:s21+$0x770] =	vst v12  }
0xc5: {  	[tilespmem:s21+$0x780] =	vst v3;
	v3 =	vor.u32 v4, v2  }
0xc6: {  	[tilespmem:s21+$0x790] =	vst v3;
	v3 =	vor.u32 v6, v2  }
0xc7: {  	[tilespmem:s21+$0x7A0] =	vst v3;
	v3 =	vor.u32 v7, v2  }
0xc8: {  	[tilespmem:s21+$0x7B0] =	vst v3;
	v3 =	vor.u32 v8, v2  }
0xc9: {  	[tilespmem:s21+$0x7C0] =	vst v3;
	v3 =	vor.u32 v9, v2  }
0xca: {  	[tilespmem:s21+$0x7D0] =	vst v3;
	v3 =	vor.u32 v10, v2  }
0xcb: {  	p0 =	sne.s32 s20, $0x3;
	v2 =	vor.u32 v11, v2;
	[tilespmem:s21+$0x7E0] =	vst v3  }
0xcc: {  	s20 =	simm.s32 @!p0 $0x1000;
	s22 =	simm.s32 @!p0 $0x1400;
	[tilespmem:s21+$0x7F0] =	vst v2;
	s21 =	simm.s32 @!p0 $0x400  }
0xcd: {  	[tilespmem:s22], [sflag:$0x1] =	stream.indirect.gather @!p0 [hbm4b:s4+s20], $0x1, s21, s20, $0xb8;
	[tilespmem:$0x2400] =	vst v63  }
0xce: {  	s20 =	simm.s32 @!p0 $0x1  }
0xcf: {  	_ =	swait.ge @!p0 [sflag:s20], $0x1000  }
0xd0: {  	s21 =	sshrl.u32 @!p0 s18, $0x3;
	[sflag:s20] =	ssyncset.done @!p0 $0x0  }
0xd1: {  	[sflag:s20] =	ssyncadd.s32 @!p0 $0xFFFFF000;
	s20 =	sadd.s32 @!p0 s7, s21;
	s21 =	simm.s32 @!p0 $0x0  }
0xd2: {  	[hbm4b:s20+s21] =	stream.linear.scatter @!p0 [tilespmem:s22], [sflag:$0x2], $0x1000, $0x38;
	[tilespmem:$0x2400] =	vst v63  }
0xd3: {  	s20 =	simm.s32 @!p0 $0x2  }
0xd4: {  	_ =	swait.ge @!p0 [sflag:s20], $0x1000  }
0xd5: {  	s19 =	sadd.s32 $0x1, s19;
	[sflag:s20] =	ssyncset.done @!p0 $0x0  }
0xd6: {  	[sflag:s20] =	ssyncadd.s32 @!p0 $0xFFFFF000;
	p0 =	sne.s32 s19, $0x20  }
.Ltmp1:
0xd7: {  	_ = 	snop;
	(pc) =	sbr.rel @p0 .LBB2_4-.Ltmp1, $3  }
0xd8: {  	_ =	sdelay $0x1  }
0xd9: {  	s15 =	sadd.s32 $0x10, s15  }
0xda: {  	s16 =	sadd.s32 $0x10, s16;
	s17 =	sadd.s32 $0x10, s17;
	s18 =	sadd.s32 $0x400, s18  }
0xdb: {  	s14 =	sadd.s32 $0x1, s14  }
0xdc: {  	p0 =	sne.s32 s14, s11  }
.Ltmp2:
0xdd: {  	_ = 	snop;
	(pc) =	sbr.rel @p0 .LBB2_1-.Ltmp2, $1  }
0xde: {  	_ =	sdelay $0x3  }
0xdf: {  	_ =	sfence.sel $0x180000  }
0xe0: {  	[bflag:$0x0] =	sbarrier.arrive $0xFFFF  }
0xe1: {  	p0 =	sne.s32 s1, $0x0;
	_ =	strace $0x90000047  }
0xe2: {  	s0 =	sadd.s32 @!p0 $0x100000, s0;
	[bflag:$0x2] =	sbarrier.arrive $0xFFFF  }
0xe3: {  	[sflag:s0] =	ssyncadd.tile.s32 @!p0 $0x1;
	_ =	shalt  }
.Lfunc_end2:
_tile_overlayer_lowered:
.L_overlay_start_2:
0xe4: {  	(tag) =	ssettag $0x2  }
0xe5: {  	s0 =	rddreg [dreg:$0x0];
	s2 =	stileid.u32  }
0xe6: {  	s1 =	rddreg [dreg:$0x1];
	p0 =	sne.s32 s2, $0x0  }
0xe7: {  	s3 =	rddreg [dreg:$0x2];
	[bflag:$0x3] =	sbarrier.arrive $0xFFFF;
	s2 =	simm.s32 @!p0 $0x1C02  }
0xe8: {  	[timem:s3], [sflag:s2] =	dma.local @!p0 [hbm:s0], s1  }
0xe9: {  	s0 =	simm.s32 @!p0 $0x2  }
0xea: {  	_ =	swait.ge @!p0 [sflag:s0], s1  }
0xeb: {  	s1 =	ssub.s32 @!p0 $0x0, s1;
	[sflag:s0] =	ssyncset.done @!p0 $0x0  }
0xec: {  	[sflag:s0] =	ssyncadd.s32 @!p0 s1  }
0xed: {  	[bflag:$0x3] =	sbarrier.arrive $0xFFFF  }
0xee: {  	_ =	shalt  }

</sc_bundles>
